<compile_context>
chip_gen: v7x
topology: tpu7x:2x2x1
jax: 0.10.2.dev20260603
libtpu: 0.0.44.dev20260713+nightly
codegen_flags: <defaults>
</compile_context>

<pallas_src>
import functools

import jax
import jax.numpy as jnp
from jax import lax
from jax.experimental import pallas as pl
from jax.experimental.pallas import tpu as pltpu
from jax.experimental.pallas import tpu_sc as plsc

N_SP = 1048576
B = 16384
U = 512
C = 8
D = 64
NW = 32
BT = B // NW
CH = 32
NCH = BT // CH
MEMT = N_SP // NW

_info = plsc.get_sparse_core_info()
_NC = _info.num_cores
_MESH = plsc.VectorSubcoreMesh(core_axis_name="c", subcore_axis_name="s")
_PARAMS = pltpu.CompilerParams(needs_layout_passes=False)


def _sc_a_body(x_in, lg_in, cand_in, zeros_in, tok_in,
               mpart_out, npart_out, noisep_out,
               m_acc, n_acc, xb0, xb1, lb0, lb1, cb0, cb1, qbuf, nbuf,
               semA0, semA1, semZ, semP):
    wid = lax.axis_index("s") * _NC + lax.axis_index("c")
    lanes = lax.iota(jnp.int32, 16)
    zero16 = jnp.zeros((16,), jnp.float32)
    zero16i = jnp.zeros((16,), jnp.int32)
    xb = (xb0, xb1)
    lb = (lb0, lb1)
    cb = (cb0, cb1)
    semA = (semA0, semA1)

    def issue_a(c, b):
        base = wid * BT + c * CH
        pltpu.async_copy(x_in.at[pl.ds(base, CH)], xb[b], semA[b])
        pltpu.async_copy(lg_in.at[pl.ds(base, CH)], lb[b], semA[b])
        pltpu.async_copy(cand_in.at[pl.ds(base, CH)], cb[b], semA[b])

    def wait_a(b):
        pltpu.make_async_copy(x_in.at[pl.ds(0, CH)], xb[b], semA[b]).wait()
        pltpu.make_async_copy(lg_in.at[pl.ds(0, CH)], lb[b], semA[b]).wait()
        pltpu.make_async_copy(cand_in.at[pl.ds(0, CH)], cb[b], semA[b]).wait()

    issue_a(0, 0)
    issue_a(1, 1)
    pltpu.async_copy(zeros_in, m_acc, semZ)

    def _zn(i, _):
        n_acc[0, pl.ds(i * 16, 16)] = zero16
        return 0
    lax.fori_loop(0, U // 16, _zn, 0)

    pltpu.make_async_copy(zeros_in, m_acc, semZ).wait()

    rowinc = (lanes >= 8).astype(jnp.int32)
    colsel = lanes & 7

    def _chunk(i, acc):
        for b in range(2):
            c = 2 * i + b
            wait_a(b)
            xr, lr, cr = xb[b], lb[b], cb[b]

            def _smax(g, a):
                rows = lanes + g * 16
                ls = [plsc.load_gather(lr, [rows, zero16i + cc])
                      for cc in range(C + 1)]
                mx = ls[0]
                for cc in range(1, C + 1):
                    mx = jnp.maximum(mx, ls[cc])
                es = [jnp.exp(l - mx) for l in ls]
                tot = es[0]
                for cc in range(1, C + 1):
                    tot = tot + es[cc]
                r = 1.0 / tot
                rowbase = rows * C
                for cc in range(C):
                    plsc.store_scatter(qbuf, [rowbase + cc], es[cc] * r)
                return a + es[C] * r

            acc = lax.fori_loop(0, CH // 16, _smax, acc)

            def _mrow(t, _):
                rvec = rowinc + 2 * t
                cv = plsc.load_gather(cr, [rvec, colsel])
                qv = qbuf[pl.ds(t * 16, 16)]
                plsc.addupdate_scatter(n_acc, [zero16i, cv], qv)
                for half in range(2):
                    rr = 2 * t + half
                    xv = [xr[rr, jr, pl.ds(16 * jc, 16)]
                          for jr in range(2) for jc in range(2)]
                    for cc in range(C):
                        q = qv[C * half + cc]
                        u = cv[C * half + cc]
                        ubase = jnp.full((16,), u * D, jnp.int32)
                        for j in range(4):
                            plsc.addupdate_scatter(
                                m_acc, [ubase + (lanes + 16 * j)], q * xv[j])
                return 0
            lax.fori_loop(0, CH // 2, _mrow, 0)

            @pl.when(c + 2 < NCH)
            def _():
                issue_a(c + 2, b)
        return acc

    nvec = lax.fori_loop(0, NCH // 2, _chunk, zero16)

    pltpu.async_copy(n_acc, npart_out.at[pl.ds(wid, 1)], semP)
    pltpu.async_copy(m_acc, mpart_out.at[pl.ds(wid * U * D, U * D)], semP)
    nbuf[0, pl.ds(0, 16)] = zero16 + jnp.sum(nvec)
    pltpu.async_copy(nbuf, noisep_out.at[pl.ds(wid, 1)], semP)
    pltpu.make_async_copy(n_acc, npart_out.at[pl.ds(0, 1)], semP).wait()
    pltpu.make_async_copy(m_acc, mpart_out.at[pl.ds(0, U * D)], semP).wait()
    pltpu.make_async_copy(nbuf, noisep_out.at[pl.ds(0, 1)], semP).wait()


_sc_a_call = functools.partial(
    pl.kernel,
    out_type=[
        jax.ShapeDtypeStruct((NW * U * D,), jnp.float32),
        jax.ShapeDtypeStruct((NW, U), jnp.float32),
        jax.ShapeDtypeStruct((NW, 16), jnp.float32),
    ],
    mesh=_MESH,
    compiler_params=_PARAMS,
    scratch_types=[
        pltpu.VMEM((U * D,), jnp.float32),
        pltpu.VMEM((1, U), jnp.float32),
        pltpu.VMEM((CH, 2, 32), jnp.float32),
        pltpu.VMEM((CH, 2, 32), jnp.float32),
        pltpu.VMEM((CH, C + 1), jnp.float32),
        pltpu.VMEM((CH, C + 1), jnp.float32),
        pltpu.VMEM((CH, C), jnp.int32),
        pltpu.VMEM((CH, C), jnp.int32),
        pltpu.VMEM((CH * C,), jnp.float32),
        pltpu.VMEM((1, 16), jnp.float32),
        pltpu.SemaphoreType.DMA,
        pltpu.SemaphoreType.DMA,
        pltpu.SemaphoreType.DMA,
        pltpu.SemaphoreType.DMA,
    ],
)(_sc_a_body)


SEG = 2048
NSEG = B // SEG


def _sc_b_body(mem_in, nls_in, idx_in, mem_out, tok_out,
               ib0, ib1, vb0, vb1, membuf, semM, semB0, semB1):
    wid = lax.axis_index("s") * _NC + lax.axis_index("c")
    lo = wid * MEMT
    ib = (ib0, ib1)
    vb = (vb0, vb1)
    semB = (semB0, semB1)

    def issue_b(s, b):
        pltpu.async_copy(idx_in.at[pl.ds(s * SEG, SEG)], ib[b], semB[b])
        pltpu.async_copy(nls_in.at[pl.ds(s * SEG, SEG)], vb[b], semB[b])

    def wait_b(b):
        pltpu.make_async_copy(idx_in.at[pl.ds(0, SEG)], ib[b], semB[b]).wait()
        pltpu.make_async_copy(nls_in.at[pl.ds(0, SEG)], vb[b], semB[b]).wait()

    pltpu.async_copy(mem_in.at[pl.ds(lo, MEMT)], membuf, semM)
    issue_b(0, 0)
    issue_b(1, 1)
    pltpu.make_async_copy(mem_in.at[pl.ds(lo, MEMT)], membuf, semM).wait()

    def _segs(i, _):
        for b in range(2):
            s = 2 * i + b
            wait_b(b)
            ir, vr = ib[b], vb[b]

            def _scan(v, _):
                iv = ir[pl.ds(v * 16, 16)]
                vals = vr[pl.ds(v * 16, 16)]
                mask = (iv >= lo) & (iv < lo + MEMT)
                local = jnp.where(mask, iv - lo, 0)
                plsc.store_scatter(membuf, [local], vals, mask=mask)
                return 0
            lax.fori_loop(0, SEG // 16, _scan, 0)

            @pl.when(s + 2 < NSEG)
            def _():
                issue_b(s + 2, b)
        return 0

    lax.fori_loop(0, NSEG // 2, _segs, 0)

    pltpu.sync_copy(membuf, mem_out.at[pl.ds(lo, MEMT)])

    @pl.when(wid == 0)
    def _():
        pltpu.sync_copy(membuf.at[pl.ds(0, 16)], tok_out)


_sc_b_call = functools.partial(
    pl.kernel,
    out_type=[jax.ShapeDtypeStruct((N_SP,), jnp.float32),
              jax.ShapeDtypeStruct((16,), jnp.float32)],
    mesh=_MESH,
    compiler_params=_PARAMS,
    scratch_types=[
        pltpu.VMEM((SEG,), jnp.int32),
        pltpu.VMEM((SEG,), jnp.int32),
        pltpu.VMEM((SEG,), jnp.float32),
        pltpu.VMEM((SEG,), jnp.float32),
        pltpu.VMEM((MEMT,), jnp.float32),
        pltpu.SemaphoreType.DMA,
        pltpu.SemaphoreType.DMA,
        pltpu.SemaphoreType.DMA,
    ],
)(_sc_b_body)


def _tc_body(mp_ref, np_ref, noi_ref, m_out, n_out, s_out):
    acc = mp_ref[pl.ds(0, U * D)]
    for k in range(1, NW):
        acc = acc + mp_ref[pl.ds(k * U * D, U * D)]
    m_out[...] = acc
    n = jnp.sum(np_ref[...], axis=0)
    n_out[...] = n[None, :]
    s_out[...] = jnp.full((1, 1), jnp.sum(noi_ref[...]) * (1.0 / 16.0),
                          jnp.float32)


_tc_call = pl.pallas_call(
    _tc_body,
    out_shape=[
        jax.ShapeDtypeStruct((U * D,), jnp.float32),
        jax.ShapeDtypeStruct((1, U), jnp.float32),
        jax.ShapeDtypeStruct((1, 1), jnp.float32),
    ],
)


def kernel(mem, x, logits, idx, candidates):
    nls = logits[:, C]
    cand = candidates.astype(jnp.int32)
    idx32 = idx.astype(jnp.int32)
    zeros = jnp.zeros((U * D,), jnp.float32)
    mem_new, tok = _sc_b_call(mem.astype(jnp.float32), nls, idx32)
    mpart, npart, noisep = _sc_a_call(x, logits, cand, zeros, tok)
    msum, n2, s2 = _tc_call(mpart, npart, noisep)
    n = n2.reshape(U)
    m = (msum.reshape(U, D) / jnp.maximum(n, 1.0)[:, None]).reshape(U, 2, 32)
    return mem_new, n, m, s2.reshape(())

# --- scband reference (transcript-rebuilt; emitter-appended) ---
"""Pipeline reference for scband-truncated-expectation-processor-31945966747652 (READ-ONLY COPY).

The authoritative reference and input builder live on the scoring server;
editing this copy changes nothing except your own understanding.
"""

import jax, jax.numpy as jnp
import numpy as np

N_SPIKES = 1048576
BATCH = 16384
N_UNITS = 512
N_CAND = 8
RANK = 2
NC = 32


def setup_inputs(seed: int = 0) -> dict:
    key = jax.random.key(seed)
    k0, k1, k2, k3, k4 = jax.random.split(key, 5)
    mem = jax.random.normal(k0, (N_SPIKES,), dtype=jnp.float32)
    x = jax.random.normal(k1, (BATCH, RANK, NC), dtype=jnp.float32)
    logits = jax.random.normal(k2, (BATCH, N_CAND + 1), dtype=jnp.float32)
    idx = jax.random.randint(k3, (BATCH,), 0, N_SPIKES, dtype=jnp.int64)
    candidates = jax.random.randint(k4, (BATCH, N_CAND), 0, N_UNITS, dtype=jnp.int64)
    return {"mem": mem, "x": x, "logits": logits, "idx": idx, "candidates": candidates}


def reference(mem, x, logits, idx, candidates):
    # Truncated E-step batch aggregation (core memory ops of TruncatedExpectationProcessor).
    # Q: responsibilities over n_candidates units + trailing noise component.
    Q = jax.nn.softmax(logits, axis=1)
    Qc = Q[:, :-1]  # [B, n_candidates]
    flat_cand = candidates.reshape(-1)
    # N: per-unit responsibility mass (scatter-add)
    N = jnp.zeros((N_UNITS,), dtype=x.dtype).at[flat_cand].add(Qc.reshape(-1))
    # m: per-unit weighted feature sums (scatter-add of [rank, nc] blocks)
    w = Qc[:, :, None, None] * x[:, None, :, :]  # [B, n_candidates, rank, nc]
    m = jnp.zeros((N_UNITS, RANK, NC), dtype=x.dtype).at[flat_cand].add(
        w.reshape(-1, RANK, NC)
    )
    m = m / jnp.clip(N, 1.0)[:, None, None]
    # noise_N: total noise responsibility
    noise_N = Q[:, -1].sum()
    # scatter-overwrite per-spike noise log-liks into persistent memory
    # (mirrors noise_logliks[result.indices] = result.noise_lls)
    noise_lls = logits[:, -1]
    mem_new = mem.at[idx].set(noise_lls)
    return mem_new, N, m, noise_N

if __name__ == "__main__":
    import jax
    _d = setup_inputs()
    print(jax.jit(kernel)(*tuple(_d.values())))

</pallas_src>

<mosaic_0001>
#map = affine_map<(d0, d1) -> (0)>
module attributes {stable_mosaic.version = 14 : i64} {
  func.func @_sc_b_body(%arg0: i32, %arg1: i32, %arg2: memref<1048576xf32, #tpu.memory_space<hbm>>, %arg3: memref<16384xf32, #tpu.memory_space<hbm>>, %arg4: memref<16384xi32, #tpu.memory_space<hbm>>, %arg5: memref<1048576xf32, #tpu.memory_space<hbm>>, %arg6: memref<16xf32, #tpu.memory_space<hbm>>, %arg7: memref<2048xi32, #tpu.memory_space<vmem>>, %arg8: memref<2048xi32, #tpu.memory_space<vmem>>, %arg9: memref<2048xf32, #tpu.memory_space<vmem>>, %arg10: memref<2048xf32, #tpu.memory_space<vmem>>, %arg11: memref<32768xf32, #tpu.memory_space<vmem>>, %arg12: memref<!tpu.dma_semaphore, #tpu.memory_space<semaphore_mem>>, %arg13: memref<!tpu.dma_semaphore, #tpu.memory_space<semaphore_mem>>, %arg14: memref<!tpu.dma_semaphore, #tpu.memory_space<semaphore_mem>>) attributes {dimension_semantics = [#tpu.dimension_semantics<core_parallel>, #tpu.dimension_semantics<subcore_parallel>], iteration_bounds = array<i64: 2, 16>, scalar_prefetch = 0 : i64, scratch_operands = 8 : i64, tpu.core_type = #tpu.core_type<sc_vector_subcore>, window_params = [{transform_indices = #map}, {transform_indices = #map}, {transform_indices = #map}, {transform_indices = #map}, {transform_indices = #map}]} {
    %mul3A = arith.constant 2 : i32
    %mul3A_0 = arith.muli %arg1, %mul3A : i32
    %add3A = arith.addi %mul3A_0, %arg0 : i32
    %mul3A_1 = arith.constant 32768 : i32
    %mul3A_2 = arith.muli %add3A, %mul3A_1 : i32
    %dma_start3A = tpu.memref_slice %arg2[%mul3A_2] : memref<1048576xf32, #tpu.memory_space<hbm>> -> memref<32768xf32, #tpu.memory_space<hbm>>
    %dma_start3A_3 = tpu.memref_slice %arg2[%mul3A_2] : memref<1048576xf32, #tpu.memory_space<hbm>> -> memref<32768xf32, #tpu.memory_space<hbm>>
    tpu.enqueue_dma source(%dma_start3A_3 : memref<32768xf32, #tpu.memory_space<hbm>>) target(%arg11 : memref<32768xf32, #tpu.memory_space<vmem>>) target_semaphore(%arg12 : memref<!tpu.dma_semaphore, #tpu.memory_space<semaphore_mem>>)
    %dma_start3A_4 = arith.constant 0 : i32
    %dma_start3A_5 = tpu.memref_slice %arg4[%dma_start3A_4] : memref<16384xi32, #tpu.memory_space<hbm>> -> memref<2048xi32, #tpu.memory_space<hbm>>
    %dma_start3A_6 = arith.constant 0 : i32
    %dma_start3A_7 = tpu.memref_slice %arg4[%dma_start3A_6] : memref<16384xi32, #tpu.memory_space<hbm>> -> memref<2048xi32, #tpu.memory_space<hbm>>
    tpu.enqueue_dma source(%dma_start3A_7 : memref<2048xi32, #tpu.memory_space<hbm>>) target(%arg7 : memref<2048xi32, #tpu.memory_space<vmem>>) target_semaphore(%arg13 : memref<!tpu.dma_semaphore, #tpu.memory_space<semaphore_mem>>)
    %dma_start3A_8 = arith.constant 0 : i32
    %dma_start3A_9 = tpu.memref_slice %arg3[%dma_start3A_8] : memref<16384xf32, #tpu.memory_space<hbm>> -> memref<2048xf32, #tpu.memory_space<hbm>>
    %dma_start3A_10 = arith.constant 0 : i32
    %dma_start3A_11 = tpu.memref_slice %arg3[%dma_start3A_10] : memref<16384xf32, #tpu.memory_space<hbm>> -> memref<2048xf32, #tpu.memory_space<hbm>>
    tpu.enqueue_dma source(%dma_start3A_11 : memref<2048xf32, #tpu.memory_space<hbm>>) target(%arg9 : memref<2048xf32, #tpu.memory_space<vmem>>) target_semaphore(%arg13 : memref<!tpu.dma_semaphore, #tpu.memory_space<semaphore_mem>>)
    %dma_start3A_12 = arith.constant 2048 : i32
    %dma_start3A_13 = tpu.memref_slice %arg4[%dma_start3A_12] : memref<16384xi32, #tpu.memory_space<hbm>> -> memref<2048xi32, #tpu.memory_space<hbm>>
    %dma_start3A_14 = arith.constant 2048 : i32
    %dma_start3A_15 = tpu.memref_slice %arg4[%dma_start3A_14] : memref<16384xi32, #tpu.memory_space<hbm>> -> memref<2048xi32, #tpu.memory_space<hbm>>
    tpu.enqueue_dma source(%dma_start3A_15 : memref<2048xi32, #tpu.memory_space<hbm>>) target(%arg8 : memref<2048xi32, #tpu.memory_space<vmem>>) target_semaphore(%arg14 : memref<!tpu.dma_semaphore, #tpu.memory_space<semaphore_mem>>)
    %dma_start3A_16 = arith.constant 2048 : i32
    %dma_start3A_17 = tpu.memref_slice %arg3[%dma_start3A_16] : memref<16384xf32, #tpu.memory_space<hbm>> -> memref<2048xf32, #tpu.memory_space<hbm>>
    %dma_start3A_18 = arith.constant 2048 : i32
    %dma_start3A_19 = tpu.memref_slice %arg3[%dma_start3A_18] : memref<16384xf32, #tpu.memory_space<hbm>> -> memref<2048xf32, #tpu.memory_space<hbm>>
    tpu.enqueue_dma source(%dma_start3A_19 : memref<2048xf32, #tpu.memory_space<hbm>>) target(%arg10 : memref<2048xf32, #tpu.memory_space<vmem>>) target_semaphore(%arg14 : memref<!tpu.dma_semaphore, #tpu.memory_space<semaphore_mem>>)
    %dma_wait3A = tpu.memref_slice %arg2[%mul3A_2] : memref<1048576xf32, #tpu.memory_space<hbm>> -> memref<32768xf32, #tpu.memory_space<hbm>>
    %dma_wait3A_20 = tpu.memref_slice %arg2[%mul3A_2] : memref<1048576xf32, #tpu.memory_space<hbm>> -> memref<32768xf32, #tpu.memory_space<hbm>>
    tpu.wait_dma2 semaphore(%arg12 : memref<!tpu.dma_semaphore, #tpu.memory_space<semaphore_mem>>) src(%dma_wait3A_20 : memref<32768xf32, #tpu.memory_space<hbm>>) dst(%arg11 : memref<32768xf32, #tpu.memory_space<vmem>>)
    %scan3A = arith.constant 0 : i32
    %scan3A_21 = arith.constant 0 : i32
    %scan3A_22 = arith.constant 4 : i32
    %scan3A_23 = arith.addi %scan3A_21, %scan3A_22 : i32
    %scan3A_24 = arith.constant 1 : i32
    %scan3A_25 = scf.for %scan3A_29 = %scan3A_21 to %scan3A_23 step %scan3A_24 iter_args(%scan3A_30 = %scan3A) -> (i32)  : i32 {
      %mul3A_31 = arith.constant 2 : i32
      %mul3A_32 = arith.muli %mul3A_31, %scan3A_29 : i32
      %add3A_33 = arith.constant 0 : i32
      %add3A_34 = arith.addi %mul3A_32, %add3A_33 : i32
      %dma_wait3A_35 = arith.constant 0 : i32
      %dma_wait3A_36 = tpu.memref_slice %arg4[%dma_wait3A_35] : memref<16384xi32, #tpu.memory_space<hbm>> -> memref<2048xi32, #tpu.memory_space<hbm>>
      %dma_wait3A_37 = arith.constant 0 : i32
      %dma_wait3A_38 = tpu.memref_slice %arg4[%dma_wait3A_37] : memref<16384xi32, #tpu.memory_space<hbm>> -> memref<2048xi32, #tpu.memory_space<hbm>>
      tpu.wait_dma2 semaphore(%arg13 : memref<!tpu.dma_semaphore, #tpu.memory_space<semaphore_mem>>) src(%dma_wait3A_38 : memref<2048xi32, #tpu.memory_space<hbm>>) dst(%arg7 : memref<2048xi32, #tpu.memory_space<vmem>>)
      %dma_wait3A_39 = arith.constant 0 : i32
      %dma_wait3A_40 = tpu.memref_slice %arg3[%dma_wait3A_39] : memref<16384xf32, #tpu.memory_space<hbm>> -> memref<2048xf32, #tpu.memory_space<hbm>>
      %dma_wait3A_41 = arith.constant 0 : i32
      %dma_wait3A_42 = tpu.memref_slice %arg3[%dma_wait3A_41] : memref<16384xf32, #tpu.memory_space<hbm>> -> memref<2048xf32, #tpu.memory_space<hbm>>
      tpu.wait_dma2 semaphore(%arg13 : memref<!tpu.dma_semaphore, #tpu.memory_space<semaphore_mem>>) src(%dma_wait3A_42 : memref<2048xf32, #tpu.memory_space<hbm>>) dst(%arg9 : memref<2048xf32, #tpu.memory_space<vmem>>)
      %scan3A_43 = arith.constant 0 : i32
      %scan3A_44 = arith.constant 0 : i32
      %scan3A_45 = arith.constant 128 : i32
      %scan3A_46 = arith.addi %scan3A_44, %scan3A_45 : i32
      %scan3A_47 = arith.constant 1 : i32
      %scan3A_48 = scf.for %scan3A_83 = %scan3A_44 to %scan3A_46 step %scan3A_47 iter_args(%scan3A_84 = %scan3A_43) -> (i32)  : i32 {
        %mul3A_85 = arith.constant 16 : i32
        %mul3A_86 = arith.muli %scan3A_83, %mul3A_85 : i32
        %get3A = arith.index_cast %mul3A_86 : i32 to index
        %get3A_87 = tpu.vector_load %arg7[%get3A] {strides = array<i32>} : memref<2048xi32, #tpu.memory_space<vmem>>, vector<16xi32>,
        %mul3A_88 = arith.constant 16 : i32
        %mul3A_89 = arith.muli %scan3A_83, %mul3A_88 : i32
        %get3A_90 = arith.index_cast %mul3A_89 : i32 to index
        %get3A_91 = tpu.vector_load %arg9[%get3A_90] {strides = array<i32>} : memref<2048xf32, #tpu.memory_space<vmem>>, vector<16xf32>,
        %ge3A = vector.broadcast %mul3A_2 : i32 to vector<16xi32>
        %ge3A_92 = arith.cmpi sge, %get3A_87, %ge3A : vector<16xi32>
        %add3A_93 = arith.constant 32768 : i32
        %add3A_94 = arith.addi %mul3A_2, %add3A_93 : i32
        %lt3A_95 = vector.broadcast %add3A_94 : i32 to vector<16xi32>
        %lt3A_96 = arith.cmpi slt, %get3A_87, %lt3A_95 : vector<16xi32>
        %and3A = arith.andi %ge3A_92, %lt3A_96 : vector<16xi1>
        %sub3A = vector.broadcast %mul3A_2 : i32 to vector<16xi32>
        %sub3A_97 = arith.subi %get3A_87, %sub3A : vector<16xi32>
        %jit3A = arith.constant 0 : i32
        %broadcast_in_dim3A = vector.broadcast %jit3A : i32 to vector<16xi32>
        %select_n3A = arith.select %and3A, %sub3A_97, %broadcast_in_dim3A : vector<16xi1>, vector<16xi32>
        tpu.vector_store_idx %arg11[%select_n3A], %get3A_91 masked %and3A : memref<32768xf32, #tpu.memory_space<vmem>>[vector<16xi32>], vector<16xf32>, vector<16xi1>
        %scan3A_98 = arith.constant 0 : i32
        scf.yield %scan3A_98 : i32
      }
      %scan3A_49 = arith.constant 128 : i32
      %add3A_50 = arith.constant 2 : i32
      %add3A_51 = arith.addi %add3A_34, %add3A_50 : i32
      %lt3A = arith.constant 8 : i32
      %lt3A_52 = arith.cmpi slt, %add3A_51, %lt3A : i32
      %convert_element_type3A_53 = arith.extui %lt3A_52 : i1 to i32
      %cond3A_54 = arith.constant 0 : i32
      %cond3A_55 = arith.cmpi ne, %convert_element_type3A_53, %cond3A_54 : i32
      scf.if %cond3A_55 {
        %add3A_83 = arith.constant 2 : i32
        %add3A_84 = arith.addi %add3A_34, %add3A_83 : i32
        %mul3A_85 = arith.constant 2048 : i32
        %mul3A_86 = arith.muli %add3A_84, %mul3A_85 : i32
        %dma_start3A_87 = tpu.memref_slice %arg4[%mul3A_86] : memref<16384xi32, #tpu.memory_space<hbm>> -> memref<2048xi32, #tpu.memory_space<hbm>>
        %dma_start3A_88 = tpu.memref_slice %arg4[%mul3A_86] : memref<16384xi32, #tpu.memory_space<hbm>> -> memref<2048xi32, #tpu.memory_space<hbm>>
        tpu.enqueue_dma source(%dma_start3A_88 : memref<2048xi32, #tpu.memory_space<hbm>>) target(%arg7 : memref<2048xi32, #tpu.memory_space<vmem>>) target_semaphore(%arg13 : memref<!tpu.dma_semaphore, #tpu.memory_space<semaphore_mem>>)
        %mul3A_89 = arith.constant 2048 : i32
        %mul3A_90 = arith.muli %add3A_84, %mul3A_89 : i32
        %dma_start3A_91 = tpu.memref_slice %arg3[%mul3A_90] : memref<16384xf32, #tpu.memory_space<hbm>> -> memref<2048xf32, #tpu.memory_space<hbm>>
        %dma_start3A_92 = tpu.memref_slice %arg3[%mul3A_90] : memref<16384xf32, #tpu.memory_space<hbm>> -> memref<2048xf32, #tpu.memory_space<hbm>>
        tpu.enqueue_dma source(%dma_start3A_92 : memref<2048xf32, #tpu.memory_space<hbm>>) target(%arg9 : memref<2048xf32, #tpu.memory_space<vmem>>) target_semaphore(%arg13 : memref<!tpu.dma_semaphore, #tpu.memory_space<semaphore_mem>>)
      } else {
      }
      %mul3A_56 = arith.constant 2 : i32
      %mul3A_57 = arith.muli %mul3A_56, %scan3A_29 : i32
      %add3A_58 = arith.constant 1 : i32
      %add3A_59 = arith.addi %mul3A_57, %add3A_58 : i32
      %dma_wait3A_60 = arith.constant 0 : i32
      %dma_wait3A_61 = tpu.memref_slice %arg4[%dma_wait3A_60] : memref<16384xi32, #tpu.memory_space<hbm>> -> memref<2048xi32, #tpu.memory_space<hbm>>
      %dma_wait3A_62 = arith.constant 0 : i32
      %dma_wait3A_63 = tpu.memref_slice %arg4[%dma_wait3A_62] : memref<16384xi32, #tpu.memory_space<hbm>> -> memref<2048xi32, #tpu.memory_space<hbm>>
      tpu.wait_dma2 semaphore(%arg14 : memref<!tpu.dma_semaphore, #tpu.memory_space<semaphore_mem>>) src(%dma_wait3A_63 : memref<2048xi32, #tpu.memory_space<hbm>>) dst(%arg8 : memref<2048xi32, #tpu.memory_space<vmem>>)
      %dma_wait3A_64 = arith.constant 0 : i32
      %dma_wait3A_65 = tpu.memref_slice %arg3[%dma_wait3A_64] : memref<16384xf32, #tpu.memory_space<hbm>> -> memref<2048xf32, #tpu.memory_space<hbm>>
      %dma_wait3A_66 = arith.constant 0 : i32
      %dma_wait3A_67 = tpu.memref_slice %arg3[%dma_wait3A_66] : memref<16384xf32, #tpu.memory_space<hbm>> -> memref<2048xf32, #tpu.memory_space<hbm>>
      tpu.wait_dma2 semaphore(%arg14 : memref<!tpu.dma_semaphore, #tpu.memory_space<semaphore_mem>>) src(%dma_wait3A_67 : memref<2048xf32, #tpu.memory_space<hbm>>) dst(%arg10 : memref<2048xf32, #tpu.memory_space<vmem>>)
      %scan3A_68 = arith.constant 0 : i32
      %scan3A_69 = arith.constant 0 : i32
      %scan3A_70 = arith.constant 128 : i32
      %scan3A_71 = arith.addi %scan3A_69, %scan3A_70 : i32
      %scan3A_72 = arith.constant 1 : i32
      %scan3A_73 = scf.for %scan3A_83 = %scan3A_69 to %scan3A_71 step %scan3A_72 iter_args(%scan3A_84 = %scan3A_68) -> (i32)  : i32 {
        %mul3A_85 = arith.constant 16 : i32
        %mul3A_86 = arith.muli %scan3A_83, %mul3A_85 : i32
        %get3A = arith.index_cast %mul3A_86 : i32 to index
        %get3A_87 = tpu.vector_load %arg8[%get3A] {strides = array<i32>} : memref<2048xi32, #tpu.memory_space<vmem>>, vector<16xi32>,
        %mul3A_88 = arith.constant 16 : i32
        %mul3A_89 = arith.muli %scan3A_83, %mul3A_88 : i32
        %get3A_90 = arith.index_cast %mul3A_89 : i32 to index
        %get3A_91 = tpu.vector_load %arg10[%get3A_90] {strides = array<i32>} : memref<2048xf32, #tpu.memory_space<vmem>>, vector<16xf32>,
        %ge3A = vector.broadcast %mul3A_2 : i32 to vector<16xi32>
        %ge3A_92 = arith.cmpi sge, %get3A_87, %ge3A : vector<16xi32>
        %add3A_93 = arith.constant 32768 : i32
        %add3A_94 = arith.addi %mul3A_2, %add3A_93 : i32
        %lt3A_95 = vector.broadcast %add3A_94 : i32 to vector<16xi32>
        %lt3A_96 = arith.cmpi slt, %get3A_87, %lt3A_95 : vector<16xi32>
        %and3A = arith.andi %ge3A_92, %lt3A_96 : vector<16xi1>
        %sub3A = vector.broadcast %mul3A_2 : i32 to vector<16xi32>
        %sub3A_97 = arith.subi %get3A_87, %sub3A : vector<16xi32>
        %jit3A = arith.constant 0 : i32
        %broadcast_in_dim3A = vector.broadcast %jit3A : i32 to vector<16xi32>
        %select_n3A = arith.select %and3A, %sub3A_97, %broadcast_in_dim3A : vector<16xi1>, vector<16xi32>
        tpu.vector_store_idx %arg11[%select_n3A], %get3A_91 masked %and3A : memref<32768xf32, #tpu.memory_space<vmem>>[vector<16xi32>], vector<16xf32>, vector<16xi1>
        %scan3A_98 = arith.constant 0 : i32
        scf.yield %scan3A_98 : i32
      }
      %scan3A_74 = arith.constant 128 : i32
      %add3A_75 = arith.constant 2 : i32
      %add3A_76 = arith.addi %add3A_59, %add3A_75 : i32
      %lt3A_77 = arith.constant 8 : i32
      %lt3A_78 = arith.cmpi slt, %add3A_76, %lt3A_77 : i32
      %convert_element_type3A_79 = arith.extui %lt3A_78 : i1 to i32
      %cond3A_80 = arith.constant 0 : i32
      %cond3A_81 = arith.cmpi ne, %convert_element_type3A_79, %cond3A_80 : i32
      scf.if %cond3A_81 {
        %add3A_83 = arith.constant 2 : i32
        %add3A_84 = arith.addi %add3A_59, %add3A_83 : i32
        %mul3A_85 = arith.constant 2048 : i32
        %mul3A_86 = arith.muli %add3A_84, %mul3A_85 : i32
        %dma_start3A_87 = tpu.memref_slice %arg4[%mul3A_86] : memref<16384xi32, #tpu.memory_space<hbm>> -> memref<2048xi32, #tpu.memory_space<hbm>>
        %dma_start3A_88 = tpu.memref_slice %arg4[%mul3A_86] : memref<16384xi32, #tpu.memory_space<hbm>> -> memref<2048xi32, #tpu.memory_space<hbm>>
        tpu.enqueue_dma source(%dma_start3A_88 : memref<2048xi32, #tpu.memory_space<hbm>>) target(%arg8 : memref<2048xi32, #tpu.memory_space<vmem>>) target_semaphore(%arg14 : memref<!tpu.dma_semaphore, #tpu.memory_space<semaphore_mem>>)
        %mul3A_89 = arith.constant 2048 : i32
        %mul3A_90 = arith.muli %add3A_84, %mul3A_89 : i32
        %dma_start3A_91 = tpu.memref_slice %arg3[%mul3A_90] : memref<16384xf32, #tpu.memory_space<hbm>> -> memref<2048xf32, #tpu.memory_space<hbm>>
        %dma_start3A_92 = tpu.memref_slice %arg3[%mul3A_90] : memref<16384xf32, #tpu.memory_space<hbm>> -> memref<2048xf32, #tpu.memory_space<hbm>>
        tpu.enqueue_dma source(%dma_start3A_92 : memref<2048xf32, #tpu.memory_space<hbm>>) target(%arg10 : memref<2048xf32, #tpu.memory_space<vmem>>) target_semaphore(%arg14 : memref<!tpu.dma_semaphore, #tpu.memory_space<semaphore_mem>>)
      } else {
      }
      %scan3A_82 = arith.constant 0 : i32
      scf.yield %scan3A_82 : i32
    }
    %scan3A_26 = arith.constant 4 : i32
    "tpu.region"() ({
      %run_scoped3A = tpu.sem_alloc : memref<!tpu.dma_semaphore, #tpu.memory_space<semaphore_mem>>
      %dma_start3A_29 = tpu.memref_slice %arg5[%mul3A_2] : memref<1048576xf32, #tpu.memory_space<hbm>> -> memref<32768xf32, #tpu.memory_space<hbm>>
      %dma_start3A_30 = tpu.memref_slice %arg5[%mul3A_2] : memref<1048576xf32, #tpu.memory_space<hbm>> -> memref<32768xf32, #tpu.memory_space<hbm>>
      tpu.enqueue_dma source(%arg11 : memref<32768xf32, #tpu.memory_space<vmem>>) target(%dma_start3A_30 : memref<32768xf32, #tpu.memory_space<hbm>>) target_semaphore(%run_scoped3A : memref<!tpu.dma_semaphore, #tpu.memory_space<semaphore_mem>>)
      %dma_wait3A_31 = tpu.memref_slice %arg5[%mul3A_2] : memref<1048576xf32, #tpu.memory_space<hbm>> -> memref<32768xf32, #tpu.memory_space<hbm>>
      %dma_wait3A_32 = tpu.memref_slice %arg5[%mul3A_2] : memref<1048576xf32, #tpu.memory_space<hbm>> -> memref<32768xf32, #tpu.memory_space<hbm>>
      tpu.wait_dma2 semaphore(%run_scoped3A : memref<!tpu.dma_semaphore, #tpu.memory_space<semaphore_mem>>) src(%arg11 : memref<32768xf32, #tpu.memory_space<vmem>>) dst(%dma_wait3A_32 : memref<32768xf32, #tpu.memory_space<hbm>>)
      tpu.yield
    }) : () -> ()
    %eq3A = arith.constant 0 : i32
    %eq3A_27 = arith.cmpi eq, %add3A, %eq3A : i32
    %convert_element_type3A = arith.extui %eq3A_27 : i1 to i32
    %cond3A = arith.constant 0 : i32
    %cond3A_28 = arith.cmpi ne, %convert_element_type3A, %cond3A : i32
    scf.if %cond3A_28 {
      "tpu.region"() ({
        %run_scoped3A = tpu.sem_alloc : memref<!tpu.dma_semaphore, #tpu.memory_space<semaphore_mem>>
        %dma_start3A_29 = arith.constant 0 : i32
        %dma_start3A_30 = tpu.memref_slice %arg11[%dma_start3A_29] : memref<32768xf32, #tpu.memory_space<vmem>> -> memref<16xf32, #tpu.memory_space<vmem>>
        %dma_start3A_31 = arith.constant 0 : i32
        %dma_start3A_32 = tpu.memref_slice %arg11[%dma_start3A_31] : memref<32768xf32, #tpu.memory_space<vmem>> -> memref<16xf32, #tpu.memory_space<vmem>>
        tpu.enqueue_dma source(%dma_start3A_32 : memref<16xf32, #tpu.memory_space<vmem>>) target(%arg6 : memref<16xf32, #tpu.memory_space<hbm>>) target_semaphore(%run_scoped3A : memref<!tpu.dma_semaphore, #tpu.memory_space<semaphore_mem>>)
        %dma_wait3A_33 = arith.constant 0 : i32
        %dma_wait3A_34 = tpu.memref_slice %arg11[%dma_wait3A_33] : memref<32768xf32, #tpu.memory_space<vmem>> -> memref<16xf32, #tpu.memory_space<vmem>>
        %dma_wait3A_35 = arith.constant 0 : i32
        %dma_wait3A_36 = tpu.memref_slice %arg11[%dma_wait3A_35] : memref<32768xf32, #tpu.memory_space<vmem>> -> memref<16xf32, #tpu.memory_space<vmem>>
        tpu.wait_dma2 semaphore(%run_scoped3A : memref<!tpu.dma_semaphore, #tpu.memory_space<semaphore_mem>>) src(%dma_wait3A_36 : memref<16xf32, #tpu.memory_space<vmem>>) dst(%arg6 : memref<16xf32, #tpu.memory_space<hbm>>)
        tpu.yield
      }) : () -> ()
    } else {
    }
    return
  }
}

#map = affine_map<(d0, d1) -> (0, 0, 0)>
#map1 = affine_map<(d0, d1) -> (0, 0)>
#map2 = affine_map<(d0, d1) -> (0)>
module attributes {stable_mosaic.version = 14 : i64} {
  func.func @_sc_a_body(%arg0: i32, %arg1: i32, %arg2: memref<16384x2x32xf32, #tpu.memory_space<hbm>>, %arg3: memref<16384x9xf32, #tpu.memory_space<hbm>>, %arg4: memref<16384x8xi32, #tpu.memory_space<hbm>>, %arg5: memref<32768xf32, #tpu.memory_space<hbm>>, %arg6: memref<16xf32, #tpu.memory_space<hbm>>, %arg7: memref<1048576xf32, #tpu.memory_space<hbm>>, %arg8: memref<32x512xf32, #tpu.memory_space<hbm>>, %arg9: memref<32x16xf32, #tpu.memory_space<hbm>>, %arg10: memref<32768xf32, #tpu.memory_space<vmem>>, %arg11: memref<1x512xf32, #tpu.memory_space<vmem>>, %arg12: memref<32x2x32xf32, #tpu.memory_space<vmem>>, %arg13: memref<32x2x32xf32, #tpu.memory_space<vmem>>, %arg14: memref<32x9xf32, #tpu.memory_space<vmem>>, %arg15: memref<32x9xf32, #tpu.memory_space<vmem>>, %arg16: memref<32x8xi32, #tpu.memory_space<vmem>>, %arg17: memref<32x8xi32, #tpu.memory_space<vmem>>, %arg18: memref<256xf32, #tpu.memory_space<vmem>>, %arg19: memref<1x16xf32, #tpu.memory_space<vmem>>, %arg20: memref<!tpu.dma_semaphore, #tpu.memory_space<semaphore_mem>>, %arg21: memref<!tpu.dma_semaphore, #tpu.memory_space<semaphore_mem>>, %arg22: memref<!tpu.dma_semaphore, #tpu.memory_space<semaphore_mem>>, %arg23: memref<!tpu.dma_semaphore, #tpu.memory_space<semaphore_mem>>) attributes {dimension_semantics = [#tpu.dimension_semantics<core_parallel>, #tpu.dimension_semantics<subcore_parallel>], iteration_bounds = array<i64: 2, 16>, scalar_prefetch = 0 : i64, scratch_operands = 14 : i64, tpu.core_type = #tpu.core_type<sc_vector_subcore>, window_params = [{transform_indices = #map}, {transform_indices = #map1}, {transform_indices = #map1}, {transform_indices = #map2}, {transform_indices = #map2}, {transform_indices = #map2}, {transform_indices = #map1}, {transform_indices = #map1}]} {
    %mul3A = arith.constant 2 : i32
    %mul3A_0 = arith.muli %arg1, %mul3A : i32
    %add3A = arith.addi %mul3A_0, %arg0 : i32
    %iota3A = tpu.iota {dimensions = array<i32: 0>} : vector<16xi32>
    %broadcast_in_dim3A = arith.constant 0.000000e+00 : f32
    %broadcast_in_dim3A_1 = vector.broadcast %broadcast_in_dim3A : f32 to vector<16xf32>
    %broadcast_in_dim3A_2 = arith.constant 0 : i32
    %broadcast_in_dim3A_3 = vector.broadcast %broadcast_in_dim3A_2 : i32 to vector<16xi32>
    %mul3A_4 = arith.constant 512 : i32
    %mul3A_5 = arith.muli %add3A, %mul3A_4 : i32
    %add3A_6 = arith.constant 0 : i32
    %add3A_7 = arith.addi %mul3A_5, %add3A_6 : i32
    %dma_start3A = arith.constant 0 : i32
    %dma_start3A_8 = arith.constant 0 : i32
    %dma_start3A_9 = tpu.memref_slice %arg2[%add3A_7, %dma_start3A, %dma_start3A_8] : memref<16384x2x32xf32, #tpu.memory_space<hbm>> -> memref<32x2x32xf32, #tpu.memory_space<hbm>>
    %dma_start3A_10 = arith.constant 0 : i32
    %dma_start3A_11 = arith.constant 0 : i32
    %dma_start3A_12 = tpu.memref_slice %arg2[%add3A_7, %dma_start3A_10, %dma_start3A_11] : memref<16384x2x32xf32, #tpu.memory_space<hbm>> -> memref<32x2x32xf32, #tpu.memory_space<hbm>>
    tpu.enqueue_dma source(%dma_start3A_12 : memref<32x2x32xf32, #tpu.memory_space<hbm>>) target(%arg12 : memref<32x2x32xf32, #tpu.memory_space<vmem>>) target_semaphore(%arg20 : memref<!tpu.dma_semaphore, #tpu.memory_space<semaphore_mem>>)
    %dma_start3A_13 = arith.constant 0 : i32
    %dma_start3A_14 = tpu.memref_slice %arg3[%add3A_7, %dma_start3A_13] : memref<16384x9xf32, #tpu.memory_space<hbm>> -> memref<32x9xf32, #tpu.memory_space<hbm>>
    %dma_start3A_15 = arith.constant 0 : i32
    %dma_start3A_16 = tpu.memref_slice %arg3[%add3A_7, %dma_start3A_15] : memref<16384x9xf32, #tpu.memory_space<hbm>> -> memref<32x9xf32, #tpu.memory_space<hbm>>
    tpu.enqueue_dma source(%dma_start3A_16 : memref<32x9xf32, #tpu.memory_space<hbm>>) target(%arg14 : memref<32x9xf32, #tpu.memory_space<vmem>>) target_semaphore(%arg20 : memref<!tpu.dma_semaphore, #tpu.memory_space<semaphore_mem>>)
    %dma_start3A_17 = arith.constant 0 : i32
    %dma_start3A_18 = tpu.memref_slice %arg4[%add3A_7, %dma_start3A_17] : memref<16384x8xi32, #tpu.memory_space<hbm>> -> memref<32x8xi32, #tpu.memory_space<hbm>>
    %dma_start3A_19 = arith.constant 0 : i32
    %dma_start3A_20 = tpu.memref_slice %arg4[%add3A_7, %dma_start3A_19] : memref<16384x8xi32, #tpu.memory_space<hbm>> -> memref<32x8xi32, #tpu.memory_space<hbm>>
    tpu.enqueue_dma source(%dma_start3A_20 : memref<32x8xi32, #tpu.memory_space<hbm>>) target(%arg16 : memref<32x8xi32, #tpu.memory_space<vmem>>) target_semaphore(%arg20 : memref<!tpu.dma_semaphore, #tpu.memory_space<semaphore_mem>>)
    %mul3A_21 = arith.constant 512 : i32
    %mul3A_22 = arith.muli %add3A, %mul3A_21 : i32
    %add3A_23 = arith.constant 32 : i32
    %add3A_24 = arith.addi %mul3A_22, %add3A_23 : i32
    %dma_start3A_25 = arith.constant 0 : i32
    %dma_start3A_26 = arith.constant 0 : i32
    %dma_start3A_27 = tpu.memref_slice %arg2[%add3A_24, %dma_start3A_25, %dma_start3A_26] : memref<16384x2x32xf32, #tpu.memory_space<hbm>> -> memref<32x2x32xf32, #tpu.memory_space<hbm>>
    %dma_start3A_28 = arith.constant 0 : i32
    %dma_start3A_29 = arith.constant 0 : i32
    %dma_start3A_30 = tpu.memref_slice %arg2[%add3A_24, %dma_start3A_28, %dma_start3A_29] : memref<16384x2x32xf32, #tpu.memory_space<hbm>> -> memref<32x2x32xf32, #tpu.memory_space<hbm>>
    tpu.enqueue_dma source(%dma_start3A_30 : memref<32x2x32xf32, #tpu.memory_space<hbm>>) target(%arg13 : memref<32x2x32xf32, #tpu.memory_space<vmem>>) target_semaphore(%arg21 : memref<!tpu.dma_semaphore, #tpu.memory_space<semaphore_mem>>)
    %dma_start3A_31 = arith.constant 0 : i32
    %dma_start3A_32 = tpu.memref_slice %arg3[%add3A_24, %dma_start3A_31] : memref<16384x9xf32, #tpu.memory_space<hbm>> -> memref<32x9xf32, #tpu.memory_space<hbm>>
    %dma_start3A_33 = arith.constant 0 : i32
    %dma_start3A_34 = tpu.memref_slice %arg3[%add3A_24, %dma_start3A_33] : memref<16384x9xf32, #tpu.memory_space<hbm>> -> memref<32x9xf32, #tpu.memory_space<hbm>>
    tpu.enqueue_dma source(%dma_start3A_34 : memref<32x9xf32, #tpu.memory_space<hbm>>) target(%arg15 : memref<32x9xf32, #tpu.memory_space<vmem>>) target_semaphore(%arg21 : memref<!tpu.dma_semaphore, #tpu.memory_space<semaphore_mem>>)
    %dma_start3A_35 = arith.constant 0 : i32
    %dma_start3A_36 = tpu.memref_slice %arg4[%add3A_24, %dma_start3A_35] : memref<16384x8xi32, #tpu.memory_space<hbm>> -> memref<32x8xi32, #tpu.memory_space<hbm>>
    %dma_start3A_37 = arith.constant 0 : i32
    %dma_start3A_38 = tpu.memref_slice %arg4[%add3A_24, %dma_start3A_37] : memref<16384x8xi32, #tpu.memory_space<hbm>> -> memref<32x8xi32, #tpu.memory_space<hbm>>
    tpu.enqueue_dma source(%dma_start3A_38 : memref<32x8xi32, #tpu.memory_space<hbm>>) target(%arg17 : memref<32x8xi32, #tpu.memory_space<vmem>>) target_semaphore(%arg21 : memref<!tpu.dma_semaphore, #tpu.memory_space<semaphore_mem>>)
    tpu.enqueue_dma source(%arg5 : memref<32768xf32, #tpu.memory_space<hbm>>) target(%arg10 : memref<32768xf32, #tpu.memory_space<vmem>>) target_semaphore(%arg22 : memref<!tpu.dma_semaphore, #tpu.memory_space<semaphore_mem>>)
    %scan3A = arith.constant 0 : i32
    %scan3A_39 = arith.constant 0 : i32
    %scan3A_40 = arith.constant 32 : i32
    %scan3A_41 = arith.addi %scan3A_39, %scan3A_40 : i32
    %scan3A_42 = arith.constant 1 : i32
    %scan3A_43 = scf.for %scan3A_92 = %scan3A_39 to %scan3A_41 step %scan3A_42 iter_args(%scan3A_93 = %scan3A) -> (i32)  : i32 {
      %mul3A_94 = arith.constant 16 : i32
      %mul3A_95 = arith.muli %scan3A_92, %mul3A_94 : i32
      %swap3A_96 = arith.constant 0 : i32
      %swap3A_97 = arith.index_cast %swap3A_96 : i32 to index
      %swap3A_98 = arith.index_cast %mul3A_95 : i32 to index
      %swap3A_99 = tpu.vector_load %arg11[%swap3A_97, %swap3A_98] {strides = array<i32>} : memref<1x512xf32, #tpu.memory_space<vmem>>, vector<16xf32>,
      tpu.vector_store %arg11[%swap3A_97, %swap3A_98], %broadcast_in_dim3A_1 {strides = array<i32>} : memref<1x512xf32, #tpu.memory_space<vmem>>, vector<16xf32>,
      %scan3A_100 = arith.constant 0 : i32
      scf.yield %scan3A_100 : i32
    }
    %scan3A_44 = arith.constant 32 : i32
    tpu.wait_dma2 semaphore(%arg22 : memref<!tpu.dma_semaphore, #tpu.memory_space<semaphore_mem>>) src(%arg5 : memref<32768xf32, #tpu.memory_space<hbm>>) dst(%arg10 : memref<32768xf32, #tpu.memory_space<vmem>>)
    %ge3A = arith.constant 8 : i32
    %ge3A_45 = vector.broadcast %ge3A : i32 to vector<16xi32>
    %ge3A_46 = arith.cmpi sge, %iota3A, %ge3A_45 : vector<16xi32>
    %convert_element_type3A = arith.extui %ge3A_46 : vector<16xi1> to vector<16xi32>
    %and3A = arith.constant 7 : i32
    %and3A_47 = vector.broadcast %and3A : i32 to vector<16xi32>
    %and3A_48 = arith.andi %iota3A, %and3A_47 : vector<16xi32>
    %scan3A_49 = arith.constant 0 : i32
    %scan3A_50 = arith.constant 8 : i32
    %scan3A_51 = arith.addi %scan3A_49, %scan3A_50 : i32
    %scan3A_52 = arith.constant 1 : i32
    %scan3A_53 = scf.for %scan3A_92 = %scan3A_49 to %scan3A_51 step %scan3A_52 iter_args(%scan3A_93 = %broadcast_in_dim3A_1) -> (vector<16xf32>)  : i32 {
      %mul3A_94 = arith.constant 2 : i32
      %mul3A_95 = arith.muli %mul3A_94, %scan3A_92 : i32
      %add3A_96 = arith.constant 0 : i32
      %add3A_97 = arith.addi %mul3A_95, %add3A_96 : i32
      %dma_wait3A_98 = arith.constant 0 : i32
      %dma_wait3A_99 = arith.constant 0 : i32
      %dma_wait3A_100 = arith.constant 0 : i32
      %dma_wait3A_101 = tpu.memref_slice %arg2[%dma_wait3A_98, %dma_wait3A_99, %dma_wait3A_100] : memref<16384x2x32xf32, #tpu.memory_space<hbm>> -> memref<32x2x32xf32, #tpu.memory_space<hbm>>
      %dma_wait3A_102 = arith.constant 0 : i32
      %dma_wait3A_103 = arith.constant 0 : i32
      %dma_wait3A_104 = arith.constant 0 : i32
      %dma_wait3A_105 = tpu.memref_slice %arg2[%dma_wait3A_102, %dma_wait3A_103, %dma_wait3A_104] : memref<16384x2x32xf32, #tpu.memory_space<hbm>> -> memref<32x2x32xf32, #tpu.memory_space<hbm>>
      tpu.wait_dma2 semaphore(%arg20 : memref<!tpu.dma_semaphore, #tpu.memory_space<semaphore_mem>>) src(%dma_wait3A_105 : memref<32x2x32xf32, #tpu.memory_space<hbm>>) dst(%arg12 : memref<32x2x32xf32, #tpu.memory_space<vmem>>)
      %dma_wait3A_106 = arith.constant 0 : i32
      %dma_wait3A_107 = arith.constant 0 : i32
      %dma_wait3A_108 = tpu.memref_slice %arg3[%dma_wait3A_106, %dma_wait3A_107] : memref<16384x9xf32, #tpu.memory_space<hbm>> -> memref<32x9xf32, #tpu.memory_space<hbm>>
      %dma_wait3A_109 = arith.constant 0 : i32
      %dma_wait3A_110 = arith.constant 0 : i32
      %dma_wait3A_111 = tpu.memref_slice %arg3[%dma_wait3A_109, %dma_wait3A_110] : memref<16384x9xf32, #tpu.memory_space<hbm>> -> memref<32x9xf32, #tpu.memory_space<hbm>>
      tpu.wait_dma2 semaphore(%arg20 : memref<!tpu.dma_semaphore, #tpu.memory_space<semaphore_mem>>) src(%dma_wait3A_111 : memref<32x9xf32, #tpu.memory_space<hbm>>) dst(%arg14 : memref<32x9xf32, #tpu.memory_space<vmem>>)
      %dma_wait3A_112 = arith.constant 0 : i32
      %dma_wait3A_113 = arith.constant 0 : i32
      %dma_wait3A_114 = tpu.memref_slice %arg4[%dma_wait3A_112, %dma_wait3A_113] : memref<16384x8xi32, #tpu.memory_space<hbm>> -> memref<32x8xi32, #tpu.memory_space<hbm>>
      %dma_wait3A_115 = arith.constant 0 : i32
      %dma_wait3A_116 = arith.constant 0 : i32
      %dma_wait3A_117 = tpu.memref_slice %arg4[%dma_wait3A_115, %dma_wait3A_116] : memref<16384x8xi32, #tpu.memory_space<hbm>> -> memref<32x8xi32, #tpu.memory_space<hbm>>
      tpu.wait_dma2 semaphore(%arg20 : memref<!tpu.dma_semaphore, #tpu.memory_space<semaphore_mem>>) src(%dma_wait3A_117 : memref<32x8xi32, #tpu.memory_space<hbm>>) dst(%arg16 : memref<32x8xi32, #tpu.memory_space<vmem>>)
      %scan3A_118 = arith.constant 0 : i32
      %scan3A_119 = arith.constant 2 : i32
      %scan3A_120 = arith.addi %scan3A_118, %scan3A_119 : i32
      %scan3A_121 = arith.constant 1 : i32
      %scan3A_122 = scf.for %scan3A_180 = %scan3A_118 to %scan3A_120 step %scan3A_121 iter_args(%scan3A_181 = %scan3A_93) -> (vector<16xf32>)  : i32 {
        %mul3A_182 = arith.constant 16 : i32
        %mul3A_183 = arith.muli %scan3A_180, %mul3A_182 : i32
        %add3A_184 = vector.broadcast %mul3A_183 : i32 to vector<16xi32>
        %add3A_185 = arith.addi %iota3A, %add3A_184 : vector<16xi32>
        %add3A_186 = arith.constant 0 : i32
        %add3A_187 = vector.broadcast %add3A_186 : i32 to vector<16xi32>
        %add3A_188 = arith.addi %broadcast_in_dim3A_3, %add3A_187 : vector<16xi32>
        %gather3A = tpu.vector_load_idx %arg14[%add3A_185, %add3A_188] : memref<32x9xf32, #tpu.memory_space<vmem>>[vector<16xi32>, vector<16xi32>], vector<16xf32>,
        %add3A_189 = arith.constant 1 : i32
        %add3A_190 = vector.broadcast %add3A_189 : i32 to vector<16xi32>
        %add3A_191 = arith.addi %broadcast_in_dim3A_3, %add3A_190 : vector<16xi32>
        %gather3A_192 = tpu.vector_load_idx %arg14[%add3A_185, %add3A_191] : memref<32x9xf32, #tpu.memory_space<vmem>>[vector<16xi32>, vector<16xi32>], vector<16xf32>,
        %add3A_193 = arith.constant 2 : i32
        %add3A_194 = vector.broadcast %add3A_193 : i32 to vector<16xi32>
        %add3A_195 = arith.addi %broadcast_in_dim3A_3, %add3A_194 : vector<16xi32>
        %gather3A_196 = tpu.vector_load_idx %arg14[%add3A_185, %add3A_195] : memref<32x9xf32, #tpu.memory_space<vmem>>[vector<16xi32>, vector<16xi32>], vector<16xf32>,
        %add3A_197 = arith.constant 3 : i32
        %add3A_198 = vector.broadcast %add3A_197 : i32 to vector<16xi32>
        %add3A_199 = arith.addi %broadcast_in_dim3A_3, %add3A_198 : vector<16xi32>
        %gather3A_200 = tpu.vector_load_idx %arg14[%add3A_185, %add3A_199] : memref<32x9xf32, #tpu.memory_space<vmem>>[vector<16xi32>, vector<16xi32>], vector<16xf32>,
        %add3A_201 = arith.constant 4 : i32
        %add3A_202 = vector.broadcast %add3A_201 : i32 to vector<16xi32>
        %add3A_203 = arith.addi %broadcast_in_dim3A_3, %add3A_202 : vector<16xi32>
        %gather3A_204 = tpu.vector_load_idx %arg14[%add3A_185, %add3A_203] : memref<32x9xf32, #tpu.memory_space<vmem>>[vector<16xi32>, vector<16xi32>], vector<16xf32>,
        %add3A_205 = arith.constant 5 : i32
        %add3A_206 = vector.broadcast %add3A_205 : i32 to vector<16xi32>
        %add3A_207 = arith.addi %broadcast_in_dim3A_3, %add3A_206 : vector<16xi32>
        %gather3A_208 = tpu.vector_load_idx %arg14[%add3A_185, %add3A_207] : memref<32x9xf32, #tpu.memory_space<vmem>>[vector<16xi32>, vector<16xi32>], vector<16xf32>,
        %add3A_209 = arith.constant 6 : i32
        %add3A_210 = vector.broadcast %add3A_209 : i32 to vector<16xi32>
        %add3A_211 = arith.addi %broadcast_in_dim3A_3, %add3A_210 : vector<16xi32>
        %gather3A_212 = tpu.vector_load_idx %arg14[%add3A_185, %add3A_211] : memref<32x9xf32, #tpu.memory_space<vmem>>[vector<16xi32>, vector<16xi32>], vector<16xf32>,
        %add3A_213 = arith.constant 7 : i32
        %add3A_214 = vector.broadcast %add3A_213 : i32 to vector<16xi32>
        %add3A_215 = arith.addi %broadcast_in_dim3A_3, %add3A_214 : vector<16xi32>
        %gather3A_216 = tpu.vector_load_idx %arg14[%add3A_185, %add3A_215] : memref<32x9xf32, #tpu.memory_space<vmem>>[vector<16xi32>, vector<16xi32>], vector<16xf32>,
        %add3A_217 = arith.constant 8 : i32
        %add3A_218 = vector.broadcast %add3A_217 : i32 to vector<16xi32>
        %add3A_219 = arith.addi %broadcast_in_dim3A_3, %add3A_218 : vector<16xi32>
        %gather3A_220 = tpu.vector_load_idx %arg14[%add3A_185, %add3A_219] : memref<32x9xf32, #tpu.memory_space<vmem>>[vector<16xi32>, vector<16xi32>], vector<16xf32>,
        %max3A = arith.maximumf %gather3A, %gather3A_192 : vector<16xf32>
        %max3A_221 = arith.maximumf %max3A, %gather3A_196 : vector<16xf32>
        %max3A_222 = arith.maximumf %max3A_221, %gather3A_200 : vector<16xf32>
        %max3A_223 = arith.maximumf %max3A_222, %gather3A_204 : vector<16xf32>
        %max3A_224 = arith.maximumf %max3A_223, %gather3A_208 : vector<16xf32>
        %max3A_225 = arith.maximumf %max3A_224, %gather3A_212 : vector<16xf32>
        %max3A_226 = arith.maximumf %max3A_225, %gather3A_216 : vector<16xf32>
        %max3A_227 = arith.maximumf %max3A_226, %gather3A_220 : vector<16xf32>
        %sub3A = arith.subf %gather3A, %max3A_227 : vector<16xf32>
        %exp3A = math.exp %sub3A : vector<16xf32>
        %sub3A_228 = arith.subf %gather3A_192, %max3A_227 : vector<16xf32>
        %exp3A_229 = math.exp %sub3A_228 : vector<16xf32>
        %sub3A_230 = arith.subf %gather3A_196, %max3A_227 : vector<16xf32>
        %exp3A_231 = math.exp %sub3A_230 : vector<16xf32>
        %sub3A_232 = arith.subf %gather3A_200, %max3A_227 : vector<16xf32>
        %exp3A_233 = math.exp %sub3A_232 : vector<16xf32>
        %sub3A_234 = arith.subf %gather3A_204, %max3A_227 : vector<16xf32>
        %exp3A_235 = math.exp %sub3A_234 : vector<16xf32>
        %sub3A_236 = arith.subf %gather3A_208, %max3A_227 : vector<16xf32>
        %exp3A_237 = math.exp %sub3A_236 : vector<16xf32>
        %sub3A_238 = arith.subf %gather3A_212, %max3A_227 : vector<16xf32>
        %exp3A_239 = math.exp %sub3A_238 : vector<16xf32>
        %sub3A_240 = arith.subf %gather3A_216, %max3A_227 : vector<16xf32>
        %exp3A_241 = math.exp %sub3A_240 : vector<16xf32>
        %sub3A_242 = arith.subf %gather3A_220, %max3A_227 : vector<16xf32>
        %exp3A_243 = math.exp %sub3A_242 : vector<16xf32>
        %add3A_244 = arith.addf %exp3A, %exp3A_229 : vector<16xf32>
        %add3A_245 = arith.addf %add3A_244, %exp3A_231 : vector<16xf32>
        %add3A_246 = arith.addf %add3A_245, %exp3A_233 : vector<16xf32>
        %add3A_247 = arith.addf %add3A_246, %exp3A_235 : vector<16xf32>
        %add3A_248 = arith.addf %add3A_247, %exp3A_237 : vector<16xf32>
        %add3A_249 = arith.addf %add3A_248, %exp3A_239 : vector<16xf32>
        %add3A_250 = arith.addf %add3A_249, %exp3A_241 : vector<16xf32>
        %add3A_251 = arith.addf %add3A_250, %exp3A_243 : vector<16xf32>
        %div3A = arith.constant 1.000000e+00 : f32
        %div3A_252 = vector.broadcast %div3A : f32 to vector<16xf32>
        %div3A_253 = arith.divf %div3A_252, %add3A_251 : vector<16xf32>
        %mul3A_254 = arith.constant 8 : i32
        %mul3A_255 = vector.broadcast %mul3A_254 : i32 to vector<16xi32>
        %mul3A_256 = arith.muli %add3A_185, %mul3A_255 : vector<16xi32>
        %add3A_257 = arith.constant 0 : i32
        %add3A_258 = vector.broadcast %add3A_257 : i32 to vector<16xi32>
        %add3A_259 = arith.addi %mul3A_256, %add3A_258 : vector<16xi32>
        %mul3A_260 = arith.mulf %exp3A, %div3A_253 : vector<16xf32>
        tpu.vector_store_idx %arg18[%add3A_259], %mul3A_260 : memref<256xf32, #tpu.memory_space<vmem>>[vector<16xi32>], vector<16xf32>,
        %add3A_261 = arith.constant 1 : i32
        %add3A_262 = vector.broadcast %add3A_261 : i32 to vector<16xi32>
        %add3A_263 = arith.addi %mul3A_256, %add3A_262 : vector<16xi32>
        %mul3A_264 = arith.mulf %exp3A_229, %div3A_253 : vector<16xf32>
        tpu.vector_store_idx %arg18[%add3A_263], %mul3A_264 : memref<256xf32, #tpu.memory_space<vmem>>[vector<16xi32>], vector<16xf32>,
        %add3A_265 = arith.constant 2 : i32
        %add3A_266 = vector.broadcast %add3A_265 : i32 to vector<16xi32>
        %add3A_267 = arith.addi %mul3A_256, %add3A_266 : vector<16xi32>
        %mul3A_268 = arith.mulf %exp3A_231, %div3A_253 : vector<16xf32>
        tpu.vector_store_idx %arg18[%add3A_267], %mul3A_268 : memref<256xf32, #tpu.memory_space<vmem>>[vector<16xi32>], vector<16xf32>,
        %add3A_269 = arith.constant 3 : i32
        %add3A_270 = vector.broadcast %add3A_269 : i32 to vector<16xi32>
        %add3A_271 = arith.addi %mul3A_256, %add3A_270 : vector<16xi32>
        %mul3A_272 = arith.mulf %exp3A_233, %div3A_253 : vector<16xf32>
        tpu.vector_store_idx %arg18[%add3A_271], %mul3A_272 : memref<256xf32, #tpu.memory_space<vmem>>[vector<16xi32>], vector<16xf32>,
        %add3A_273 = arith.constant 4 : i32
        %add3A_274 = vector.broadcast %add3A_273 : i32 to vector<16xi32>
        %add3A_275 = arith.addi %mul3A_256, %add3A_274 : vector<16xi32>
        %mul3A_276 = arith.mulf %exp3A_235, %div3A_253 : vector<16xf32>
        tpu.vector_store_idx %arg18[%add3A_275], %mul3A_276 : memref<256xf32, #tpu.memory_space<vmem>>[vector<16xi32>], vector<16xf32>,
        %add3A_277 = arith.constant 5 : i32
        %add3A_278 = vector.broadcast %add3A_277 : i32 to vector<16xi32>
        %add3A_279 = arith.addi %mul3A_256, %add3A_278 : vector<16xi32>
        %mul3A_280 = arith.mulf %exp3A_237, %div3A_253 : vector<16xf32>
        tpu.vector_store_idx %arg18[%add3A_279], %mul3A_280 : memref<256xf32, #tpu.memory_space<vmem>>[vector<16xi32>], vector<16xf32>,
        %add3A_281 = arith.constant 6 : i32
        %add3A_282 = vector.broadcast %add3A_281 : i32 to vector<16xi32>
        %add3A_283 = arith.addi %mul3A_256, %add3A_282 : vector<16xi32>
        %mul3A_284 = arith.mulf %exp3A_239, %div3A_253 : vector<16xf32>
        tpu.vector_store_idx %arg18[%add3A_283], %mul3A_284 : memref<256xf32, #tpu.memory_space<vmem>>[vector<16xi32>], vector<16xf32>,
        %add3A_285 = arith.constant 7 : i32
        %add3A_286 = vector.broadcast %add3A_285 : i32 to vector<16xi32>
        %add3A_287 = arith.addi %mul3A_256, %add3A_286 : vector<16xi32>
        %mul3A_288 = arith.mulf %exp3A_241, %div3A_253 : vector<16xf32>
        tpu.vector_store_idx %arg18[%add3A_287], %mul3A_288 : memref<256xf32, #tpu.memory_space<vmem>>[vector<16xi32>], vector<16xf32>,
        %mul3A_289 = arith.mulf %exp3A_243, %div3A_253 : vector<16xf32>
        %add3A_290 = arith.addf %scan3A_181, %mul3A_289 : vector<16xf32>
        scf.yield %add3A_290 : vector<16xf32>
      }
      %scan3A_123 = arith.constant 2 : i32
      %scan3A_124 = arith.constant 0 : i32
      %scan3A_125 = arith.constant 0 : i32
      %scan3A_126 = arith.constant 16 : i32
      %scan3A_127 = arith.addi %scan3A_125, %scan3A_126 : i32
      %scan3A_128 = arith.constant 1 : i32
      %scan3A_129 = scf.for %scan3A_180 = %scan3A_125 to %scan3A_127 step %scan3A_128 iter_args(%scan3A_181 = %scan3A_124) -> (i32)  : i32 {
        %mul3A_182 = arith.constant 2 : i32
        %mul3A_183 = arith.muli %mul3A_182, %scan3A_180 : i32
        %add3A_184 = vector.broadcast %mul3A_183 : i32 to vector<16xi32>
        %add3A_185 = arith.addi %convert_element_type3A, %add3A_184 : vector<16xi32>
        %gather3A = tpu.vector_load_idx %arg16[%add3A_185, %and3A_48] : memref<32x8xi32, #tpu.memory_space<vmem>>[vector<16xi32>, vector<16xi32>], vector<16xi32>,
        %mul3A_186 = arith.constant 16 : i32
        %mul3A_187 = arith.muli %scan3A_180, %mul3A_186 : i32
        %get3A = arith.index_cast %mul3A_187 : i32 to index
        %get3A_188 = tpu.vector_load %arg18[%get3A] {strides = array<i32>} : memref<256xf32, #tpu.memory_space<vmem>>, vector<16xf32>,
        tpu.vector_store_idx %arg11[%broadcast_in_dim3A_3, %gather3A], %get3A_188 {add = true} : memref<1x512xf32, #tpu.memory_space<vmem>>[vector<16xi32>, vector<16xi32>], vector<16xf32>,
        %mul3A_189 = arith.constant 2 : i32
        %mul3A_190 = arith.muli %mul3A_189, %scan3A_180 : i32
        %add3A_191 = arith.constant 0 : i32
        %add3A_192 = arith.addi %mul3A_190, %add3A_191 : i32
        %get3A_193 = arith.constant 0 : i32
        %get3A_194 = arith.index_cast %add3A_192 : i32 to index
        %get3A_195 = arith.index_cast %get3A_193 : i32 to index
        %get3A_196 = arith.constant 0 : index
        %get3A_197 = tpu.vector_load %arg12[%get3A_194, %get3A_195, %get3A_196] {strides = array<i32>} : memref<32x2x32xf32, #tpu.memory_space<vmem>>, vector<16xf32>,
        %get3A_198 = arith.constant 0 : i32
        %get3A_199 = arith.index_cast %add3A_192 : i32 to index
        %get3A_200 = arith.index_cast %get3A_198 : i32 to index
        %get3A_201 = arith.constant 16 : index
        %get3A_202 = tpu.vector_load %arg12[%get3A_199, %get3A_200, %get3A_201] {strides = array<i32>} : memref<32x2x32xf32, #tpu.memory_space<vmem>>, vector<16xf32>,
        %get3A_203 = arith.constant 1 : i32
        %get3A_204 = arith.index_cast %add3A_192 : i32 to index
        %get3A_205 = arith.index_cast %get3A_203 : i32 to index
        %get3A_206 = arith.constant 0 : index
        %get3A_207 = tpu.vector_load %arg12[%get3A_204, %get3A_205, %get3A_206] {strides = array<i32>} : memref<32x2x32xf32, #tpu.memory_space<vmem>>, vector<16xf32>,
        %get3A_208 = arith.constant 1 : i32
        %get3A_209 = arith.index_cast %add3A_192 : i32 to index
        %get3A_210 = arith.index_cast %get3A_208 : i32 to index
        %get3A_211 = arith.constant 16 : index
        %get3A_212 = tpu.vector_load %arg12[%get3A_209, %get3A_210, %get3A_211] {strides = array<i32>} : memref<32x2x32xf32, #tpu.memory_space<vmem>>, vector<16xf32>,
        %slice3A = vector.extract_strided_slice %get3A_188 {offsets = [0], sizes = [1], strides = [1]} : vector<16xf32> to vector<1xf32>
        %squeeze3A = vector.extract %slice3A[0] : f32 from vector<1xf32>
        %slice3A_213 = vector.extract_strided_slice %gather3A {offsets = [0], sizes = [1], strides = [1]} : vector<16xi32> to vector<1xi32>
        %squeeze3A_214 = vector.extract %slice3A_213[0] : i32 from vector<1xi32>
        %mul3A_215 = arith.constant 64 : i32
        %mul3A_216 = arith.muli %squeeze3A_214, %mul3A_215 : i32
        %broadcast_in_dim3A_217 = vector.broadcast %mul3A_216 : i32 to vector<16xi32>
        %add3A_218 = arith.constant 0 : i32
        %add3A_219 = vector.broadcast %add3A_218 : i32 to vector<16xi32>
        %add3A_220 = arith.addi %iota3A, %add3A_219 : vector<16xi32>
        %add3A_221 = arith.addi %broadcast_in_dim3A_217, %add3A_220 : vector<16xi32>
        %mul3A_222 = vector.broadcast %squeeze3A : f32 to vector<16xf32>
        %mul3A_223 = arith.mulf %mul3A_222, %get3A_197 : vector<16xf32>
        tpu.vector_store_idx %arg10[%add3A_221], %mul3A_223 {add = true} : memref<32768xf32, #tpu.memory_space<vmem>>[vector<16xi32>], vector<16xf32>,
        %add3A_224 = arith.constant 16 : i32
        %add3A_225 = vector.broadcast %add3A_224 : i32 to vector<16xi32>
        %add3A_226 = arith.addi %iota3A, %add3A_225 : vector<16xi32>
        %add3A_227 = arith.addi %broadcast_in_dim3A_217, %add3A_226 : vector<16xi32>
        %mul3A_228 = vector.broadcast %squeeze3A : f32 to vector<16xf32>
        %mul3A_229 = arith.mulf %mul3A_228, %get3A_202 : vector<16xf32>
        tpu.vector_store_idx %arg10[%add3A_227], %mul3A_229 {add = true} : memref<32768xf32, #tpu.memory_space<vmem>>[vector<16xi32>], vector<16xf32>,
        %add3A_230 = arith.constant 32 : i32
        %add3A_231 = vector.broadcast %add3A_230 : i32 to vector<16xi32>
        %add3A_232 = arith.addi %iota3A, %add3A_231 : vector<16xi32>
        %add3A_233 = arith.addi %broadcast_in_dim3A_217, %add3A_232 : vector<16xi32>
        %mul3A_234 = vector.broadcast %squeeze3A : f32 to vector<16xf32>
        %mul3A_235 = arith.mulf %mul3A_234, %get3A_207 : vector<16xf32>
        tpu.vector_store_idx %arg10[%add3A_233], %mul3A_235 {add = true} : memref<32768xf32, #tpu.memory_space<vmem>>[vector<16xi32>], vector<16xf32>,
        %add3A_236 = arith.constant 48 : i32
        %add3A_237 = vector.broadcast %add3A_236 : i32 to vector<16xi32>
        %add3A_238 = arith.addi %iota3A, %add3A_237 : vector<16xi32>
        %add3A_239 = arith.addi %broadcast_in_dim3A_217, %add3A_238 : vector<16xi32>
        %mul3A_240 = vector.broadcast %squeeze3A : f32 to vector<16xf32>
        %mul3A_241 = arith.mulf %mul3A_240, %get3A_212 : vector<16xf32>
        tpu.vector_store_idx %arg10[%add3A_239], %mul3A_241 {add = true} : memref<32768xf32, #tpu.memory_space<vmem>>[vector<16xi32>], vector<16xf32>,
        %slice3A_242 = vector.extract_strided_slice %get3A_188 {offsets = [1], sizes = [1], strides = [1]} : vector<16xf32> to vector<1xf32>
        %squeeze3A_243 = vector.extract %slice3A_242[0] : f32 from vector<1xf32>
        %slice3A_244 = vector.extract_strided_slice %gather3A {offsets = [1], sizes = [1], strides = [1]} : vector<16xi32> to vector<1xi32>
        %squeeze3A_245 = vector.extract %slice3A_244[0] : i32 from vector<1xi32>
        %mul3A_246 = arith.constant 64 : i32
        %mul3A_247 = arith.muli %squeeze3A_245, %mul3A_246 : i32
        %broadcast_in_dim3A_248 = vector.broadcast %mul3A_247 : i32 to vector<16xi32>
        %add3A_249 = arith.constant 0 : i32
        %add3A_250 = vector.broadcast %add3A_249 : i32 to vector<16xi32>
        %add3A_251 = arith.addi %iota3A, %add3A_250 : vector<16xi32>
        %add3A_252 = arith.addi %broadcast_in_dim3A_248, %add3A_251 : vector<16xi32>
        %mul3A_253 = vector.broadcast %squeeze3A_243 : f32 to vector<16xf32>
        %mul3A_254 = arith.mulf %mul3A_253, %get3A_197 : vector<16xf32>
        tpu.vector_store_idx %arg10[%add3A_252], %mul3A_254 {add = true} : memref<32768xf32, #tpu.memory_space<vmem>>[vector<16xi32>], vector<16xf32>,
        %add3A_255 = arith.constant 16 : i32
        %add3A_256 = vector.broadcast %add3A_255 : i32 to vector<16xi32>
        %add3A_257 = arith.addi %iota3A, %add3A_256 : vector<16xi32>
        %add3A_258 = arith.addi %broadcast_in_dim3A_248, %add3A_257 : vector<16xi32>
        %mul3A_259 = vector.broadcast %squeeze3A_243 : f32 to vector<16xf32>
        %mul3A_260 = arith.mulf %mul3A_259, %get3A_202 : vector<16xf32>
        tpu.vector_store_idx %arg10[%add3A_258], %mul3A_260 {add = true} : memref<32768xf32, #tpu.memory_space<vmem>>[vector<16xi32>], vector<16xf32>,
        %add3A_261 = arith.constant 32 : i32
        %add3A_262 = vector.broadcast %add3A_261 : i32 to vector<16xi32>
        %add3A_263 = arith.addi %iota3A, %add3A_262 : vector<16xi32>
        %add3A_264 = arith.addi %broadcast_in_dim3A_248, %add3A_263 : vector<16xi32>
        %mul3A_265 = vector.broadcast %squeeze3A_243 : f32 to vector<16xf32>
        %mul3A_266 = arith.mulf %mul3A_265, %get3A_207 : vector<16xf32>
        tpu.vector_store_idx %arg10[%add3A_264], %mul3A_266 {add = true} : memref<32768xf32, #tpu.memory_space<vmem>>[vector<16xi32>], vector<16xf32>,
        %add3A_267 = arith.constant 48 : i32
        %add3A_268 = vector.broadcast %add3A_267 : i32 to vector<16xi32>
        %add3A_269 = arith.addi %iota3A, %add3A_268 : vector<16xi32>
        %add3A_270 = arith.addi %broadcast_in_dim3A_248, %add3A_269 : vector<16xi32>
        %mul3A_271 = vector.broadcast %squeeze3A_243 : f32 to vector<16xf32>
        %mul3A_272 = arith.mulf %mul3A_271, %get3A_212 : vector<16xf32>
        tpu.vector_store_idx %arg10[%add3A_270], %mul3A_272 {add = true} : memref<32768xf32, #tpu.memory_space<vmem>>[vector<16xi32>], vector<16xf32>,
        %slice3A_273 = vector.extract_strided_slice %get3A_188 {offsets = [2], sizes = [1], strides = [1]} : vector<16xf32> to vector<1xf32>
        %squeeze3A_274 = vector.extract %slice3A_273[0] : f32 from vector<1xf32>
        %slice3A_275 = vector.extract_strided_slice %gather3A {offsets = [2], sizes = [1], strides = [1]} : vector<16xi32> to vector<1xi32>
        %squeeze3A_276 = vector.extract %slice3A_275[0] : i32 from vector<1xi32>
        %mul3A_277 = arith.constant 64 : i32
        %mul3A_278 = arith.muli %squeeze3A_276, %mul3A_277 : i32
        %broadcast_in_dim3A_279 = vector.broadcast %mul3A_278 : i32 to vector<16xi32>
        %add3A_280 = arith.constant 0 : i32
        %add3A_281 = vector.broadcast %add3A_280 : i32 to vector<16xi32>
        %add3A_282 = arith.addi %iota3A, %add3A_281 : vector<16xi32>
        %add3A_283 = arith.addi %broadcast_in_dim3A_279, %add3A_282 : vector<16xi32>
        %mul3A_284 = vector.broadcast %squeeze3A_274 : f32 to vector<16xf32>
        %mul3A_285 = arith.mulf %mul3A_284, %get3A_197 : vector<16xf32>
        tpu.vector_store_idx %arg10[%add3A_283], %mul3A_285 {add = true} : memref<32768xf32, #tpu.memory_space<vmem>>[vector<16xi32>], vector<16xf32>,
        %add3A_286 = arith.constant 16 : i32
        %add3A_287 = vector.broadcast %add3A_286 : i32 to vector<16xi32>
        %add3A_288 = arith.addi %iota3A, %add3A_287 : vector<16xi32>
        %add3A_289 = arith.addi %broadcast_in_dim3A_279, %add3A_288 : vector<16xi32>
        %mul3A_290 = vector.broadcast %squeeze3A_274 : f32 to vector<16xf32>
        %mul3A_291 = arith.mulf %mul3A_290, %get3A_202 : vector<16xf32>
        tpu.vector_store_idx %arg10[%add3A_289], %mul3A_291 {add = true} : memref<32768xf32, #tpu.memory_space<vmem>>[vector<16xi32>], vector<16xf32>,
        %add3A_292 = arith.constant 32 : i32
        %add3A_293 = vector.broadcast %add3A_292 : i32 to vector<16xi32>
        %add3A_294 = arith.addi %iota3A, %add3A_293 : vector<16xi32>
        %add3A_295 = arith.addi %broadcast_in_dim3A_279, %add3A_294 : vector<16xi32>
        %mul3A_296 = vector.broadcast %squeeze3A_274 : f32 to vector<16xf32>
        %mul3A_297 = arith.mulf %mul3A_296, %get3A_207 : vector<16xf32>
        tpu.vector_store_idx %arg10[%add3A_295], %mul3A_297 {add = true} : memref<32768xf32, #tpu.memory_space<vmem>>[vector<16xi32>], vector<16xf32>,
        %add3A_298 = arith.constant 48 : i32
        %add3A_299 = vector.broadcast %add3A_298 : i32 to vector<16xi32>
        %add3A_300 = arith.addi %iota3A, %add3A_299 : vector<16xi32>
        %add3A_301 = arith.addi %broadcast_in_dim3A_279, %add3A_300 : vector<16xi32>
        %mul3A_302 = vector.broadcast %squeeze3A_274 : f32 to vector<16xf32>
        %mul3A_303 = arith.mulf %mul3A_302, %get3A_212 : vector<16xf32>
        tpu.vector_store_idx %arg10[%add3A_301], %mul3A_303 {add = true} : memref<32768xf32, #tpu.memory_space<vmem>>[vector<16xi32>], vector<16xf32>,
        %slice3A_304 = vector.extract_strided_slice %get3A_188 {offsets = [3], sizes = [1], strides = [1]} : vector<16xf32> to vector<1xf32>
        %squeeze3A_305 = vector.extract %slice3A_304[0] : f32 from vector<1xf32>
        %slice3A_306 = vector.extract_strided_slice %gather3A {offsets = [3], sizes = [1], strides = [1]} : vector<16xi32> to vector<1xi32>
        %squeeze3A_307 = vector.extract %slice3A_306[0] : i32 from vector<1xi32>
        %mul3A_308 = arith.constant 64 : i32
        %mul3A_309 = arith.muli %squeeze3A_307, %mul3A_308 : i32
        %broadcast_in_dim3A_310 = vector.broadcast %mul3A_309 : i32 to vector<16xi32>
        %add3A_311 = arith.constant 0 : i32
        %add3A_312 = vector.broadcast %add3A_311 : i32 to vector<16xi32>
        %add3A_313 = arith.addi %iota3A, %add3A_312 : vector<16xi32>
        %add3A_314 = arith.addi %broadcast_in_dim3A_310, %add3A_313 : vector<16xi32>
        %mul3A_315 = vector.broadcast %squeeze3A_305 : f32 to vector<16xf32>
        %mul3A_316 = arith.mulf %mul3A_315, %get3A_197 : vector<16xf32>
        tpu.vector_store_idx %arg10[%add3A_314], %mul3A_316 {add = true} : memref<32768xf32, #tpu.memory_space<vmem>>[vector<16xi32>], vector<16xf32>,
        %add3A_317 = arith.constant 16 : i32
        %add3A_318 = vector.broadcast %add3A_317 : i32 to vector<16xi32>
        %add3A_319 = arith.addi %iota3A, %add3A_318 : vector<16xi32>
        %add3A_320 = arith.addi %broadcast_in_dim3A_310, %add3A_319 : vector<16xi32>
        %mul3A_321 = vector.broadcast %squeeze3A_305 : f32 to vector<16xf32>
        %mul3A_322 = arith.mulf %mul3A_321, %get3A_202 : vector<16xf32>
        tpu.vector_store_idx %arg10[%add3A_320], %mul3A_322 {add = true} : memref<32768xf32, #tpu.memory_space<vmem>>[vector<16xi32>], vector<16xf32>,
        %add3A_323 = arith.constant 32 : i32
        %add3A_324 = vector.broadcast %add3A_323 : i32 to vector<16xi32>
        %add3A_325 = arith.addi %iota3A, %add3A_324 : vector<16xi32>
        %add3A_326 = arith.addi %broadcast_in_dim3A_310, %add3A_325 : vector<16xi32>
        %mul3A_327 = vector.broadcast %squeeze3A_305 : f32 to vector<16xf32>
        %mul3A_328 = arith.mulf %mul3A_327, %get3A_207 : vector<16xf32>
        tpu.vector_store_idx %arg10[%add3A_326], %mul3A_328 {add = true} : memref<32768xf32, #tpu.memory_space<vmem>>[vector<16xi32>], vector<16xf32>,
        %add3A_329 = arith.constant 48 : i32
        %add3A_330 = vector.broadcast %add3A_329 : i32 to vector<16xi32>
        %add3A_331 = arith.addi %iota3A, %add3A_330 : vector<16xi32>
        %add3A_332 = arith.addi %broadcast_in_dim3A_310, %add3A_331 : vector<16xi32>
        %mul3A_333 = vector.broadcast %squeeze3A_305 : f32 to vector<16xf32>
        %mul3A_334 = arith.mulf %mul3A_333, %get3A_212 : vector<16xf32>
        tpu.vector_store_idx %arg10[%add3A_332], %mul3A_334 {add = true} : memref<32768xf32, #tpu.memory_space<vmem>>[vector<16xi32>], vector<16xf32>,
        %slice3A_335 = vector.extract_strided_slice %get3A_188 {offsets = [4], sizes = [1], strides = [1]} : vector<16xf32> to vector<1xf32>
        %squeeze3A_336 = vector.extract %slice3A_335[0] : f32 from vector<1xf32>
        %slice3A_337 = vector.extract_strided_slice %gather3A {offsets = [4], sizes = [1], strides = [1]} : vector<16xi32> to vector<1xi32>
        %squeeze3A_338 = vector.extract %slice3A_337[0] : i32 from vector<1xi32>
        %mul3A_339 = arith.constant 64 : i32
        %mul3A_340 = arith.muli %squeeze3A_338, %mul3A_339 : i32
        %broadcast_in_dim3A_341 = vector.broadcast %mul3A_340 : i32 to vector<16xi32>
        %add3A_342 = arith.constant 0 : i32
        %add3A_343 = vector.broadcast %add3A_342 : i32 to vector<16xi32>
        %add3A_344 = arith.addi %iota3A, %add3A_343 : vector<16xi32>
        %add3A_345 = arith.addi %broadcast_in_dim3A_341, %add3A_344 : vector<16xi32>
        %mul3A_346 = vector.broadcast %squeeze3A_336 : f32 to vector<16xf32>
        %mul3A_347 = arith.mulf %mul3A_346, %get3A_197 : vector<16xf32>
        tpu.vector_store_idx %arg10[%add3A_345], %mul3A_347 {add = true} : memref<32768xf32, #tpu.memory_space<vmem>>[vector<16xi32>], vector<16xf32>,
        %add3A_348 = arith.constant 16 : i32
        %add3A_349 = vector.broadcast %add3A_348 : i32 to vector<16xi32>
        %add3A_350 = arith.addi %iota3A, %add3A_349 : vector<16xi32>
        %add3A_351 = arith.addi %broadcast_in_dim3A_341, %add3A_350 : vector<16xi32>
        %mul3A_352 = vector.broadcast %squeeze3A_336 : f32 to vector<16xf32>
        %mul3A_353 = arith.mulf %mul3A_352, %get3A_202 : vector<16xf32>
        tpu.vector_store_idx %arg10[%add3A_351], %mul3A_353 {add = true} : memref<32768xf32, #tpu.memory_space<vmem>>[vector<16xi32>], vector<16xf32>,
        %add3A_354 = arith.constant 32 : i32
        %add3A_355 = vector.broadcast %add3A_354 : i32 to vector<16xi32>
        %add3A_356 = arith.addi %iota3A, %add3A_355 : vector<16xi32>
        %add3A_357 = arith.addi %broadcast_in_dim3A_341, %add3A_356 : vector<16xi32>
        %mul3A_358 = vector.broadcast %squeeze3A_336 : f32 to vector<16xf32>
        %mul3A_359 = arith.mulf %mul3A_358, %get3A_207 : vector<16xf32>
        tpu.vector_store_idx %arg10[%add3A_357], %mul3A_359 {add = true} : memref<32768xf32, #tpu.memory_space<vmem>>[vector<16xi32>], vector<16xf32>,
        %add3A_360 = arith.constant 48 : i32
        %add3A_361 = vector.broadcast %add3A_360 : i32 to vector<16xi32>
        %add3A_362 = arith.addi %iota3A, %add3A_361 : vector<16xi32>
        %add3A_363 = arith.addi %broadcast_in_dim3A_341, %add3A_362 : vector<16xi32>
        %mul3A_364 = vector.broadcast %squeeze3A_336 : f32 to vector<16xf32>
        %mul3A_365 = arith.mulf %mul3A_364, %get3A_212 : vector<16xf32>
        tpu.vector_store_idx %arg10[%add3A_363], %mul3A_365 {add = true} : memref<32768xf32, #tpu.memory_space<vmem>>[vector<16xi32>], vector<16xf32>,
        %slice3A_366 = vector.extract_strided_slice %get3A_188 {offsets = [5], sizes = [1], strides = [1]} : vector<16xf32> to vector<1xf32>
        %squeeze3A_367 = vector.extract %slice3A_366[0] : f32 from vector<1xf32>
        %slice3A_368 = vector.extract_strided_slice %gather3A {offsets = [5], sizes = [1], strides = [1]} : vector<16xi32> to vector<1xi32>
        %squeeze3A_369 = vector.extract %slice3A_368[0] : i32 from vector<1xi32>
        %mul3A_370 = arith.constant 64 : i32
        %mul3A_371 = arith.muli %squeeze3A_369, %mul3A_370 : i32
        %broadcast_in_dim3A_372 = vector.broadcast %mul3A_371 : i32 to vector<16xi32>
        %add3A_373 = arith.constant 0 : i32
        %add3A_374 = vector.broadcast %add3A_373 : i32 to vector<16xi32>
        %add3A_375 = arith.addi %iota3A, %add3A_374 : vector<16xi32>
        %add3A_376 = arith.addi %broadcast_in_dim3A_372, %add3A_375 : vector<16xi32>
        %mul3A_377 = vector.broadcast %squeeze3A_367 : f32 to vector<16xf32>
        %mul3A_378 = arith.mulf %mul3A_377, %get3A_197 : vector<16xf32>
        tpu.vector_store_idx %arg10[%add3A_376], %mul3A_378 {add = true} : memref<32768xf32, #tpu.memory_space<vmem>>[vector<16xi32>], vector<16xf32>,
        %add3A_379 = arith.constant 16 : i32
        %add3A_380 = vector.broadcast %add3A_379 : i32 to vector<16xi32>
        %add3A_381 = arith.addi %iota3A, %add3A_380 : vector<16xi32>
        %add3A_382 = arith.addi %broadcast_in_dim3A_372, %add3A_381 : vector<16xi32>
        %mul3A_383 = vector.broadcast %squeeze3A_367 : f32 to vector<16xf32>
        %mul3A_384 = arith.mulf %mul3A_383, %get3A_202 : vector<16xf32>
        tpu.vector_store_idx %arg10[%add3A_382], %mul3A_384 {add = true} : memref<32768xf32, #tpu.memory_space<vmem>>[vector<16xi32>], vector<16xf32>,
        %add3A_385 = arith.constant 32 : i32
        %add3A_386 = vector.broadcast %add3A_385 : i32 to vector<16xi32>
        %add3A_387 = arith.addi %iota3A, %add3A_386 : vector<16xi32>
        %add3A_388 = arith.addi %broadcast_in_dim3A_372, %add3A_387 : vector<16xi32>
        %mul3A_389 = vector.broadcast %squeeze3A_367 : f32 to vector<16xf32>
        %mul3A_390 = arith.mulf %mul3A_389, %get3A_207 : vector<16xf32>
        tpu.vector_store_idx %arg10[%add3A_388], %mul3A_390 {add = true} : memref<32768xf32, #tpu.memory_space<vmem>>[vector<16xi32>], vector<16xf32>,
        %add3A_391 = arith.constant 48 : i32
        %add3A_392 = vector.broadcast %add3A_391 : i32 to vector<16xi32>
        %add3A_393 = arith.addi %iota3A, %add3A_392 : vector<16xi32>
        %add3A_394 = arith.addi %broadcast_in_dim3A_372, %add3A_393 : vector<16xi32>
        %mul3A_395 = vector.broadcast %squeeze3A_367 : f32 to vector<16xf32>
        %mul3A_396 = arith.mulf %mul3A_395, %get3A_212 : vector<16xf32>
        tpu.vector_store_idx %arg10[%add3A_394], %mul3A_396 {add = true} : memref<32768xf32, #tpu.memory_space<vmem>>[vector<16xi32>], vector<16xf32>,
        %slice3A_397 = vector.extract_strided_slice %get3A_188 {offsets = [6], sizes = [1], strides = [1]} : vector<16xf32> to vector<1xf32>
        %squeeze3A_398 = vector.extract %slice3A_397[0] : f32 from vector<1xf32>
        %slice3A_399 = vector.extract_strided_slice %gather3A {offsets = [6], sizes = [1], strides = [1]} : vector<16xi32> to vector<1xi32>
        %squeeze3A_400 = vector.extract %slice3A_399[0] : i32 from vector<1xi32>
        %mul3A_401 = arith.constant 64 : i32
        %mul3A_402 = arith.muli %squeeze3A_400, %mul3A_401 : i32
        %broadcast_in_dim3A_403 = vector.broadcast %mul3A_402 : i32 to vector<16xi32>
        %add3A_404 = arith.constant 0 : i32
        %add3A_405 = vector.broadcast %add3A_404 : i32 to vector<16xi32>
        %add3A_406 = arith.addi %iota3A, %add3A_405 : vector<16xi32>
        %add3A_407 = arith.addi %broadcast_in_dim3A_403, %add3A_406 : vector<16xi32>
        %mul3A_408 = vector.broadcast %squeeze3A_398 : f32 to vector<16xf32>
        %mul3A_409 = arith.mulf %mul3A_408, %get3A_197 : vector<16xf32>
        tpu.vector_store_idx %arg10[%add3A_407], %mul3A_409 {add = true} : memref<32768xf32, #tpu.memory_space<vmem>>[vector<16xi32>], vector<16xf32>,
        %add3A_410 = arith.constant 16 : i32
        %add3A_411 = vector.broadcast %add3A_410 : i32 to vector<16xi32>
        %add3A_412 = arith.addi %iota3A, %add3A_411 : vector<16xi32>
        %add3A_413 = arith.addi %broadcast_in_dim3A_403, %add3A_412 : vector<16xi32>
        %mul3A_414 = vector.broadcast %squeeze3A_398 : f32 to vector<16xf32>
        %mul3A_415 = arith.mulf %mul3A_414, %get3A_202 : vector<16xf32>
        tpu.vector_store_idx %arg10[%add3A_413], %mul3A_415 {add = true} : memref<32768xf32, #tpu.memory_space<vmem>>[vector<16xi32>], vector<16xf32>,
        %add3A_416 = arith.constant 32 : i32
        %add3A_417 = vector.broadcast %add3A_416 : i32 to vector<16xi32>
        %add3A_418 = arith.addi %iota3A, %add3A_417 : vector<16xi32>
        %add3A_419 = arith.addi %broadcast_in_dim3A_403, %add3A_418 : vector<16xi32>
        %mul3A_420 = vector.broadcast %squeeze3A_398 : f32 to vector<16xf32>
        %mul3A_421 = arith.mulf %mul3A_420, %get3A_207 : vector<16xf32>
        tpu.vector_store_idx %arg10[%add3A_419], %mul3A_421 {add = true} : memref<32768xf32, #tpu.memory_space<vmem>>[vector<16xi32>], vector<16xf32>,
        %add3A_422 = arith.constant 48 : i32
        %add3A_423 = vector.broadcast %add3A_422 : i32 to vector<16xi32>
        %add3A_424 = arith.addi %iota3A, %add3A_423 : vector<16xi32>
        %add3A_425 = arith.addi %broadcast_in_dim3A_403, %add3A_424 : vector<16xi32>
        %mul3A_426 = vector.broadcast %squeeze3A_398 : f32 to vector<16xf32>
        %mul3A_427 = arith.mulf %mul3A_426, %get3A_212 : vector<16xf32>
        tpu.vector_store_idx %arg10[%add3A_425], %mul3A_427 {add = true} : memref<32768xf32, #tpu.memory_space<vmem>>[vector<16xi32>], vector<16xf32>,
        %slice3A_428 = vector.extract_strided_slice %get3A_188 {offsets = [7], sizes = [1], strides = [1]} : vector<16xf32> to vector<1xf32>
        %squeeze3A_429 = vector.extract %slice3A_428[0] : f32 from vector<1xf32>
        %slice3A_430 = vector.extract_strided_slice %gather3A {offsets = [7], sizes = [1], strides = [1]} : vector<16xi32> to vector<1xi32>
        %squeeze3A_431 = vector.extract %slice3A_430[0] : i32 from vector<1xi32>
        %mul3A_432 = arith.constant 64 : i32
        %mul3A_433 = arith.muli %squeeze3A_431, %mul3A_432 : i32
        %broadcast_in_dim3A_434 = vector.broadcast %mul3A_433 : i32 to vector<16xi32>
        %add3A_435 = arith.constant 0 : i32
        %add3A_436 = vector.broadcast %add3A_435 : i32 to vector<16xi32>
        %add3A_437 = arith.addi %iota3A, %add3A_436 : vector<16xi32>
        %add3A_438 = arith.addi %broadcast_in_dim3A_434, %add3A_437 : vector<16xi32>
        %mul3A_439 = vector.broadcast %squeeze3A_429 : f32 to vector<16xf32>
        %mul3A_440 = arith.mulf %mul3A_439, %get3A_197 : vector<16xf32>
        tpu.vector_store_idx %arg10[%add3A_438], %mul3A_440 {add = true} : memref<32768xf32, #tpu.memory_space<vmem>>[vector<16xi32>], vector<16xf32>,
        %add3A_441 = arith.constant 16 : i32
        %add3A_442 = vector.broadcast %add3A_441 : i32 to vector<16xi32>
        %add3A_443 = arith.addi %iota3A, %add3A_442 : vector<16xi32>
        %add3A_444 = arith.addi %broadcast_in_dim3A_434, %add3A_443 : vector<16xi32>
        %mul3A_445 = vector.broadcast %squeeze3A_429 : f32 to vector<16xf32>
        %mul3A_446 = arith.mulf %mul3A_445, %get3A_202 : vector<16xf32>
        tpu.vector_store_idx %arg10[%add3A_444], %mul3A_446 {add = true} : memref<32768xf32, #tpu.memory_space<vmem>>[vector<16xi32>], vector<16xf32>,
        %add3A_447 = arith.constant 32 : i32
        %add3A_448 = vector.broadcast %add3A_447 : i32 to vector<16xi32>
        %add3A_449 = arith.addi %iota3A, %add3A_448 : vector<16xi32>
        %add3A_450 = arith.addi %broadcast_in_dim3A_434, %add3A_449 : vector<16xi32>
        %mul3A_451 = vector.broadcast %squeeze3A_429 : f32 to vector<16xf32>
        %mul3A_452 = arith.mulf %mul3A_451, %get3A_207 : vector<16xf32>
        tpu.vector_store_idx %arg10[%add3A_450], %mul3A_452 {add = true} : memref<32768xf32, #tpu.memory_space<vmem>>[vector<16xi32>], vector<16xf32>,
        %add3A_453 = arith.constant 48 : i32
        %add3A_454 = vector.broadcast %add3A_453 : i32 to vector<16xi32>
        %add3A_455 = arith.addi %iota3A, %add3A_454 : vector<16xi32>
        %add3A_456 = arith.addi %broadcast_in_dim3A_434, %add3A_455 : vector<16xi32>
        %mul3A_457 = vector.broadcast %squeeze3A_429 : f32 to vector<16xf32>
        %mul3A_458 = arith.mulf %mul3A_457, %get3A_212 : vector<16xf32>
        tpu.vector_store_idx %arg10[%add3A_456], %mul3A_458 {add = true} : memref<32768xf32, #tpu.memory_space<vmem>>[vector<16xi32>], vector<16xf32>,
        %mul3A_459 = arith.constant 2 : i32
        %mul3A_460 = arith.muli %mul3A_459, %scan3A_180 : i32
        %add3A_461 = arith.constant 1 : i32
        %add3A_462 = arith.addi %mul3A_460, %add3A_461 : i32
        %get3A_463 = arith.constant 0 : i32
        %get3A_464 = arith.index_cast %add3A_462 : i32 to index
        %get3A_465 = arith.index_cast %get3A_463 : i32 to index
        %get3A_466 = arith.constant 0 : index
        %get3A_467 = tpu.vector_load %arg12[%get3A_464, %get3A_465, %get3A_466] {strides = array<i32>} : memref<32x2x32xf32, #tpu.memory_space<vmem>>, vector<16xf32>,
        %get3A_468 = arith.constant 0 : i32
        %get3A_469 = arith.index_cast %add3A_462 : i32 to index
        %get3A_470 = arith.index_cast %get3A_468 : i32 to index
        %get3A_471 = arith.constant 16 : index
        %get3A_472 = tpu.vector_load %arg12[%get3A_469, %get3A_470, %get3A_471] {strides = array<i32>} : memref<32x2x32xf32, #tpu.memory_space<vmem>>, vector<16xf32>,
        %get3A_473 = arith.constant 1 : i32
        %get3A_474 = arith.index_cast %add3A_462 : i32 to index
        %get3A_475 = arith.index_cast %get3A_473 : i32 to index
        %get3A_476 = arith.constant 0 : index
        %get3A_477 = tpu.vector_load %arg12[%get3A_474, %get3A_475, %get3A_476] {strides = array<i32>} : memref<32x2x32xf32, #tpu.memory_space<vmem>>, vector<16xf32>,
        %get3A_478 = arith.constant 1 : i32
        %get3A_479 = arith.index_cast %add3A_462 : i32 to index
        %get3A_480 = arith.index_cast %get3A_478 : i32 to index
        %get3A_481 = arith.constant 16 : index
        %get3A_482 = tpu.vector_load %arg12[%get3A_479, %get3A_480, %get3A_481] {strides = array<i32>} : memref<32x2x32xf32, #tpu.memory_space<vmem>>, vector<16xf32>,
        %slice3A_483 = vector.extract_strided_slice %get3A_188 {offsets = [8], sizes = [1], strides = [1]} : vector<16xf32> to vector<1xf32>
        %squeeze3A_484 = vector.extract %slice3A_483[0] : f32 from vector<1xf32>
        %slice3A_485 = vector.extract_strided_slice %gather3A {offsets = [8], sizes = [1], strides = [1]} : vector<16xi32> to vector<1xi32>
        %squeeze3A_486 = vector.extract %slice3A_485[0] : i32 from vector<1xi32>
        %mul3A_487 = arith.constant 64 : i32
        %mul3A_488 = arith.muli %squeeze3A_486, %mul3A_487 : i32
        %broadcast_in_dim3A_489 = vector.broadcast %mul3A_488 : i32 to vector<16xi32>
        %add3A_490 = arith.constant 0 : i32
        %add3A_491 = vector.broadcast %add3A_490 : i32 to vector<16xi32>
        %add3A_492 = arith.addi %iota3A, %add3A_491 : vector<16xi32>
        %add3A_493 = arith.addi %broadcast_in_dim3A_489, %add3A_492 : vector<16xi32>
        %mul3A_494 = vector.broadcast %squeeze3A_484 : f32 to vector<16xf32>
        %mul3A_495 = arith.mulf %mul3A_494, %get3A_467 : vector<16xf32>
        tpu.vector_store_idx %arg10[%add3A_493], %mul3A_495 {add = true} : memref<32768xf32, #tpu.memory_space<vmem>>[vector<16xi32>], vector<16xf32>,
        %add3A_496 = arith.constant 16 : i32
        %add3A_497 = vector.broadcast %add3A_496 : i32 to vector<16xi32>
        %add3A_498 = arith.addi %iota3A, %add3A_497 : vector<16xi32>
        %add3A_499 = arith.addi %broadcast_in_dim3A_489, %add3A_498 : vector<16xi32>
        %mul3A_500 = vector.broadcast %squeeze3A_484 : f32 to vector<16xf32>
        %mul3A_501 = arith.mulf %mul3A_500, %get3A_472 : vector<16xf32>
        tpu.vector_store_idx %arg10[%add3A_499], %mul3A_501 {add = true} : memref<32768xf32, #tpu.memory_space<vmem>>[vector<16xi32>], vector<16xf32>,
        %add3A_502 = arith.constant 32 : i32
        %add3A_503 = vector.broadcast %add3A_502 : i32 to vector<16xi32>
        %add3A_504 = arith.addi %iota3A, %add3A_503 : vector<16xi32>
        %add3A_505 = arith.addi %broadcast_in_dim3A_489, %add3A_504 : vector<16xi32>
        %mul3A_506 = vector.broadcast %squeeze3A_484 : f32 to vector<16xf32>
        %mul3A_507 = arith.mulf %mul3A_506, %get3A_477 : vector<16xf32>
        tpu.vector_store_idx %arg10[%add3A_505], %mul3A_507 {add = true} : memref<32768xf32, #tpu.memory_space<vmem>>[vector<16xi32>], vector<16xf32>,
        %add3A_508 = arith.constant 48 : i32
        %add3A_509 = vector.broadcast %add3A_508 : i32 to vector<16xi32>
        %add3A_510 = arith.addi %iota3A, %add3A_509 : vector<16xi32>
        %add3A_511 = arith.addi %broadcast_in_dim3A_489, %add3A_510 : vector<16xi32>
        %mul3A_512 = vector.broadcast %squeeze3A_484 : f32 to vector<16xf32>
        %mul3A_513 = arith.mulf %mul3A_512, %get3A_482 : vector<16xf32>
        tpu.vector_store_idx %arg10[%add3A_511], %mul3A_513 {add = true} : memref<32768xf32, #tpu.memory_space<vmem>>[vector<16xi32>], vector<16xf32>,
        %slice3A_514 = vector.extract_strided_slice %get3A_188 {offsets = [9], sizes = [1], strides = [1]} : vector<16xf32> to vector<1xf32>
        %squeeze3A_515 = vector.extract %slice3A_514[0] : f32 from vector<1xf32>
        %slice3A_516 = vector.extract_strided_slice %gather3A {offsets = [9], sizes = [1], strides = [1]} : vector<16xi32> to vector<1xi32>
        %squeeze3A_517 = vector.extract %slice3A_516[0] : i32 from vector<1xi32>
        %mul3A_518 = arith.constant 64 : i32
        %mul3A_519 = arith.muli %squeeze3A_517, %mul3A_518 : i32
        %broadcast_in_dim3A_520 = vector.broadcast %mul3A_519 : i32 to vector<16xi32>
        %add3A_521 = arith.constant 0 : i32
        %add3A_522 = vector.broadcast %add3A_521 : i32 to vector<16xi32>
        %add3A_523 = arith.addi %iota3A, %add3A_522 : vector<16xi32>
        %add3A_524 = arith.addi %broadcast_in_dim3A_520, %add3A_523 : vector<16xi32>
        %mul3A_525 = vector.broadcast %squeeze3A_515 : f32 to vector<16xf32>
        %mul3A_526 = arith.mulf %mul3A_525, %get3A_467 : vector<16xf32>
        tpu.vector_store_idx %arg10[%add3A_524], %mul3A_526 {add = true} : memref<32768xf32, #tpu.memory_space<vmem>>[vector<16xi32>], vector<16xf32>,
        %add3A_527 = arith.constant 16 : i32
        %add3A_528 = vector.broadcast %add3A_527 : i32 to vector<16xi32>
        %add3A_529 = arith.addi %iota3A, %add3A_528 : vector<16xi32>
        %add3A_530 = arith.addi %broadcast_in_dim3A_520, %add3A_529 : vector<16xi32>
        %mul3A_531 = vector.broadcast %squeeze3A_515 : f32 to vector<16xf32>
        %mul3A_532 = arith.mulf %mul3A_531, %get3A_472 : vector<16xf32>
        tpu.vector_store_idx %arg10[%add3A_530], %mul3A_532 {add = true} : memref<32768xf32, #tpu.memory_space<vmem>>[vector<16xi32>], vector<16xf32>,
        %add3A_533 = arith.constant 32 : i32
        %add3A_534 = vector.broadcast %add3A_533 : i32 to vector<16xi32>
        %add3A_535 = arith.addi %iota3A, %add3A_534 : vector<16xi32>
        %add3A_536 = arith.addi %broadcast_in_dim3A_520, %add3A_535 : vector<16xi32>
        %mul3A_537 = vector.broadcast %squeeze3A_515 : f32 to vector<16xf32>
        %mul3A_538 = arith.mulf %mul3A_537, %get3A_477 : vector<16xf32>
        tpu.vector_store_idx %arg10[%add3A_536], %mul3A_538 {add = true} : memref<32768xf32, #tpu.memory_space<vmem>>[vector<16xi32>], vector<16xf32>,
        %add3A_539 = arith.constant 48 : i32
        %add3A_540 = vector.broadcast %add3A_539 : i32 to vector<16xi32>
        %add3A_541 = arith.addi %iota3A, %add3A_540 : vector<16xi32>
        %add3A_542 = arith.addi %broadcast_in_dim3A_520, %add3A_541 : vector<16xi32>
        %mul3A_543 = vector.broadcast %squeeze3A_515 : f32 to vector<16xf32>
        %mul3A_544 = arith.mulf %mul3A_543, %get3A_482 : vector<16xf32>
        tpu.vector_store_idx %arg10[%add3A_542], %mul3A_544 {add = true} : memref<32768xf32, #tpu.memory_space<vmem>>[vector<16xi32>], vector<16xf32>,
        %slice3A_545 = vector.extract_strided_slice %get3A_188 {offsets = [10], sizes = [1], strides = [1]} : vector<16xf32> to vector<1xf32>
        %squeeze3A_546 = vector.extract %slice3A_545[0] : f32 from vector<1xf32>
        %slice3A_547 = vector.extract_strided_slice %gather3A {offsets = [10], sizes = [1], strides = [1]} : vector<16xi32> to vector<1xi32>
        %squeeze3A_548 = vector.extract %slice3A_547[0] : i32 from vector<1xi32>
        %mul3A_549 = arith.constant 64 : i32
        %mul3A_550 = arith.muli %squeeze3A_548, %mul3A_549 : i32
        %broadcast_in_dim3A_551 = vector.broadcast %mul3A_550 : i32 to vector<16xi32>
        %add3A_552 = arith.constant 0 : i32
        %add3A_553 = vector.broadcast %add3A_552 : i32 to vector<16xi32>
        %add3A_554 = arith.addi %iota3A, %add3A_553 : vector<16xi32>
        %add3A_555 = arith.addi %broadcast_in_dim3A_551, %add3A_554 : vector<16xi32>
        %mul3A_556 = vector.broadcast %squeeze3A_546 : f32 to vector<16xf32>
        %mul3A_557 = arith.mulf %mul3A_556, %get3A_467 : vector<16xf32>
        tpu.vector_store_idx %arg10[%add3A_555], %mul3A_557 {add = true} : memref<32768xf32, #tpu.memory_space<vmem>>[vector<16xi32>], vector<16xf32>,
        %add3A_558 = arith.constant 16 : i32
        %add3A_559 = vector.broadcast %add3A_558 : i32 to vector<16xi32>
        %add3A_560 = arith.addi %iota3A, %add3A_559 : vector<16xi32>
        %add3A_561 = arith.addi %broadcast_in_dim3A_551, %add3A_560 : vector<16xi32>
        %mul3A_562 = vector.broadcast %squeeze3A_546 : f32 to vector<16xf32>
        %mul3A_563 = arith.mulf %mul3A_562, %get3A_472 : vector<16xf32>
        tpu.vector_store_idx %arg10[%add3A_561], %mul3A_563 {add = true} : memref<32768xf32, #tpu.memory_space<vmem>>[vector<16xi32>], vector<16xf32>,
        %add3A_564 = arith.constant 32 : i32
        %add3A_565 = vector.broadcast %add3A_564 : i32 to vector<16xi32>
        %add3A_566 = arith.addi %iota3A, %add3A_565 : vector<16xi32>
        %add3A_567 = arith.addi %broadcast_in_dim3A_551, %add3A_566 : vector<16xi32>
        %mul3A_568 = vector.broadcast %squeeze3A_546 : f32 to vector<16xf32>
        %mul3A_569 = arith.mulf %mul3A_568, %get3A_477 : vector<16xf32>
        tpu.vector_store_idx %arg10[%add3A_567], %mul3A_569 {add = true} : memref<32768xf32, #tpu.memory_space<vmem>>[vector<16xi32>], vector<16xf32>,
        %add3A_570 = arith.constant 48 : i32
        %add3A_571 = vector.broadcast %add3A_570 : i32 to vector<16xi32>
        %add3A_572 = arith.addi %iota3A, %add3A_571 : vector<16xi32>
        %add3A_573 = arith.addi %broadcast_in_dim3A_551, %add3A_572 : vector<16xi32>
        %mul3A_574 = vector.broadcast %squeeze3A_546 : f32 to vector<16xf32>
        %mul3A_575 = arith.mulf %mul3A_574, %get3A_482 : vector<16xf32>
        tpu.vector_store_idx %arg10[%add3A_573], %mul3A_575 {add = true} : memref<32768xf32, #tpu.memory_space<vmem>>[vector<16xi32>], vector<16xf32>,
        %slice3A_576 = vector.extract_strided_slice %get3A_188 {offsets = [11], sizes = [1], strides = [1]} : vector<16xf32> to vector<1xf32>
        %squeeze3A_577 = vector.extract %slice3A_576[0] : f32 from vector<1xf32>
        %slice3A_578 = vector.extract_strided_slice %gather3A {offsets = [11], sizes = [1], strides = [1]} : vector<16xi32> to vector<1xi32>
        %squeeze3A_579 = vector.extract %slice3A_578[0] : i32 from vector<1xi32>
        %mul3A_580 = arith.constant 64 : i32
        %mul3A_581 = arith.muli %squeeze3A_579, %mul3A_580 : i32
        %broadcast_in_dim3A_582 = vector.broadcast %mul3A_581 : i32 to vector<16xi32>
        %add3A_583 = arith.constant 0 : i32
        %add3A_584 = vector.broadcast %add3A_583 : i32 to vector<16xi32>
        %add3A_585 = arith.addi %iota3A, %add3A_584 : vector<16xi32>
        %add3A_586 = arith.addi %broadcast_in_dim3A_582, %add3A_585 : vector<16xi32>
        %mul3A_587 = vector.broadcast %squeeze3A_577 : f32 to vector<16xf32>
        %mul3A_588 = arith.mulf %mul3A_587, %get3A_467 : vector<16xf32>
        tpu.vector_store_idx %arg10[%add3A_586], %mul3A_588 {add = true} : memref<32768xf32, #tpu.memory_space<vmem>>[vector<16xi32>], vector<16xf32>,
        %add3A_589 = arith.constant 16 : i32
        %add3A_590 = vector.broadcast %add3A_589 : i32 to vector<16xi32>
        %add3A_591 = arith.addi %iota3A, %add3A_590 : vector<16xi32>
        %add3A_592 = arith.addi %broadcast_in_dim3A_582, %add3A_591 : vector<16xi32>
        %mul3A_593 = vector.broadcast %squeeze3A_577 : f32 to vector<16xf32>
        %mul3A_594 = arith.mulf %mul3A_593, %get3A_472 : vector<16xf32>
        tpu.vector_store_idx %arg10[%add3A_592], %mul3A_594 {add = true} : memref<32768xf32, #tpu.memory_space<vmem>>[vector<16xi32>], vector<16xf32>,
        %add3A_595 = arith.constant 32 : i32
        %add3A_596 = vector.broadcast %add3A_595 : i32 to vector<16xi32>
        %add3A_597 = arith.addi %iota3A, %add3A_596 : vector<16xi32>
        %add3A_598 = arith.addi %broadcast_in_dim3A_582, %add3A_597 : vector<16xi32>
        %mul3A_599 = vector.broadcast %squeeze3A_577 : f32 to vector<16xf32>
        %mul3A_600 = arith.mulf %mul3A_599, %get3A_477 : vector<16xf32>
        tpu.vector_store_idx %arg10[%add3A_598], %mul3A_600 {add = true} : memref<32768xf32, #tpu.memory_space<vmem>>[vector<16xi32>], vector<16xf32>,
        %add3A_601 = arith.constant 48 : i32
        %add3A_602 = vector.broadcast %add3A_601 : i32 to vector<16xi32>
        %add3A_603 = arith.addi %iota3A, %add3A_602 : vector<16xi32>
        %add3A_604 = arith.addi %broadcast_in_dim3A_582, %add3A_603 : vector<16xi32>
        %mul3A_605 = vector.broadcast %squeeze3A_577 : f32 to vector<16xf32>
        %mul3A_606 = arith.mulf %mul3A_605, %get3A_482 : vector<16xf32>
        tpu.vector_store_idx %arg10[%add3A_604], %mul3A_606 {add = true} : memref<32768xf32, #tpu.memory_space<vmem>>[vector<16xi32>], vector<16xf32>,
        %slice3A_607 = vector.extract_strided_slice %get3A_188 {offsets = [12], sizes = [1], strides = [1]} : vector<16xf32> to vector<1xf32>
        %squeeze3A_608 = vector.extract %slice3A_607[0] : f32 from vector<1xf32>
        %slice3A_609 = vector.extract_strided_slice %gather3A {offsets = [12], sizes = [1], strides = [1]} : vector<16xi32> to vector<1xi32>
        %squeeze3A_610 = vector.extract %slice3A_609[0] : i32 from vector<1xi32>
        %mul3A_611 = arith.constant 64 : i32
        %mul3A_612 = arith.muli %squeeze3A_610, %mul3A_611 : i32
        %broadcast_in_dim3A_613 = vector.broadcast %mul3A_612 : i32 to vector<16xi32>
        %add3A_614 = arith.constant 0 : i32
        %add3A_615 = vector.broadcast %add3A_614 : i32 to vector<16xi32>
        %add3A_616 = arith.addi %iota3A, %add3A_615 : vector<16xi32>
        %add3A_617 = arith.addi %broadcast_in_dim3A_613, %add3A_616 : vector<16xi32>
        %mul3A_618 = vector.broadcast %squeeze3A_608 : f32 to vector<16xf32>
        %mul3A_619 = arith.mulf %mul3A_618, %get3A_467 : vector<16xf32>
        tpu.vector_store_idx %arg10[%add3A_617], %mul3A_619 {add = true} : memref<32768xf32, #tpu.memory_space<vmem>>[vector<16xi32>], vector<16xf32>,
        %add3A_620 = arith.constant 16 : i32
        %add3A_621 = vector.broadcast %add3A_620 : i32 to vector<16xi32>
        %add3A_622 = arith.addi %iota3A, %add3A_621 : vector<16xi32>
        %add3A_623 = arith.addi %broadcast_in_dim3A_613, %add3A_622 : vector<16xi32>
        %mul3A_624 = vector.broadcast %squeeze3A_608 : f32 to vector<16xf32>
        %mul3A_625 = arith.mulf %mul3A_624, %get3A_472 : vector<16xf32>
        tpu.vector_store_idx %arg10[%add3A_623], %mul3A_625 {add = true} : memref<32768xf32, #tpu.memory_space<vmem>>[vector<16xi32>], vector<16xf32>,
        %add3A_626 = arith.constant 32 : i32
        %add3A_627 = vector.broadcast %add3A_626 : i32 to vector<16xi32>
        %add3A_628 = arith.addi %iota3A, %add3A_627 : vector<16xi32>
        %add3A_629 = arith.addi %broadcast_in_dim3A_613, %add3A_628 : vector<16xi32>
        %mul3A_630 = vector.broadcast %squeeze3A_608 : f32 to vector<16xf32>
        %mul3A_631 = arith.mulf %mul3A_630, %get3A_477 : vector<16xf32>
        tpu.vector_store_idx %arg10[%add3A_629], %mul3A_631 {add = true} : memref<32768xf32, #tpu.memory_space<vmem>>[vector<16xi32>], vector<16xf32>,
        %add3A_632 = arith.constant 48 : i32
        %add3A_633 = vector.broadcast %add3A_632 : i32 to vector<16xi32>
        %add3A_634 = arith.addi %iota3A, %add3A_633 : vector<16xi32>
        %add3A_635 = arith.addi %broadcast_in_dim3A_613, %add3A_634 : vector<16xi32>
        %mul3A_636 = vector.broadcast %squeeze3A_608 : f32 to vector<16xf32>
        %mul3A_637 = arith.mulf %mul3A_636, %get3A_482 : vector<16xf32>
        tpu.vector_store_idx %arg10[%add3A_635], %mul3A_637 {add = true} : memref<32768xf32, #tpu.memory_space<vmem>>[vector<16xi32>], vector<16xf32>,
        %slice3A_638 = vector.extract_strided_slice %get3A_188 {offsets = [13], sizes = [1], strides = [1]} : vector<16xf32> to vector<1xf32>
        %squeeze3A_639 = vector.extract %slice3A_638[0] : f32 from vector<1xf32>
        %slice3A_640 = vector.extract_strided_slice %gather3A {offsets = [13], sizes = [1], strides = [1]} : vector<16xi32> to vector<1xi32>
        %squeeze3A_641 = vector.extract %slice3A_640[0] : i32 from vector<1xi32>
        %mul3A_642 = arith.constant 64 : i32
        %mul3A_643 = arith.muli %squeeze3A_641, %mul3A_642 : i32
        %broadcast_in_dim3A_644 = vector.broadcast %mul3A_643 : i32 to vector<16xi32>
        %add3A_645 = arith.constant 0 : i32
        %add3A_646 = vector.broadcast %add3A_645 : i32 to vector<16xi32>
        %add3A_647 = arith.addi %iota3A, %add3A_646 : vector<16xi32>
        %add3A_648 = arith.addi %broadcast_in_dim3A_644, %add3A_647 : vector<16xi32>
        %mul3A_649 = vector.broadcast %squeeze3A_639 : f32 to vector<16xf32>
        %mul3A_650 = arith.mulf %mul3A_649, %get3A_467 : vector<16xf32>
        tpu.vector_store_idx %arg10[%add3A_648], %mul3A_650 {add = true} : memref<32768xf32, #tpu.memory_space<vmem>>[vector<16xi32>], vector<16xf32>,
        %add3A_651 = arith.constant 16 : i32
        %add3A_652 = vector.broadcast %add3A_651 : i32 to vector<16xi32>
        %add3A_653 = arith.addi %iota3A, %add3A_652 : vector<16xi32>
        %add3A_654 = arith.addi %broadcast_in_dim3A_644, %add3A_653 : vector<16xi32>
        %mul3A_655 = vector.broadcast %squeeze3A_639 : f32 to vector<16xf32>
        %mul3A_656 = arith.mulf %mul3A_655, %get3A_472 : vector<16xf32>
        tpu.vector_store_idx %arg10[%add3A_654], %mul3A_656 {add = true} : memref<32768xf32, #tpu.memory_space<vmem>>[vector<16xi32>], vector<16xf32>,
        %add3A_657 = arith.constant 32 : i32
        %add3A_658 = vector.broadcast %add3A_657 : i32 to vector<16xi32>
        %add3A_659 = arith.addi %iota3A, %add3A_658 : vector<16xi32>
        %add3A_660 = arith.addi %broadcast_in_dim3A_644, %add3A_659 : vector<16xi32>
        %mul3A_661 = vector.broadcast %squeeze3A_639 : f32 to vector<16xf32>
        %mul3A_662 = arith.mulf %mul3A_661, %get3A_477 : vector<16xf32>
        tpu.vector_store_idx %arg10[%add3A_660], %mul3A_662 {add = true} : memref<32768xf32, #tpu.memory_space<vmem>>[vector<16xi32>], vector<16xf32>,
        %add3A_663 = arith.constant 48 : i32
        %add3A_664 = vector.broadcast %add3A_663 : i32 to vector<16xi32>
        %add3A_665 = arith.addi %iota3A, %add3A_664 : vector<16xi32>
        %add3A_666 = arith.addi %broadcast_in_dim3A_644, %add3A_665 : vector<16xi32>
        %mul3A_667 = vector.broadcast %squeeze3A_639 : f32 to vector<16xf32>
        %mul3A_668 = arith.mulf %mul3A_667, %get3A_482 : vector<16xf32>
        tpu.vector_store_idx %arg10[%add3A_666], %mul3A_668 {add = true} : memref<32768xf32, #tpu.memory_space<vmem>>[vector<16xi32>], vector<16xf32>,
        %slice3A_669 = vector.extract_strided_slice %get3A_188 {offsets = [14], sizes = [1], strides = [1]} : vector<16xf32> to vector<1xf32>
        %squeeze3A_670 = vector.extract %slice3A_669[0] : f32 from vector<1xf32>
        %slice3A_671 = vector.extract_strided_slice %gather3A {offsets = [14], sizes = [1], strides = [1]} : vector<16xi32> to vector<1xi32>
        %squeeze3A_672 = vector.extract %slice3A_671[0] : i32 from vector<1xi32>
        %mul3A_673 = arith.constant 64 : i32
        %mul3A_674 = arith.muli %squeeze3A_672, %mul3A_673 : i32
        %broadcast_in_dim3A_675 = vector.broadcast %mul3A_674 : i32 to vector<16xi32>
        %add3A_676 = arith.constant 0 : i32
        %add3A_677 = vector.broadcast %add3A_676 : i32 to vector<16xi32>
        %add3A_678 = arith.addi %iota3A, %add3A_677 : vector<16xi32>
        %add3A_679 = arith.addi %broadcast_in_dim3A_675, %add3A_678 : vector<16xi32>
        %mul3A_680 = vector.broadcast %squeeze3A_670 : f32 to vector<16xf32>
        %mul3A_681 = arith.mulf %mul3A_680, %get3A_467 : vector<16xf32>
        tpu.vector_store_idx %arg10[%add3A_679], %mul3A_681 {add = true} : memref<32768xf32, #tpu.memory_space<vmem>>[vector<16xi32>], vector<16xf32>,
        %add3A_682 = arith.constant 16 : i32
        %add3A_683 = vector.broadcast %add3A_682 : i32 to vector<16xi32>
        %add3A_684 = arith.addi %iota3A, %add3A_683 : vector<16xi32>
        %add3A_685 = arith.addi %broadcast_in_dim3A_675, %add3A_684 : vector<16xi32>
        %mul3A_686 = vector.broadcast %squeeze3A_670 : f32 to vector<16xf32>
        %mul3A_687 = arith.mulf %mul3A_686, %get3A_472 : vector<16xf32>
        tpu.vector_store_idx %arg10[%add3A_685], %mul3A_687 {add = true} : memref<32768xf32, #tpu.memory_space<vmem>>[vector<16xi32>], vector<16xf32>,
        %add3A_688 = arith.constant 32 : i32
        %add3A_689 = vector.broadcast %add3A_688 : i32 to vector<16xi32>
        %add3A_690 = arith.addi %iota3A, %add3A_689 : vector<16xi32>
        %add3A_691 = arith.addi %broadcast_in_dim3A_675, %add3A_690 : vector<16xi32>
        %mul3A_692 = vector.broadcast %squeeze3A_670 : f32 to vector<16xf32>
        %mul3A_693 = arith.mulf %mul3A_692, %get3A_477 : vector<16xf32>
        tpu.vector_store_idx %arg10[%add3A_691], %mul3A_693 {add = true} : memref<32768xf32, #tpu.memory_space<vmem>>[vector<16xi32>], vector<16xf32>,
        %add3A_694 = arith.constant 48 : i32
        %add3A_695 = vector.broadcast %add3A_694 : i32 to vector<16xi32>
        %add3A_696 = arith.addi %iota3A, %add3A_695 : vector<16xi32>
        %add3A_697 = arith.addi %broadcast_in_dim3A_675, %add3A_696 : vector<16xi32>
        %mul3A_698 = vector.broadcast %squeeze3A_670 : f32 to vector<16xf32>
        %mul3A_699 = arith.mulf %mul3A_698, %get3A_482 : vector<16xf32>
        tpu.vector_store_idx %arg10[%add3A_697], %mul3A_699 {add = true} : memref<32768xf32, #tpu.memory_space<vmem>>[vector<16xi32>], vector<16xf32>,
        %slice3A_700 = vector.extract_strided_slice %get3A_188 {offsets = [15], sizes = [1], strides = [1]} : vector<16xf32> to vector<1xf32>
        %squeeze3A_701 = vector.extract %slice3A_700[0] : f32 from vector<1xf32>
        %slice3A_702 = vector.extract_strided_slice %gather3A {offsets = [15], sizes = [1], strides = [1]} : vector<16xi32> to vector<1xi32>
        %squeeze3A_703 = vector.extract %slice3A_702[0] : i32 from vector<1xi32>
        %mul3A_704 = arith.constant 64 : i32
        %mul3A_705 = arith.muli %squeeze3A_703, %mul3A_704 : i32
        %broadcast_in_dim3A_706 = vector.broadcast %mul3A_705 : i32 to vector<16xi32>
        %add3A_707 = arith.constant 0 : i32
        %add3A_708 = vector.broadcast %add3A_707 : i32 to vector<16xi32>
        %add3A_709 = arith.addi %iota3A, %add3A_708 : vector<16xi32>
        %add3A_710 = arith.addi %broadcast_in_dim3A_706, %add3A_709 : vector<16xi32>
        %mul3A_711 = vector.broadcast %squeeze3A_701 : f32 to vector<16xf32>
        %mul3A_712 = arith.mulf %mul3A_711, %get3A_467 : vector<16xf32>
        tpu.vector_store_idx %arg10[%add3A_710], %mul3A_712 {add = true} : memref<32768xf32, #tpu.memory_space<vmem>>[vector<16xi32>], vector<16xf32>,
        %add3A_713 = arith.constant 16 : i32
        %add3A_714 = vector.broadcast %add3A_713 : i32 to vector<16xi32>
        %add3A_715 = arith.addi %iota3A, %add3A_714 : vector<16xi32>
        %add3A_716 = arith.addi %broadcast_in_dim3A_706, %add3A_715 : vector<16xi32>
        %mul3A_717 = vector.broadcast %squeeze3A_701 : f32 to vector<16xf32>
        %mul3A_718 = arith.mulf %mul3A_717, %get3A_472 : vector<16xf32>
        tpu.vector_store_idx %arg10[%add3A_716], %mul3A_718 {add = true} : memref<32768xf32, #tpu.memory_space<vmem>>[vector<16xi32>], vector<16xf32>,
        %add3A_719 = arith.constant 32 : i32
        %add3A_720 = vector.broadcast %add3A_719 : i32 to vector<16xi32>
        %add3A_721 = arith.addi %iota3A, %add3A_720 : vector<16xi32>
        %add3A_722 = arith.addi %broadcast_in_dim3A_706, %add3A_721 : vector<16xi32>
        %mul3A_723 = vector.broadcast %squeeze3A_701 : f32 to vector<16xf32>
        %mul3A_724 = arith.mulf %mul3A_723, %get3A_477 : vector<16xf32>
        tpu.vector_store_idx %arg10[%add3A_722], %mul3A_724 {add = true} : memref<32768xf32, #tpu.memory_space<vmem>>[vector<16xi32>], vector<16xf32>,
        %add3A_725 = arith.constant 48 : i32
        %add3A_726 = vector.broadcast %add3A_725 : i32 to vector<16xi32>
        %add3A_727 = arith.addi %iota3A, %add3A_726 : vector<16xi32>
        %add3A_728 = arith.addi %broadcast_in_dim3A_706, %add3A_727 : vector<16xi32>
        %mul3A_729 = vector.broadcast %squeeze3A_701 : f32 to vector<16xf32>
        %mul3A_730 = arith.mulf %mul3A_729, %get3A_482 : vector<16xf32>
        tpu.vector_store_idx %arg10[%add3A_728], %mul3A_730 {add = true} : memref<32768xf32, #tpu.memory_space<vmem>>[vector<16xi32>], vector<16xf32>,
        %scan3A_731 = arith.constant 0 : i32
        scf.yield %scan3A_731 : i32
      }
      %scan3A_130 = arith.constant 16 : i32
      %add3A_131 = arith.constant 2 : i32
      %add3A_132 = arith.addi %add3A_97, %add3A_131 : i32
      %lt3A = arith.constant 16 : i32
      %lt3A_133 = arith.cmpi slt, %add3A_132, %lt3A : i32
      %convert_element_type3A_134 = arith.extui %lt3A_133 : i1 to i32
      %cond3A = arith.constant 0 : i32
      %cond3A_135 = arith.cmpi ne, %convert_element_type3A_134, %cond3A : i32
      scf.if %cond3A_135 {
        %add3A_180 = arith.constant 2 : i32
        %add3A_181 = arith.addi %add3A_97, %add3A_180 : i32
        %mul3A_182 = arith.constant 512 : i32
        %mul3A_183 = arith.muli %add3A, %mul3A_182 : i32
        %mul3A_184 = arith.constant 32 : i32
        %mul3A_185 = arith.muli %add3A_181, %mul3A_184 : i32
        %add3A_186 = arith.addi %mul3A_183, %mul3A_185 : i32
        %dma_start3A_187 = arith.constant 0 : i32
        %dma_start3A_188 = arith.constant 0 : i32
        %dma_start3A_189 = tpu.memref_slice %arg2[%add3A_186, %dma_start3A_187, %dma_start3A_188] : memref<16384x2x32xf32, #tpu.memory_space<hbm>> -> memref<32x2x32xf32, #tpu.memory_space<hbm>>
        %dma_start3A_190 = arith.constant 0 : i32
        %dma_start3A_191 = arith.constant 0 : i32
        %dma_start3A_192 = tpu.memref_slice %arg2[%add3A_186, %dma_start3A_190, %dma_start3A_191] : memref<16384x2x32xf32, #tpu.memory_space<hbm>> -> memref<32x2x32xf32, #tpu.memory_space<hbm>>
        tpu.enqueue_dma source(%dma_start3A_192 : memref<32x2x32xf32, #tpu.memory_space<hbm>>) target(%arg12 : memref<32x2x32xf32, #tpu.memory_space<vmem>>) target_semaphore(%arg20 : memref<!tpu.dma_semaphore, #tpu.memory_space<semaphore_mem>>)
        %dma_start3A_193 = arith.constant 0 : i32
        %dma_start3A_194 = tpu.memref_slice %arg3[%add3A_186, %dma_start3A_193] : memref<16384x9xf32, #tpu.memory_space<hbm>> -> memref<32x9xf32, #tpu.memory_space<hbm>>
        %dma_start3A_195 = arith.constant 0 : i32
        %dma_start3A_196 = tpu.memref_slice %arg3[%add3A_186, %dma_start3A_195] : memref<16384x9xf32, #tpu.memory_space<hbm>> -> memref<32x9xf32, #tpu.memory_space<hbm>>
        tpu.enqueue_dma source(%dma_start3A_196 : memref<32x9xf32, #tpu.memory_space<hbm>>) target(%arg14 : memref<32x9xf32, #tpu.memory_space<vmem>>) target_semaphore(%arg20 : memref<!tpu.dma_semaphore, #tpu.memory_space<semaphore_mem>>)
        %dma_start3A_197 = arith.constant 0 : i32
        %dma_start3A_198 = tpu.memref_slice %arg4[%add3A_186, %dma_start3A_197] : memref<16384x8xi32, #tpu.memory_space<hbm>> -> memref<32x8xi32, #tpu.memory_space<hbm>>
        %dma_start3A_199 = arith.constant 0 : i32
        %dma_start3A_200 = tpu.memref_slice %arg4[%add3A_186, %dma_start3A_199] : memref<16384x8xi32, #tpu.memory_space<hbm>> -> memref<32x8xi32, #tpu.memory_space<hbm>>
        tpu.enqueue_dma source(%dma_start3A_200 : memref<32x8xi32, #tpu.memory_space<hbm>>) target(%arg16 : memref<32x8xi32, #tpu.memory_space<vmem>>) target_semaphore(%arg20 : memref<!tpu.dma_semaphore, #tpu.memory_space<semaphore_mem>>)
      } else {
      }
      %mul3A_136 = arith.constant 2 : i32
      %mul3A_137 = arith.muli %mul3A_136, %scan3A_92 : i32
      %add3A_138 = arith.constant 1 : i32
      %add3A_139 = arith.addi %mul3A_137, %add3A_138 : i32
      %dma_wait3A_140 = arith.constant 0 : i32
      %dma_wait3A_141 = arith.constant 0 : i32
      %dma_wait3A_142 = arith.constant 0 : i32
      %dma_wait3A_143 = tpu.memref_slice %arg2[%dma_wait3A_140, %dma_wait3A_141, %dma_wait3A_142] : memref<16384x2x32xf32, #tpu.memory_space<hbm>> -> memref<32x2x32xf32, #tpu.memory_space<hbm>>
      %dma_wait3A_144 = arith.constant 0 : i32
      %dma_wait3A_145 = arith.constant 0 : i32
      %dma_wait3A_146 = arith.constant 0 : i32
      %dma_wait3A_147 = tpu.memref_slice %arg2[%dma_wait3A_144, %dma_wait3A_145, %dma_wait3A_146] : memref<16384x2x32xf32, #tpu.memory_space<hbm>> -> memref<32x2x32xf32, #tpu.memory_space<hbm>>
      tpu.wait_dma2 semaphore(%arg21 : memref<!tpu.dma_semaphore, #tpu.memory_space<semaphore_mem>>) src(%dma_wait3A_147 : memref<32x2x32xf32, #tpu.memory_space<hbm>>) dst(%arg13 : memref<32x2x32xf32, #tpu.memory_space<vmem>>)
      %dma_wait3A_148 = arith.constant 0 : i32
      %dma_wait3A_149 = arith.constant 0 : i32
      %dma_wait3A_150 = tpu.memref_slice %arg3[%dma_wait3A_148, %dma_wait3A_149] : memref<16384x9xf32, #tpu.memory_space<hbm>> -> memref<32x9xf32, #tpu.memory_space<hbm>>
      %dma_wait3A_151 = arith.constant 0 : i32
      %dma_wait3A_152 = arith.constant 0 : i32
      %dma_wait3A_153 = tpu.memref_slice %arg3[%dma_wait3A_151, %dma_wait3A_152] : memref<16384x9xf32, #tpu.memory_space<hbm>> -> memref<32x9xf32, #tpu.memory_space<hbm>>
      tpu.wait_dma2 semaphore(%arg21 : memref<!tpu.dma_semaphore, #tpu.memory_space<semaphore_mem>>) src(%dma_wait3A_153 : memref<32x9xf32, #tpu.memory_space<hbm>>) dst(%arg15 : memref<32x9xf32, #tpu.memory_space<vmem>>)
      %dma_wait3A_154 = arith.constant 0 : i32
      %dma_wait3A_155 = arith.constant 0 : i32
      %dma_wait3A_156 = tpu.memref_slice %arg4[%dma_wait3A_154, %dma_wait3A_155] : memref<16384x8xi32, #tpu.memory_space<hbm>> -> memref<32x8xi32, #tpu.memory_space<hbm>>
      %dma_wait3A_157 = arith.constant 0 : i32
      %dma_wait3A_158 = arith.constant 0 : i32
      %dma_wait3A_159 = tpu.memref_slice %arg4[%dma_wait3A_157, %dma_wait3A_158] : memref<16384x8xi32, #tpu.memory_space<hbm>> -> memref<32x8xi32, #tpu.memory_space<hbm>>
      tpu.wait_dma2 semaphore(%arg21 : memref<!tpu.dma_semaphore, #tpu.memory_space<semaphore_mem>>) src(%dma_wait3A_159 : memref<32x8xi32, #tpu.memory_space<hbm>>) dst(%arg17 : memref<32x8xi32, #tpu.memory_space<vmem>>)
      %scan3A_160 = arith.constant 0 : i32
      %scan3A_161 = arith.constant 2 : i32
      %scan3A_162 = arith.addi %scan3A_160, %scan3A_161 : i32
      %scan3A_163 = arith.constant 1 : i32
      %scan3A_164 = scf.for %scan3A_180 = %scan3A_160 to %scan3A_162 step %scan3A_163 iter_args(%scan3A_181 = %scan3A_122) -> (vector<16xf32>)  : i32 {
        %mul3A_182 = arith.constant 16 : i32
        %mul3A_183 = arith.muli %scan3A_180, %mul3A_182 : i32
        %add3A_184 = vector.broadcast %mul3A_183 : i32 to vector<16xi32>
        %add3A_185 = arith.addi %iota3A, %add3A_184 : vector<16xi32>
        %add3A_186 = arith.constant 0 : i32
        %add3A_187 = vector.broadcast %add3A_186 : i32 to vector<16xi32>
        %add3A_188 = arith.addi %broadcast_in_dim3A_3, %add3A_187 : vector<16xi32>
        %gather3A = tpu.vector_load_idx %arg15[%add3A_185, %add3A_188] : memref<32x9xf32, #tpu.memory_space<vmem>>[vector<16xi32>, vector<16xi32>], vector<16xf32>,
        %add3A_189 = arith.constant 1 : i32
        %add3A_190 = vector.broadcast %add3A_189 : i32 to vector<16xi32>
        %add3A_191 = arith.addi %broadcast_in_dim3A_3, %add3A_190 : vector<16xi32>
        %gather3A_192 = tpu.vector_load_idx %arg15[%add3A_185, %add3A_191] : memref<32x9xf32, #tpu.memory_space<vmem>>[vector<16xi32>, vector<16xi32>], vector<16xf32>,
        %add3A_193 = arith.constant 2 : i32
        %add3A_194 = vector.broadcast %add3A_193 : i32 to vector<16xi32>
        %add3A_195 = arith.addi %broadcast_in_dim3A_3, %add3A_194 : vector<16xi32>
        %gather3A_196 = tpu.vector_load_idx %arg15[%add3A_185, %add3A_195] : memref<32x9xf32, #tpu.memory_space<vmem>>[vector<16xi32>, vector<16xi32>], vector<16xf32>,
        %add3A_197 = arith.constant 3 : i32
        %add3A_198 = vector.broadcast %add3A_197 : i32 to vector<16xi32>
        %add3A_199 = arith.addi %broadcast_in_dim3A_3, %add3A_198 : vector<16xi32>
        %gather3A_200 = tpu.vector_load_idx %arg15[%add3A_185, %add3A_199] : memref<32x9xf32, #tpu.memory_space<vmem>>[vector<16xi32>, vector<16xi32>], vector<16xf32>,
        %add3A_201 = arith.constant 4 : i32
        %add3A_202 = vector.broadcast %add3A_201 : i32 to vector<16xi32>
        %add3A_203 = arith.addi %broadcast_in_dim3A_3, %add3A_202 : vector<16xi32>
        %gather3A_204 = tpu.vector_load_idx %arg15[%add3A_185, %add3A_203] : memref<32x9xf32, #tpu.memory_space<vmem>>[vector<16xi32>, vector<16xi32>], vector<16xf32>,
        %add3A_205 = arith.constant 5 : i32
        %add3A_206 = vector.broadcast %add3A_205 : i32 to vector<16xi32>
        %add3A_207 = arith.addi %broadcast_in_dim3A_3, %add3A_206 : vector<16xi32>
        %gather3A_208 = tpu.vector_load_idx %arg15[%add3A_185, %add3A_207] : memref<32x9xf32, #tpu.memory_space<vmem>>[vector<16xi32>, vector<16xi32>], vector<16xf32>,
        %add3A_209 = arith.constant 6 : i32
        %add3A_210 = vector.broadcast %add3A_209 : i32 to vector<16xi32>
        %add3A_211 = arith.addi %broadcast_in_dim3A_3, %add3A_210 : vector<16xi32>
        %gather3A_212 = tpu.vector_load_idx %arg15[%add3A_185, %add3A_211] : memref<32x9xf32, #tpu.memory_space<vmem>>[vector<16xi32>, vector<16xi32>], vector<16xf32>,
        %add3A_213 = arith.constant 7 : i32
        %add3A_214 = vector.broadcast %add3A_213 : i32 to vector<16xi32>
        %add3A_215 = arith.addi %broadcast_in_dim3A_3, %add3A_214 : vector<16xi32>
        %gather3A_216 = tpu.vector_load_idx %arg15[%add3A_185, %add3A_215] : memref<32x9xf32, #tpu.memory_space<vmem>>[vector<16xi32>, vector<16xi32>], vector<16xf32>,
        %add3A_217 = arith.constant 8 : i32
        %add3A_218 = vector.broadcast %add3A_217 : i32 to vector<16xi32>
        %add3A_219 = arith.addi %broadcast_in_dim3A_3, %add3A_218 : vector<16xi32>
        %gather3A_220 = tpu.vector_load_idx %arg15[%add3A_185, %add3A_219] : memref<32x9xf32, #tpu.memory_space<vmem>>[vector<16xi32>, vector<16xi32>], vector<16xf32>,
        %max3A = arith.maximumf %gather3A, %gather3A_192 : vector<16xf32>
        %max3A_221 = arith.maximumf %max3A, %gather3A_196 : vector<16xf32>
        %max3A_222 = arith.maximumf %max3A_221, %gather3A_200 : vector<16xf32>
        %max3A_223 = arith.maximumf %max3A_222, %gather3A_204 : vector<16xf32>
        %max3A_224 = arith.maximumf %max3A_223, %gather3A_208 : vector<16xf32>
        %max3A_225 = arith.maximumf %max3A_224, %gather3A_212 : vector<16xf32>
        %max3A_226 = arith.maximumf %max3A_225, %gather3A_216 : vector<16xf32>
        %max3A_227 = arith.maximumf %max3A_226, %gather3A_220 : vector<16xf32>
        %sub3A = arith.subf %gather3A, %max3A_227 : vector<16xf32>
        %exp3A = math.exp %sub3A : vector<16xf32>
        %sub3A_228 = arith.subf %gather3A_192, %max3A_227 : vector<16xf32>
        %exp3A_229 = math.exp %sub3A_228 : vector<16xf32>
        %sub3A_230 = arith.subf %gather3A_196, %max3A_227 : vector<16xf32>
        %exp3A_231 = math.exp %sub3A_230 : vector<16xf32>
        %sub3A_232 = arith.subf %gather3A_200, %max3A_227 : vector<16xf32>
        %exp3A_233 = math.exp %sub3A_232 : vector<16xf32>
        %sub3A_234 = arith.subf %gather3A_204, %max3A_227 : vector<16xf32>
        %exp3A_235 = math.exp %sub3A_234 : vector<16xf32>
        %sub3A_236 = arith.subf %gather3A_208, %max3A_227 : vector<16xf32>
        %exp3A_237 = math.exp %sub3A_236 : vector<16xf32>
        %sub3A_238 = arith.subf %gather3A_212, %max3A_227 : vector<16xf32>
        %exp3A_239 = math.exp %sub3A_238 : vector<16xf32>
        %sub3A_240 = arith.subf %gather3A_216, %max3A_227 : vector<16xf32>
        %exp3A_241 = math.exp %sub3A_240 : vector<16xf32>
        %sub3A_242 = arith.subf %gather3A_220, %max3A_227 : vector<16xf32>
        %exp3A_243 = math.exp %sub3A_242 : vector<16xf32>
        %add3A_244 = arith.addf %exp3A, %exp3A_229 : vector<16xf32>
        %add3A_245 = arith.addf %add3A_244, %exp3A_231 : vector<16xf32>
        %add3A_246 = arith.addf %add3A_245, %exp3A_233 : vector<16xf32>
        %add3A_247 = arith.addf %add3A_246, %exp3A_235 : vector<16xf32>
        %add3A_248 = arith.addf %add3A_247, %exp3A_237 : vector<16xf32>
        %add3A_249 = arith.addf %add3A_248, %exp3A_239 : vector<16xf32>
        %add3A_250 = arith.addf %add3A_249, %exp3A_241 : vector<16xf32>
        %add3A_251 = arith.addf %add3A_250, %exp3A_243 : vector<16xf32>
        %div3A = arith.constant 1.000000e+00 : f32
        %div3A_252 = vector.broadcast %div3A : f32 to vector<16xf32>
        %div3A_253 = arith.divf %div3A_252, %add3A_251 : vector<16xf32>
        %mul3A_254 = arith.constant 8 : i32
        %mul3A_255 = vector.broadcast %mul3A_254 : i32 to vector<16xi32>
        %mul3A_256 = arith.muli %add3A_185, %mul3A_255 : vector<16xi32>
        %add3A_257 = arith.constant 0 : i32
        %add3A_258 = vector.broadcast %add3A_257 : i32 to vector<16xi32>
        %add3A_259 = arith.addi %mul3A_256, %add3A_258 : vector<16xi32>
        %mul3A_260 = arith.mulf %exp3A, %div3A_253 : vector<16xf32>
        tpu.vector_store_idx %arg18[%add3A_259], %mul3A_260 : memref<256xf32, #tpu.memory_space<vmem>>[vector<16xi32>], vector<16xf32>,
        %add3A_261 = arith.constant 1 : i32
        %add3A_262 = vector.broadcast %add3A_261 : i32 to vector<16xi32>
        %add3A_263 = arith.addi %mul3A_256, %add3A_262 : vector<16xi32>
        %mul3A_264 = arith.mulf %exp3A_229, %div3A_253 : vector<16xf32>
        tpu.vector_store_idx %arg18[%add3A_263], %mul3A_264 : memref<256xf32, #tpu.memory_space<vmem>>[vector<16xi32>], vector<16xf32>,
        %add3A_265 = arith.constant 2 : i32
        %add3A_266 = vector.broadcast %add3A_265 : i32 to vector<16xi32>
        %add3A_267 = arith.addi %mul3A_256, %add3A_266 : vector<16xi32>
        %mul3A_268 = arith.mulf %exp3A_231, %div3A_253 : vector<16xf32>
        tpu.vector_store_idx %arg18[%add3A_267], %mul3A_268 : memref<256xf32, #tpu.memory_space<vmem>>[vector<16xi32>], vector<16xf32>,
        %add3A_269 = arith.constant 3 : i32
        %add3A_270 = vector.broadcast %add3A_269 : i32 to vector<16xi32>
        %add3A_271 = arith.addi %mul3A_256, %add3A_270 : vector<16xi32>
        %mul3A_272 = arith.mulf %exp3A_233, %div3A_253 : vector<16xf32>
        tpu.vector_store_idx %arg18[%add3A_271], %mul3A_272 : memref<256xf32, #tpu.memory_space<vmem>>[vector<16xi32>], vector<16xf32>,
        %add3A_273 = arith.constant 4 : i32
        %add3A_274 = vector.broadcast %add3A_273 : i32 to vector<16xi32>
        %add3A_275 = arith.addi %mul3A_256, %add3A_274 : vector<16xi32>
        %mul3A_276 = arith.mulf %exp3A_235, %div3A_253 : vector<16xf32>
        tpu.vector_store_idx %arg18[%add3A_275], %mul3A_276 : memref<256xf32, #tpu.memory_space<vmem>>[vector<16xi32>], vector<16xf32>,
        %add3A_277 = arith.constant 5 : i32
        %add3A_278 = vector.broadcast %add3A_277 : i32 to vector<16xi32>
        %add3A_279 = arith.addi %mul3A_256, %add3A_278 : vector<16xi32>
        %mul3A_280 = arith.mulf %exp3A_237, %div3A_253 : vector<16xf32>
        tpu.vector_store_idx %arg18[%add3A_279], %mul3A_280 : memref<256xf32, #tpu.memory_space<vmem>>[vector<16xi32>], vector<16xf32>,
        %add3A_281 = arith.constant 6 : i32
        %add3A_282 = vector.broadcast %add3A_281 : i32 to vector<16xi32>
        %add3A_283 = arith.addi %mul3A_256, %add3A_282 : vector<16xi32>
        %mul3A_284 = arith.mulf %exp3A_239, %div3A_253 : vector<16xf32>
        tpu.vector_store_idx %arg18[%add3A_283], %mul3A_284 : memref<256xf32, #tpu.memory_space<vmem>>[vector<16xi32>], vector<16xf32>,
        %add3A_285 = arith.constant 7 : i32
        %add3A_286 = vector.broadcast %add3A_285 : i32 to vector<16xi32>
        %add3A_287 = arith.addi %mul3A_256, %add3A_286 : vector<16xi32>
        %mul3A_288 = arith.mulf %exp3A_241, %div3A_253 : vector<16xf32>
        tpu.vector_store_idx %arg18[%add3A_287], %mul3A_288 : memref<256xf32, #tpu.memory_space<vmem>>[vector<16xi32>], vector<16xf32>,
        %mul3A_289 = arith.mulf %exp3A_243, %div3A_253 : vector<16xf32>
        %add3A_290 = arith.addf %scan3A_181, %mul3A_289 : vector<16xf32>
        scf.yield %add3A_290 : vector<16xf32>
      }
      %scan3A_165 = arith.constant 2 : i32
      %scan3A_166 = arith.constant 0 : i32
      %scan3A_167 = arith.constant 0 : i32
      %scan3A_168 = arith.constant 16 : i32
      %scan3A_169 = arith.addi %scan3A_167, %scan3A_168 : i32
      %scan3A_170 = arith.constant 1 : i32
      %scan3A_171 = scf.for %scan3A_180 = %scan3A_167 to %scan3A_169 step %scan3A_170 iter_args(%scan3A_181 = %scan3A_166) -> (i32)  : i32 {
        %mul3A_182 = arith.constant 2 : i32
        %mul3A_183 = arith.muli %mul3A_182, %scan3A_180 : i32
        %add3A_184 = vector.broadcast %mul3A_183 : i32 to vector<16xi32>
        %add3A_185 = arith.addi %convert_element_type3A, %add3A_184 : vector<16xi32>
        %gather3A = tpu.vector_load_idx %arg17[%add3A_185, %and3A_48] : memref<32x8xi32, #tpu.memory_space<vmem>>[vector<16xi32>, vector<16xi32>], vector<16xi32>,
        %mul3A_186 = arith.constant 16 : i32
        %mul3A_187 = arith.muli %scan3A_180, %mul3A_186 : i32
        %get3A = arith.index_cast %mul3A_187 : i32 to index
        %get3A_188 = tpu.vector_load %arg18[%get3A] {strides = array<i32>} : memref<256xf32, #tpu.memory_space<vmem>>, vector<16xf32>,
        tpu.vector_store_idx %arg11[%broadcast_in_dim3A_3, %gather3A], %get3A_188 {add = true} : memref<1x512xf32, #tpu.memory_space<vmem>>[vector<16xi32>, vector<16xi32>], vector<16xf32>,
        %mul3A_189 = arith.constant 2 : i32
        %mul3A_190 = arith.muli %mul3A_189, %scan3A_180 : i32
        %add3A_191 = arith.constant 0 : i32
        %add3A_192 = arith.addi %mul3A_190, %add3A_191 : i32
        %get3A_193 = arith.constant 0 : i32
        %get3A_194 = arith.index_cast %add3A_192 : i32 to index
        %get3A_195 = arith.index_cast %get3A_193 : i32 to index
        %get3A_196 = arith.constant 0 : index
        %get3A_197 = tpu.vector_load %arg13[%get3A_194, %get3A_195, %get3A_196] {strides = array<i32>} : memref<32x2x32xf32, #tpu.memory_space<vmem>>, vector<16xf32>,
        %get3A_198 = arith.constant 0 : i32
        %get3A_199 = arith.index_cast %add3A_192 : i32 to index
        %get3A_200 = arith.index_cast %get3A_198 : i32 to index
        %get3A_201 = arith.constant 16 : index
        %get3A_202 = tpu.vector_load %arg13[%get3A_199, %get3A_200, %get3A_201] {strides = array<i32>} : memref<32x2x32xf32, #tpu.memory_space<vmem>>, vector<16xf32>,
        %get3A_203 = arith.constant 1 : i32
        %get3A_204 = arith.index_cast %add3A_192 : i32 to index
        %get3A_205 = arith.index_cast %get3A_203 : i32 to index
        %get3A_206 = arith.constant 0 : index
        %get3A_207 = tpu.vector_load %arg13[%get3A_204, %get3A_205, %get3A_206] {strides = array<i32>} : memref<32x2x32xf32, #tpu.memory_space<vmem>>, vector<16xf32>,
        %get3A_208 = arith.constant 1 : i32
        %get3A_209 = arith.index_cast %add3A_192 : i32 to index
        %get3A_210 = arith.index_cast %get3A_208 : i32 to index
        %get3A_211 = arith.constant 16 : index
        %get3A_212 = tpu.vector_load %arg13[%get3A_209, %get3A_210, %get3A_211] {strides = array<i32>} : memref<32x2x32xf32, #tpu.memory_space<vmem>>, vector<16xf32>,
        %slice3A = vector.extract_strided_slice %get3A_188 {offsets = [0], sizes = [1], strides = [1]} : vector<16xf32> to vector<1xf32>
        %squeeze3A = vector.extract %slice3A[0] : f32 from vector<1xf32>
        %slice3A_213 = vector.extract_strided_slice %gather3A {offsets = [0], sizes = [1], strides = [1]} : vector<16xi32> to vector<1xi32>
        %squeeze3A_214 = vector.extract %slice3A_213[0] : i32 from vector<1xi32>
        %mul3A_215 = arith.constant 64 : i32
        %mul3A_216 = arith.muli %squeeze3A_214, %mul3A_215 : i32
        %broadcast_in_dim3A_217 = vector.broadcast %mul3A_216 : i32 to vector<16xi32>
        %add3A_218 = arith.constant 0 : i32
        %add3A_219 = vector.broadcast %add3A_218 : i32 to vector<16xi32>
        %add3A_220 = arith.addi %iota3A, %add3A_219 : vector<16xi32>
        %add3A_221 = arith.addi %broadcast_in_dim3A_217, %add3A_220 : vector<16xi32>
        %mul3A_222 = vector.broadcast %squeeze3A : f32 to vector<16xf32>
        %mul3A_223 = arith.mulf %mul3A_222, %get3A_197 : vector<16xf32>
        tpu.vector_store_idx %arg10[%add3A_221], %mul3A_223 {add = true} : memref<32768xf32, #tpu.memory_space<vmem>>[vector<16xi32>], vector<16xf32>,
        %add3A_224 = arith.constant 16 : i32
        %add3A_225 = vector.broadcast %add3A_224 : i32 to vector<16xi32>
        %add3A_226 = arith.addi %iota3A, %add3A_225 : vector<16xi32>
        %add3A_227 = arith.addi %broadcast_in_dim3A_217, %add3A_226 : vector<16xi32>
        %mul3A_228 = vector.broadcast %squeeze3A : f32 to vector<16xf32>
        %mul3A_229 = arith.mulf %mul3A_228, %get3A_202 : vector<16xf32>
        tpu.vector_store_idx %arg10[%add3A_227], %mul3A_229 {add = true} : memref<32768xf32, #tpu.memory_space<vmem>>[vector<16xi32>], vector<16xf32>,
        %add3A_230 = arith.constant 32 : i32
        %add3A_231 = vector.broadcast %add3A_230 : i32 to vector<16xi32>
        %add3A_232 = arith.addi %iota3A, %add3A_231 : vector<16xi32>
        %add3A_233 = arith.addi %broadcast_in_dim3A_217, %add3A_232 : vector<16xi32>
        %mul3A_234 = vector.broadcast %squeeze3A : f32 to vector<16xf32>
        %mul3A_235 = arith.mulf %mul3A_234, %get3A_207 : vector<16xf32>
        tpu.vector_store_idx %arg10[%add3A_233], %mul3A_235 {add = true} : memref<32768xf32, #tpu.memory_space<vmem>>[vector<16xi32>], vector<16xf32>,
        %add3A_236 = arith.constant 48 : i32
        %add3A_237 = vector.broadcast %add3A_236 : i32 to vector<16xi32>
        %add3A_238 = arith.addi %iota3A, %add3A_237 : vector<16xi32>
        %add3A_239 = arith.addi %broadcast_in_dim3A_217, %add3A_238 : vector<16xi32>
        %mul3A_240 = vector.broadcast %squeeze3A : f32 to vector<16xf32>
        %mul3A_241 = arith.mulf %mul3A_240, %get3A_212 : vector<16xf32>
        tpu.vector_store_idx %arg10[%add3A_239], %mul3A_241 {add = true} : memref<32768xf32, #tpu.memory_space<vmem>>[vector<16xi32>], vector<16xf32>,
        %slice3A_242 = vector.extract_strided_slice %get3A_188 {offsets = [1], sizes = [1], strides = [1]} : vector<16xf32> to vector<1xf32>
        %squeeze3A_243 = vector.extract %slice3A_242[0] : f32 from vector<1xf32>
        %slice3A_244 = vector.extract_strided_slice %gather3A {offsets = [1], sizes = [1], strides = [1]} : vector<16xi32> to vector<1xi32>
        %squeeze3A_245 = vector.extract %slice3A_244[0] : i32 from vector<1xi32>
        %mul3A_246 = arith.constant 64 : i32
        %mul3A_247 = arith.muli %squeeze3A_245, %mul3A_246 : i32
        %broadcast_in_dim3A_248 = vector.broadcast %mul3A_247 : i32 to vector<16xi32>
        %add3A_249 = arith.constant 0 : i32
        %add3A_250 = vector.broadcast %add3A_249 : i32 to vector<16xi32>
        %add3A_251 = arith.addi %iota3A, %add3A_250 : vector<16xi32>
        %add3A_252 = arith.addi %broadcast_in_dim3A_248, %add3A_251 : vector<16xi32>
        %mul3A_253 = vector.broadcast %squeeze3A_243 : f32 to vector<16xf32>
        %mul3A_254 = arith.mulf %mul3A_253, %get3A_197 : vector<16xf32>
        tpu.vector_store_idx %arg10[%add3A_252], %mul3A_254 {add = true} : memref<32768xf32, #tpu.memory_space<vmem>>[vector<16xi32>], vector<16xf32>,
        %add3A_255 = arith.constant 16 : i32
        %add3A_256 = vector.broadcast %add3A_255 : i32 to vector<16xi32>
        %add3A_257 = arith.addi %iota3A, %add3A_256 : vector<16xi32>
        %add3A_258 = arith.addi %broadcast_in_dim3A_248, %add3A_257 : vector<16xi32>
        %mul3A_259 = vector.broadcast %squeeze3A_243 : f32 to vector<16xf32>
        %mul3A_260 = arith.mulf %mul3A_259, %get3A_202 : vector<16xf32>
        tpu.vector_store_idx %arg10[%add3A_258], %mul3A_260 {add = true} : memref<32768xf32, #tpu.memory_space<vmem>>[vector<16xi32>], vector<16xf32>,
        %add3A_261 = arith.constant 32 : i32
        %add3A_262 = vector.broadcast %add3A_261 : i32 to vector<16xi32>
        %add3A_263 = arith.addi %iota3A, %add3A_262 : vector<16xi32>
        %add3A_264 = arith.addi %broadcast_in_dim3A_248, %add3A_263 : vector<16xi32>
        %mul3A_265 = vector.broadcast %squeeze3A_243 : f32 to vector<16xf32>
        %mul3A_266 = arith.mulf %mul3A_265, %get3A_207 : vector<16xf32>
        tpu.vector_store_idx %arg10[%add3A_264], %mul3A_266 {add = true} : memref<32768xf32, #tpu.memory_space<vmem>>[vector<16xi32>], vector<16xf32>,
        %add3A_267 = arith.constant 48 : i32
        %add3A_268 = vector.broadcast %add3A_267 : i32 to vector<16xi32>
        %add3A_269 = arith.addi %iota3A, %add3A_268 : vector<16xi32>
        %add3A_270 = arith.addi %broadcast_in_dim3A_248, %add3A_269 : vector<16xi32>
        %mul3A_271 = vector.broadcast %squeeze3A_243 : f32 to vector<16xf32>
        %mul3A_272 = arith.mulf %mul3A_271, %get3A_212 : vector<16xf32>
        tpu.vector_store_idx %arg10[%add3A_270], %mul3A_272 {add = true} : memref<32768xf32, #tpu.memory_space<vmem>>[vector<16xi32>], vector<16xf32>,
        %slice3A_273 = vector.extract_strided_slice %get3A_188 {offsets = [2], sizes = [1], strides = [1]} : vector<16xf32> to vector<1xf32>
        %squeeze3A_274 = vector.extract %slice3A_273[0] : f32 from vector<1xf32>
        %slice3A_275 = vector.extract_strided_slice %gather3A {offsets = [2], sizes = [1], strides = [1]} : vector<16xi32> to vector<1xi32>
        %squeeze3A_276 = vector.extract %slice3A_275[0] : i32 from vector<1xi32>
        %mul3A_277 = arith.constant 64 : i32
        %mul3A_278 = arith.muli %squeeze3A_276, %mul3A_277 : i32
        %broadcast_in_dim3A_279 = vector.broadcast %mul3A_278 : i32 to vector<16xi32>
        %add3A_280 = arith.constant 0 : i32
        %add3A_281 = vector.broadcast %add3A_280 : i32 to vector<16xi32>
        %add3A_282 = arith.addi %iota3A, %add3A_281 : vector<16xi32>
        %add3A_283 = arith.addi %broadcast_in_dim3A_279, %add3A_282 : vector<16xi32>
        %mul3A_284 = vector.broadcast %squeeze3A_274 : f32 to vector<16xf32>
        %mul3A_285 = arith.mulf %mul3A_284, %get3A_197 : vector<16xf32>
        tpu.vector_store_idx %arg10[%add3A_283], %mul3A_285 {add = true} : memref<32768xf32, #tpu.memory_space<vmem>>[vector<16xi32>], vector<16xf32>,
        %add3A_286 = arith.constant 16 : i32
        %add3A_287 = vector.broadcast %add3A_286 : i32 to vector<16xi32>
        %add3A_288 = arith.addi %iota3A, %add3A_287 : vector<16xi32>
        %add3A_289 = arith.addi %broadcast_in_dim3A_279, %add3A_288 : vector<16xi32>
        %mul3A_290 = vector.broadcast %squeeze3A_274 : f32 to vector<16xf32>
        %mul3A_291 = arith.mulf %mul3A_290, %get3A_202 : vector<16xf32>
        tpu.vector_store_idx %arg10[%add3A_289], %mul3A_291 {add = true} : memref<32768xf32, #tpu.memory_space<vmem>>[vector<16xi32>], vector<16xf32>,
        %add3A_292 = arith.constant 32 : i32
        %add3A_293 = vector.broadcast %add3A_292 : i32 to vector<16xi32>
        %add3A_294 = arith.addi %iota3A, %add3A_293 : vector<16xi32>
        %add3A_295 = arith.addi %broadcast_in_dim3A_279, %add3A_294 : vector<16xi32>
        %mul3A_296 = vector.broadcast %squeeze3A_274 : f32 to vector<16xf32>
        %mul3A_297 = arith.mulf %mul3A_296, %get3A_207 : vector<16xf32>
        tpu.vector_store_idx %arg10[%add3A_295], %mul3A_297 {add = true} : memref<32768xf32, #tpu.memory_space<vmem>>[vector<16xi32>], vector<16xf32>,
        %add3A_298 = arith.constant 48 : i32
        %add3A_299 = vector.broadcast %add3A_298 : i32 to vector<16xi32>
        %add3A_300 = arith.addi %iota3A, %add3A_299 : vector<16xi32>
        %add3A_301 = arith.addi %broadcast_in_dim3A_279, %add3A_300 : vector<16xi32>
        %mul3A_302 = vector.broadcast %squeeze3A_274 : f32 to vector<16xf32>
        %mul3A_303 = arith.mulf %mul3A_302, %get3A_212 : vector<16xf32>
        tpu.vector_store_idx %arg10[%add3A_301], %mul3A_303 {add = true} : memref<32768xf32, #tpu.memory_space<vmem>>[vector<16xi32>], vector<16xf32>,
        %slice3A_304 = vector.extract_strided_slice %get3A_188 {offsets = [3], sizes = [1], strides = [1]} : vector<16xf32> to vector<1xf32>
        %squeeze3A_305 = vector.extract %slice3A_304[0] : f32 from vector<1xf32>
        %slice3A_306 = vector.extract_strided_slice %gather3A {offsets = [3], sizes = [1], strides = [1]} : vector<16xi32> to vector<1xi32>
        %squeeze3A_307 = vector.extract %slice3A_306[0] : i32 from vector<1xi32>
        %mul3A_308 = arith.constant 64 : i32
        %mul3A_309 = arith.muli %squeeze3A_307, %mul3A_308 : i32
        %broadcast_in_dim3A_310 = vector.broadcast %mul3A_309 : i32 to vector<16xi32>
        %add3A_311 = arith.constant 0 : i32
        %add3A_312 = vector.broadcast %add3A_311 : i32 to vector<16xi32>
        %add3A_313 = arith.addi %iota3A, %add3A_312 : vector<16xi32>
        %add3A_314 = arith.addi %broadcast_in_dim3A_310, %add3A_313 : vector<16xi32>
        %mul3A_315 = vector.broadcast %squeeze3A_305 : f32 to vector<16xf32>
        %mul3A_316 = arith.mulf %mul3A_315, %get3A_197 : vector<16xf32>
        tpu.vector_store_idx %arg10[%add3A_314], %mul3A_316 {add = true} : memref<32768xf32, #tpu.memory_space<vmem>>[vector<16xi32>], vector<16xf32>,
        %add3A_317 = arith.constant 16 : i32
        %add3A_318 = vector.broadcast %add3A_317 : i32 to vector<16xi32>
        %add3A_319 = arith.addi %iota3A, %add3A_318 : vector<16xi32>
        %add3A_320 = arith.addi %broadcast_in_dim3A_310, %add3A_319 : vector<16xi32>
        %mul3A_321 = vector.broadcast %squeeze3A_305 : f32 to vector<16xf32>
        %mul3A_322 = arith.mulf %mul3A_321, %get3A_202 : vector<16xf32>
        tpu.vector_store_idx %arg10[%add3A_320], %mul3A_322 {add = true} : memref<32768xf32, #tpu.memory_space<vmem>>[vector<16xi32>], vector<16xf32>,
        %add3A_323 = arith.constant 32 : i32
        %add3A_324 = vector.broadcast %add3A_323 : i32 to vector<16xi32>
        %add3A_325 = arith.addi %iota3A, %add3A_324 : vector<16xi32>
        %add3A_326 = arith.addi %broadcast_in_dim3A_310, %add3A_325 : vector<16xi32>
        %mul3A_327 = vector.broadcast %squeeze3A_305 : f32 to vector<16xf32>
        %mul3A_328 = arith.mulf %mul3A_327, %get3A_207 : vector<16xf32>
        tpu.vector_store_idx %arg10[%add3A_326], %mul3A_328 {add = true} : memref<32768xf32, #tpu.memory_space<vmem>>[vector<16xi32>], vector<16xf32>,
        %add3A_329 = arith.constant 48 : i32
        %add3A_330 = vector.broadcast %add3A_329 : i32 to vector<16xi32>
        %add3A_331 = arith.addi %iota3A, %add3A_330 : vector<16xi32>
        %add3A_332 = arith.addi %broadcast_in_dim3A_310, %add3A_331 : vector<16xi32>
        %mul3A_333 = vector.broadcast %squeeze3A_305 : f32 to vector<16xf32>
        %mul3A_334 = arith.mulf %mul3A_333, %get3A_212 : vector<16xf32>
        tpu.vector_store_idx %arg10[%add3A_332], %mul3A_334 {add = true} : memref<32768xf32, #tpu.memory_space<vmem>>[vector<16xi32>], vector<16xf32>,
        %slice3A_335 = vector.extract_strided_slice %get3A_188 {offsets = [4], sizes = [1], strides = [1]} : vector<16xf32> to vector<1xf32>
        %squeeze3A_336 = vector.extract %slice3A_335[0] : f32 from vector<1xf32>
        %slice3A_337 = vector.extract_strided_slice %gather3A {offsets = [4], sizes = [1], strides = [1]} : vector<16xi32> to vector<1xi32>
        %squeeze3A_338 = vector.extract %slice3A_337[0] : i32 from vector<1xi32>
        %mul3A_339 = arith.constant 64 : i32
        %mul3A_340 = arith.muli %squeeze3A_338, %mul3A_339 : i32
        %broadcast_in_dim3A_341 = vector.broadcast %mul3A_340 : i32 to vector<16xi32>
        %add3A_342 = arith.constant 0 : i32
        %add3A_343 = vector.broadcast %add3A_342 : i32 to vector<16xi32>
        %add3A_344 = arith.addi %iota3A, %add3A_343 : vector<16xi32>
        %add3A_345 = arith.addi %broadcast_in_dim3A_341, %add3A_344 : vector<16xi32>
        %mul3A_346 = vector.broadcast %squeeze3A_336 : f32 to vector<16xf32>
        %mul3A_347 = arith.mulf %mul3A_346, %get3A_197 : vector<16xf32>
        tpu.vector_store_idx %arg10[%add3A_345], %mul3A_347 {add = true} : memref<32768xf32, #tpu.memory_space<vmem>>[vector<16xi32>], vector<16xf32>,
        %add3A_348 = arith.constant 16 : i32
        %add3A_349 = vector.broadcast %add3A_348 : i32 to vector<16xi32>
        %add3A_350 = arith.addi %iota3A, %add3A_349 : vector<16xi32>
        %add3A_351 = arith.addi %broadcast_in_dim3A_341, %add3A_350 : vector<16xi32>
        %mul3A_352 = vector.broadcast %squeeze3A_336 : f32 to vector<16xf32>
        %mul3A_353 = arith.mulf %mul3A_352, %get3A_202 : vector<16xf32>
        tpu.vector_store_idx %arg10[%add3A_351], %mul3A_353 {add = true} : memref<32768xf32, #tpu.memory_space<vmem>>[vector<16xi32>], vector<16xf32>,
        %add3A_354 = arith.constant 32 : i32
        %add3A_355 = vector.broadcast %add3A_354 : i32 to vector<16xi32>
        %add3A_356 = arith.addi %iota3A, %add3A_355 : vector<16xi32>
        %add3A_357 = arith.addi %broadcast_in_dim3A_341, %add3A_356 : vector<16xi32>
        %mul3A_358 = vector.broadcast %squeeze3A_336 : f32 to vector<16xf32>
        %mul3A_359 = arith.mulf %mul3A_358, %get3A_207 : vector<16xf32>
        tpu.vector_store_idx %arg10[%add3A_357], %mul3A_359 {add = true} : memref<32768xf32, #tpu.memory_space<vmem>>[vector<16xi32>], vector<16xf32>,
        %add3A_360 = arith.constant 48 : i32
        %add3A_361 = vector.broadcast %add3A_360 : i32 to vector<16xi32>
        %add3A_362 = arith.addi %iota3A, %add3A_361 : vector<16xi32>
        %add3A_363 = arith.addi %broadcast_in_dim3A_341, %add3A_362 : vector<16xi32>
        %mul3A_364 = vector.broadcast %squeeze3A_336 : f32 to vector<16xf32>
        %mul3A_365 = arith.mulf %mul3A_364, %get3A_212 : vector<16xf32>
        tpu.vector_store_idx %arg10[%add3A_363], %mul3A_365 {add = true} : memref<32768xf32, #tpu.memory_space<vmem>>[vector<16xi32>], vector<16xf32>,
        %slice3A_366 = vector.extract_strided_slice %get3A_188 {offsets = [5], sizes = [1], strides = [1]} : vector<16xf32> to vector<1xf32>
        %squeeze3A_367 = vector.extract %slice3A_366[0] : f32 from vector<1xf32>
        %slice3A_368 = vector.extract_strided_slice %gather3A {offsets = [5], sizes = [1], strides = [1]} : vector<16xi32> to vector<1xi32>
        %squeeze3A_369 = vector.extract %slice3A_368[0] : i32 from vector<1xi32>
        %mul3A_370 = arith.constant 64 : i32
        %mul3A_371 = arith.muli %squeeze3A_369, %mul3A_370 : i32
        %broadcast_in_dim3A_372 = vector.broadcast %mul3A_371 : i32 to vector<16xi32>
        %add3A_373 = arith.constant 0 : i32
        %add3A_374 = vector.broadcast %add3A_373 : i32 to vector<16xi32>
        %add3A_375 = arith.addi %iota3A, %add3A_374 : vector<16xi32>
        %add3A_376 = arith.addi %broadcast_in_dim3A_372, %add3A_375 : vector<16xi32>
        %mul3A_377 = vector.broadcast %squeeze3A_367 : f32 to vector<16xf32>
        %mul3A_378 = arith.mulf %mul3A_377, %get3A_197 : vector<16xf32>
        tpu.vector_store_idx %arg10[%add3A_376], %mul3A_378 {add = true} : memref<32768xf32, #tpu.memory_space<vmem>>[vector<16xi32>], vector<16xf32>,
        %add3A_379 = arith.constant 16 : i32
        %add3A_380 = vector.broadcast %add3A_379 : i32 to vector<16xi32>
        %add3A_381 = arith.addi %iota3A, %add3A_380 : vector<16xi32>
        %add3A_382 = arith.addi %broadcast_in_dim3A_372, %add3A_381 : vector<16xi32>
        %mul3A_383 = vector.broadcast %squeeze3A_367 : f32 to vector<16xf32>
        %mul3A_384 = arith.mulf %mul3A_383, %get3A_202 : vector<16xf32>
        tpu.vector_store_idx %arg10[%add3A_382], %mul3A_384 {add = true} : memref<32768xf32, #tpu.memory_space<vmem>>[vector<16xi32>], vector<16xf32>,
        %add3A_385 = arith.constant 32 : i32
        %add3A_386 = vector.broadcast %add3A_385 : i32 to vector<16xi32>
        %add3A_387 = arith.addi %iota3A, %add3A_386 : vector<16xi32>
        %add3A_388 = arith.addi %broadcast_in_dim3A_372, %add3A_387 : vector<16xi32>
        %mul3A_389 = vector.broadcast %squeeze3A_367 : f32 to vector<16xf32>
        %mul3A_390 = arith.mulf %mul3A_389, %get3A_207 : vector<16xf32>
        tpu.vector_store_idx %arg10[%add3A_388], %mul3A_390 {add = true} : memref<32768xf32, #tpu.memory_space<vmem>>[vector<16xi32>], vector<16xf32>,
        %add3A_391 = arith.constant 48 : i32
        %add3A_392 = vector.broadcast %add3A_391 : i32 to vector<16xi32>
        %add3A_393 = arith.addi %iota3A, %add3A_392 : vector<16xi32>
        %add3A_394 = arith.addi %broadcast_in_dim3A_372, %add3A_393 : vector<16xi32>
        %mul3A_395 = vector.broadcast %squeeze3A_367 : f32 to vector<16xf32>
        %mul3A_396 = arith.mulf %mul3A_395, %get3A_212 : vector<16xf32>
        tpu.vector_store_idx %arg10[%add3A_394], %mul3A_396 {add = true} : memref<32768xf32, #tpu.memory_space<vmem>>[vector<16xi32>], vector<16xf32>,
        %slice3A_397 = vector.extract_strided_slice %get3A_188 {offsets = [6], sizes = [1], strides = [1]} : vector<16xf32> to vector<1xf32>
        %squeeze3A_398 = vector.extract %slice3A_397[0] : f32 from vector<1xf32>
        %slice3A_399 = vector.extract_strided_slice %gather3A {offsets = [6], sizes = [1], strides = [1]} : vector<16xi32> to vector<1xi32>
        %squeeze3A_400 = vector.extract %slice3A_399[0] : i32 from vector<1xi32>
        %mul3A_401 = arith.constant 64 : i32
        %mul3A_402 = arith.muli %squeeze3A_400, %mul3A_401 : i32
        %broadcast_in_dim3A_403 = vector.broadcast %mul3A_402 : i32 to vector<16xi32>
        %add3A_404 = arith.constant 0 : i32
        %add3A_405 = vector.broadcast %add3A_404 : i32 to vector<16xi32>
        %add3A_406 = arith.addi %iota3A, %add3A_405 : vector<16xi32>
        %add3A_407 = arith.addi %broadcast_in_dim3A_403, %add3A_406 : vector<16xi32>
        %mul3A_408 = vector.broadcast %squeeze3A_398 : f32 to vector<16xf32>
        %mul3A_409 = arith.mulf %mul3A_408, %get3A_197 : vector<16xf32>
        tpu.vector_store_idx %arg10[%add3A_407], %mul3A_409 {add = true} : memref<32768xf32, #tpu.memory_space<vmem>>[vector<16xi32>], vector<16xf32>,
        %add3A_410 = arith.constant 16 : i32
        %add3A_411 = vector.broadcast %add3A_410 : i32 to vector<16xi32>
        %add3A_412 = arith.addi %iota3A, %add3A_411 : vector<16xi32>
        %add3A_413 = arith.addi %broadcast_in_dim3A_403, %add3A_412 : vector<16xi32>
        %mul3A_414 = vector.broadcast %squeeze3A_398 : f32 to vector<16xf32>
        %mul3A_415 = arith.mulf %mul3A_414, %get3A_202 : vector<16xf32>
        tpu.vector_store_idx %arg10[%add3A_413], %mul3A_415 {add = true} : memref<32768xf32, #tpu.memory_space<vmem>>[vector<16xi32>], vector<16xf32>,
        %add3A_416 = arith.constant 32 : i32
        %add3A_417 = vector.broadcast %add3A_416 : i32 to vector<16xi32>
        %add3A_418 = arith.addi %iota3A, %add3A_417 : vector<16xi32>
        %add3A_419 = arith.addi %broadcast_in_dim3A_403, %add3A_418 : vector<16xi32>
        %mul3A_420 = vector.broadcast %squeeze3A_398 : f32 to vector<16xf32>
        %mul3A_421 = arith.mulf %mul3A_420, %get3A_207 : vector<16xf32>
        tpu.vector_store_idx %arg10[%add3A_419], %mul3A_421 {add = true} : memref<32768xf32, #tpu.memory_space<vmem>>[vector<16xi32>], vector<16xf32>,
        %add3A_422 = arith.constant 48 : i32
        %add3A_423 = vector.broadcast %add3A_422 : i32 to vector<16xi32>
        %add3A_424 = arith.addi %iota3A, %add3A_423 : vector<16xi32>
        %add3A_425 = arith.addi %broadcast_in_dim3A_403, %add3A_424 : vector<16xi32>
        %mul3A_426 = vector.broadcast %squeeze3A_398 : f32 to vector<16xf32>
        %mul3A_427 = arith.mulf %mul3A_426, %get3A_212 : vector<16xf32>
        tpu.vector_store_idx %arg10[%add3A_425], %mul3A_427 {add = true} : memref<32768xf32, #tpu.memory_space<vmem>>[vector<16xi32>], vector<16xf32>,
        %slice3A_428 = vector.extract_strided_slice %get3A_188 {offsets = [7], sizes = [1], strides = [1]} : vector<16xf32> to vector<1xf32>
        %squeeze3A_429 = vector.extract %slice3A_428[0] : f32 from vector<1xf32>
        %slice3A_430 = vector.extract_strided_slice %gather3A {offsets = [7], sizes = [1], strides = [1]} : vector<16xi32> to vector<1xi32>
        %squeeze3A_431 = vector.extract %slice3A_430[0] : i32 from vector<1xi32>
        %mul3A_432 = arith.constant 64 : i32
        %mul3A_433 = arith.muli %squeeze3A_431, %mul3A_432 : i32
        %broadcast_in_dim3A_434 = vector.broadcast %mul3A_433 : i32 to vector<16xi32>
        %add3A_435 = arith.constant 0 : i32
        %add3A_436 = vector.broadcast %add3A_435 : i32 to vector<16xi32>
        %add3A_437 = arith.addi %iota3A, %add3A_436 : vector<16xi32>
        %add3A_438 = arith.addi %broadcast_in_dim3A_434, %add3A_437 : vector<16xi32>
        %mul3A_439 = vector.broadcast %squeeze3A_429 : f32 to vector<16xf32>
        %mul3A_440 = arith.mulf %mul3A_439, %get3A_197 : vector<16xf32>
        tpu.vector_store_idx %arg10[%add3A_438], %mul3A_440 {add = true} : memref<32768xf32, #tpu.memory_space<vmem>>[vector<16xi32>], vector<16xf32>,
        %add3A_441 = arith.constant 16 : i32
        %add3A_442 = vector.broadcast %add3A_441 : i32 to vector<16xi32>
        %add3A_443 = arith.addi %iota3A, %add3A_442 : vector<16xi32>
        %add3A_444 = arith.addi %broadcast_in_dim3A_434, %add3A_443 : vector<16xi32>
        %mul3A_445 = vector.broadcast %squeeze3A_429 : f32 to vector<16xf32>
        %mul3A_446 = arith.mulf %mul3A_445, %get3A_202 : vector<16xf32>
        tpu.vector_store_idx %arg10[%add3A_444], %mul3A_446 {add = true} : memref<32768xf32, #tpu.memory_space<vmem>>[vector<16xi32>], vector<16xf32>,
        %add3A_447 = arith.constant 32 : i32
        %add3A_448 = vector.broadcast %add3A_447 : i32 to vector<16xi32>
        %add3A_449 = arith.addi %iota3A, %add3A_448 : vector<16xi32>
        %add3A_450 = arith.addi %broadcast_in_dim3A_434, %add3A_449 : vector<16xi32>
        %mul3A_451 = vector.broadcast %squeeze3A_429 : f32 to vector<16xf32>
        %mul3A_452 = arith.mulf %mul3A_451, %get3A_207 : vector<16xf32>
        tpu.vector_store_idx %arg10[%add3A_450], %mul3A_452 {add = true} : memref<32768xf32, #tpu.memory_space<vmem>>[vector<16xi32>], vector<16xf32>,
        %add3A_453 = arith.constant 48 : i32
        %add3A_454 = vector.broadcast %add3A_453 : i32 to vector<16xi32>
        %add3A_455 = arith.addi %iota3A, %add3A_454 : vector<16xi32>
        %add3A_456 = arith.addi %broadcast_in_dim3A_434, %add3A_455 : vector<16xi32>
        %mul3A_457 = vector.broadcast %squeeze3A_429 : f32 to vector<16xf32>
        %mul3A_458 = arith.mulf %mul3A_457, %get3A_212 : vector<16xf32>
        tpu.vector_store_idx %arg10[%add3A_456], %mul3A_458 {add = true} : memref<32768xf32, #tpu.memory_space<vmem>>[vector<16xi32>], vector<16xf32>,
        %mul3A_459 = arith.constant 2 : i32
        %mul3A_460 = arith.muli %mul3A_459, %scan3A_180 : i32
        %add3A_461 = arith.constant 1 : i32
        %add3A_462 = arith.addi %mul3A_460, %add3A_461 : i32
        %get3A_463 = arith.constant 0 : i32
        %get3A_464 = arith.index_cast %add3A_462 : i32 to index
        %get3A_465 = arith.index_cast %get3A_463 : i32 to index
        %get3A_466 = arith.constant 0 : index
        %get3A_467 = tpu.vector_load %arg13[%get3A_464, %get3A_465, %get3A_466] {strides = array<i32>} : memref<32x2x32xf32, #tpu.memory_space<vmem>>, vector<16xf32>,
        %get3A_468 = arith.constant 0 : i32
        %get3A_469 = arith.index_cast %add3A_462 : i32 to index
        %get3A_470 = arith.index_cast %get3A_468 : i32 to index
        %get3A_471 = arith.constant 16 : index
        %get3A_472 = tpu.vector_load %arg13[%get3A_469, %get3A_470, %get3A_471] {strides = array<i32>} : memref<32x2x32xf32, #tpu.memory_space<vmem>>, vector<16xf32>,
        %get3A_473 = arith.constant 1 : i32
        %get3A_474 = arith.index_cast %add3A_462 : i32 to index
        %get3A_475 = arith.index_cast %get3A_473 : i32 to index
        %get3A_476 = arith.constant 0 : index
        %get3A_477 = tpu.vector_load %arg13[%get3A_474, %get3A_475, %get3A_476] {strides = array<i32>} : memref<32x2x32xf32, #tpu.memory_space<vmem>>, vector<16xf32>,
        %get3A_478 = arith.constant 1 : i32
        %get3A_479 = arith.index_cast %add3A_462 : i32 to index
        %get3A_480 = arith.index_cast %get3A_478 : i32 to index
        %get3A_481 = arith.constant 16 : index
        %get3A_482 = tpu.vector_load %arg13[%get3A_479, %get3A_480, %get3A_481] {strides = array<i32>} : memref<32x2x32xf32, #tpu.memory_space<vmem>>, vector<16xf32>,
        %slice3A_483 = vector.extract_strided_slice %get3A_188 {offsets = [8], sizes = [1], strides = [1]} : vector<16xf32> to vector<1xf32>
        %squeeze3A_484 = vector.extract %slice3A_483[0] : f32 from vector<1xf32>
        %slice3A_485 = vector.extract_strided_slice %gather3A {offsets = [8], sizes = [1], strides = [1]} : vector<16xi32> to vector<1xi32>
        %squeeze3A_486 = vector.extract %slice3A_485[0] : i32 from vector<1xi32>
        %mul3A_487 = arith.constant 64 : i32
        %mul3A_488 = arith.muli %squeeze3A_486, %mul3A_487 : i32
        %broadcast_in_dim3A_489 = vector.broadcast %mul3A_488 : i32 to vector<16xi32>
        %add3A_490 = arith.constant 0 : i32
        %add3A_491 = vector.broadcast %add3A_490 : i32 to vector<16xi32>
        %add3A_492 = arith.addi %iota3A, %add3A_491 : vector<16xi32>
        %add3A_493 = arith.addi %broadcast_in_dim3A_489, %add3A_492 : vector<16xi32>
        %mul3A_494 = vector.broadcast %squeeze3A_484 : f32 to vector<16xf32>
        %mul3A_495 = arith.mulf %mul3A_494, %get3A_467 : vector<16xf32>
        tpu.vector_store_idx %arg10[%add3A_493], %mul3A_495 {add = true} : memref<32768xf32, #tpu.memory_space<vmem>>[vector<16xi32>], vector<16xf32>,
        %add3A_496 = arith.constant 16 : i32
        %add3A_497 = vector.broadcast %add3A_496 : i32 to vector<16xi32>
        %add3A_498 = arith.addi %iota3A, %add3A_497 : vector<16xi32>
        %add3A_499 = arith.addi %broadcast_in_dim3A_489, %add3A_498 : vector<16xi32>
        %mul3A_500 = vector.broadcast %squeeze3A_484 : f32 to vector<16xf32>
        %mul3A_501 = arith.mulf %mul3A_500, %get3A_472 : vector<16xf32>
        tpu.vector_store_idx %arg10[%add3A_499], %mul3A_501 {add = true} : memref<32768xf32, #tpu.memory_space<vmem>>[vector<16xi32>], vector<16xf32>,
        %add3A_502 = arith.constant 32 : i32
        %add3A_503 = vector.broadcast %add3A_502 : i32 to vector<16xi32>
        %add3A_504 = arith.addi %iota3A, %add3A_503 : vector<16xi32>
        %add3A_505 = arith.addi %broadcast_in_dim3A_489, %add3A_504 : vector<16xi32>
        %mul3A_506 = vector.broadcast %squeeze3A_484 : f32 to vector<16xf32>
        %mul3A_507 = arith.mulf %mul3A_506, %get3A_477 : vector<16xf32>
        tpu.vector_store_idx %arg10[%add3A_505], %mul3A_507 {add = true} : memref<32768xf32, #tpu.memory_space<vmem>>[vector<16xi32>], vector<16xf32>,
        %add3A_508 = arith.constant 48 : i32
        %add3A_509 = vector.broadcast %add3A_508 : i32 to vector<16xi32>
        %add3A_510 = arith.addi %iota3A, %add3A_509 : vector<16xi32>
        %add3A_511 = arith.addi %broadcast_in_dim3A_489, %add3A_510 : vector<16xi32>
        %mul3A_512 = vector.broadcast %squeeze3A_484 : f32 to vector<16xf32>
        %mul3A_513 = arith.mulf %mul3A_512, %get3A_482 : vector<16xf32>
        tpu.vector_store_idx %arg10[%add3A_511], %mul3A_513 {add = true} : memref<32768xf32, #tpu.memory_space<vmem>>[vector<16xi32>], vector<16xf32>,
        %slice3A_514 = vector.extract_strided_slice %get3A_188 {offsets = [9], sizes = [1], strides = [1]} : vector<16xf32> to vector<1xf32>
        %squeeze3A_515 = vector.extract %slice3A_514[0] : f32 from vector<1xf32>
        %slice3A_516 = vector.extract_strided_slice %gather3A {offsets = [9], sizes = [1], strides = [1]} : vector<16xi32> to vector<1xi32>
        %squeeze3A_517 = vector.extract %slice3A_516[0] : i32 from vector<1xi32>
        %mul3A_518 = arith.constant 64 : i32
        %mul3A_519 = arith.muli %squeeze3A_517, %mul3A_518 : i32
        %broadcast_in_dim3A_520 = vector.broadcast %mul3A_519 : i32 to vector<16xi32>
        %add3A_521 = arith.constant 0 : i32
        %add3A_522 = vector.broadcast %add3A_521 : i32 to vector<16xi32>
        %add3A_523 = arith.addi %iota3A, %add3A_522 : vector<16xi32>
        %add3A_524 = arith.addi %broadcast_in_dim3A_520, %add3A_523 : vector<16xi32>
        %mul3A_525 = vector.broadcast %squeeze3A_515 : f32 to vector<16xf32>
        %mul3A_526 = arith.mulf %mul3A_525, %get3A_467 : vector<16xf32>
        tpu.vector_store_idx %arg10[%add3A_524], %mul3A_526 {add = true} : memref<32768xf32, #tpu.memory_space<vmem>>[vector<16xi32>], vector<16xf32>,
        %add3A_527 = arith.constant 16 : i32
        %add3A_528 = vector.broadcast %add3A_527 : i32 to vector<16xi32>
        %add3A_529 = arith.addi %iota3A, %add3A_528 : vector<16xi32>
        %add3A_530 = arith.addi %broadcast_in_dim3A_520, %add3A_529 : vector<16xi32>
        %mul3A_531 = vector.broadcast %squeeze3A_515 : f32 to vector<16xf32>
        %mul3A_532 = arith.mulf %mul3A_531, %get3A_472 : vector<16xf32>
        tpu.vector_store_idx %arg10[%add3A_530], %mul3A_532 {add = true} : memref<32768xf32, #tpu.memory_space<vmem>>[vector<16xi32>], vector<16xf32>,
        %add3A_533 = arith.constant 32 : i32
        %add3A_534 = vector.broadcast %add3A_533 : i32 to vector<16xi32>
        %add3A_535 = arith.addi %iota3A, %add3A_534 : vector<16xi32>
        %add3A_536 = arith.addi %broadcast_in_dim3A_520, %add3A_535 : vector<16xi32>
        %mul3A_537 = vector.broadcast %squeeze3A_515 : f32 to vector<16xf32>
        %mul3A_538 = arith.mulf %mul3A_537, %get3A_477 : vector<16xf32>
        tpu.vector_store_idx %arg10[%add3A_536], %mul3A_538 {add = true} : memref<32768xf32, #tpu.memory_space<vmem>>[vector<16xi32>], vector<16xf32>,
        %add3A_539 = arith.constant 48 : i32
        %add3A_540 = vector.broadcast %add3A_539 : i32 to vector<16xi32>
        %add3A_541 = arith.addi %iota3A, %add3A_540 : vector<16xi32>
        %add3A_542 = arith.addi %broadcast_in_dim3A_520, %add3A_541 : vector<16xi32>
        %mul3A_543 = vector.broadcast %squeeze3A_515 : f32 to vector<16xf32>
        %mul3A_544 = arith.mulf %mul3A_543, %get3A_482 : vector<16xf32>
        tpu.vector_store_idx %arg10[%add3A_542], %mul3A_544 {add = true} : memref<32768xf32, #tpu.memory_space<vmem>>[vector<16xi32>], vector<16xf32>,
        %slice3A_545 = vector.extract_strided_slice %get3A_188 {offsets = [10], sizes = [1], strides = [1]} : vector<16xf32> to vector<1xf32>
        %squeeze3A_546 = vector.extract %slice3A_545[0] : f32 from vector<1xf32>
        %slice3A_547 = vector.extract_strided_slice %gather3A {offsets = [10], sizes = [1], strides = [1]} : vector<16xi32> to vector<1xi32>
        %squeeze3A_548 = vector.extract %slice3A_547[0] : i32 from vector<1xi32>
        %mul3A_549 = arith.constant 64 : i32
        %mul3A_550 = arith.muli %squeeze3A_548, %mul3A_549 : i32
        %broadcast_in_dim3A_551 = vector.broadcast %mul3A_550 : i32 to vector<16xi32>
        %add3A_552 = arith.constant 0 : i32
        %add3A_553 = vector.broadcast %add3A_552 : i32 to vector<16xi32>
        %add3A_554 = arith.addi %iota3A, %add3A_553 : vector<16xi32>
        %add3A_555 = arith.addi %broadcast_in_dim3A_551, %add3A_554 : vector<16xi32>
        %mul3A_556 = vector.broadcast %squeeze3A_546 : f32 to vector<16xf32>
        %mul3A_557 = arith.mulf %mul3A_556, %get3A_467 : vector<16xf32>
        tpu.vector_store_idx %arg10[%add3A_555], %mul3A_557 {add = true} : memref<32768xf32, #tpu.memory_space<vmem>>[vector<16xi32>], vector<16xf32>,
        %add3A_558 = arith.constant 16 : i32
        %add3A_559 = vector.broadcast %add3A_558 : i32 to vector<16xi32>
        %add3A_560 = arith.addi %iota3A, %add3A_559 : vector<16xi32>
        %add3A_561 = arith.addi %broadcast_in_dim3A_551, %add3A_560 : vector<16xi32>
        %mul3A_562 = vector.broadcast %squeeze3A_546 : f32 to vector<16xf32>
        %mul3A_563 = arith.mulf %mul3A_562, %get3A_472 : vector<16xf32>
        tpu.vector_store_idx %arg10[%add3A_561], %mul3A_563 {add = true} : memref<32768xf32, #tpu.memory_space<vmem>>[vector<16xi32>], vector<16xf32>,
        %add3A_564 = arith.constant 32 : i32
        %add3A_565 = vector.broadcast %add3A_564 : i32 to vector<16xi32>
        %add3A_566 = arith.addi %iota3A, %add3A_565 : vector<16xi32>
        %add3A_567 = arith.addi %broadcast_in_dim3A_551, %add3A_566 : vector<16xi32>
        %mul3A_568 = vector.broadcast %squeeze3A_546 : f32 to vector<16xf32>
        %mul3A_569 = arith.mulf %mul3A_568, %get3A_477 : vector<16xf32>
        tpu.vector_store_idx %arg10[%add3A_567], %mul3A_569 {add = true} : memref<32768xf32, #tpu.memory_space<vmem>>[vector<16xi32>], vector<16xf32>,
        %add3A_570 = arith.constant 48 : i32
        %add3A_571 = vector.broadcast %add3A_570 : i32 to vector<16xi32>
        %add3A_572 = arith.addi %iota3A, %add3A_571 : vector<16xi32>
        %add3A_573 = arith.addi %broadcast_in_dim3A_551, %add3A_572 : vector<16xi32>
        %mul3A_574 = vector.broadcast %squeeze3A_546 : f32 to vector<16xf32>
        %mul3A_575 = arith.mulf %mul3A_574, %get3A_482 : vector<16xf32>
        tpu.vector_store_idx %arg10[%add3A_573], %mul3A_575 {add = true} : memref<32768xf32, #tpu.memory_space<vmem>>[vector<16xi32>], vector<16xf32>,
        %slice3A_576 = vector.extract_strided_slice %get3A_188 {offsets = [11], sizes = [1], strides = [1]} : vector<16xf32> to vector<1xf32>
        %squeeze3A_577 = vector.extract %slice3A_576[0] : f32 from vector<1xf32>
        %slice3A_578 = vector.extract_strided_slice %gather3A {offsets = [11], sizes = [1], strides = [1]} : vector<16xi32> to vector<1xi32>
        %squeeze3A_579 = vector.extract %slice3A_578[0] : i32 from vector<1xi32>
        %mul3A_580 = arith.constant 64 : i32
        %mul3A_581 = arith.muli %squeeze3A_579, %mul3A_580 : i32
        %broadcast_in_dim3A_582 = vector.broadcast %mul3A_581 : i32 to vector<16xi32>
        %add3A_583 = arith.constant 0 : i32
        %add3A_584 = vector.broadcast %add3A_583 : i32 to vector<16xi32>
        %add3A_585 = arith.addi %iota3A, %add3A_584 : vector<16xi32>
        %add3A_586 = arith.addi %broadcast_in_dim3A_582, %add3A_585 : vector<16xi32>
        %mul3A_587 = vector.broadcast %squeeze3A_577 : f32 to vector<16xf32>
        %mul3A_588 = arith.mulf %mul3A_587, %get3A_467 : vector<16xf32>
        tpu.vector_store_idx %arg10[%add3A_586], %mul3A_588 {add = true} : memref<32768xf32, #tpu.memory_space<vmem>>[vector<16xi32>], vector<16xf32>,
        %add3A_589 = arith.constant 16 : i32
        %add3A_590 = vector.broadcast %add3A_589 : i32 to vector<16xi32>
        %add3A_591 = arith.addi %iota3A, %add3A_590 : vector<16xi32>
        %add3A_592 = arith.addi %broadcast_in_dim3A_582, %add3A_591 : vector<16xi32>
        %mul3A_593 = vector.broadcast %squeeze3A_577 : f32 to vector<16xf32>
        %mul3A_594 = arith.mulf %mul3A_593, %get3A_472 : vector<16xf32>
        tpu.vector_store_idx %arg10[%add3A_592], %mul3A_594 {add = true} : memref<32768xf32, #tpu.memory_space<vmem>>[vector<16xi32>], vector<16xf32>,
        %add3A_595 = arith.constant 32 : i32
        %add3A_596 = vector.broadcast %add3A_595 : i32 to vector<16xi32>
        %add3A_597 = arith.addi %iota3A, %add3A_596 : vector<16xi32>
        %add3A_598 = arith.addi %broadcast_in_dim3A_582, %add3A_597 : vector<16xi32>
        %mul3A_599 = vector.broadcast %squeeze3A_577 : f32 to vector<16xf32>
        %mul3A_600 = arith.mulf %mul3A_599, %get3A_477 : vector<16xf32>
        tpu.vector_store_idx %arg10[%add3A_598], %mul3A_600 {add = true} : memref<32768xf32, #tpu.memory_space<vmem>>[vector<16xi32>], vector<16xf32>,
        %add3A_601 = arith.constant 48 : i32
        %add3A_602 = vector.broadcast %add3A_601 : i32 to vector<16xi32>
        %add3A_603 = arith.addi %iota3A, %add3A_602 : vector<16xi32>
        %add3A_604 = arith.addi %broadcast_in_dim3A_582, %add3A_603 : vector<16xi32>
        %mul3A_605 = vector.broadcast %squeeze3A_577 : f32 to vector<16xf32>
        %mul3A_606 = arith.mulf %mul3A_605, %get3A_482 : vector<16xf32>
        tpu.vector_store_idx %arg10[%add3A_604], %mul3A_606 {add = true} : memref<32768xf32, #tpu.memory_space<vmem>>[vector<16xi32>], vector<16xf32>,
        %slice3A_607 = vector.extract_strided_slice %get3A_188 {offsets = [12], sizes = [1], strides = [1]} : vector<16xf32> to vector<1xf32>
        %squeeze3A_608 = vector.extract %slice3A_607[0] : f32 from vector<1xf32>
        %slice3A_609 = vector.extract_strided_slice %gather3A {offsets = [12], sizes = [1], strides = [1]} : vector<16xi32> to vector<1xi32>
        %squeeze3A_610 = vector.extract %slice3A_609[0] : i32 from vector<1xi32>
        %mul3A_611 = arith.constant 64 : i32
        %mul3A_612 = arith.muli %squeeze3A_610, %mul3A_611 : i32
        %broadcast_in_dim3A_613 = vector.broadcast %mul3A_612 : i32 to vector<16xi32>
        %add3A_614 = arith.constant 0 : i32
        %add3A_615 = vector.broadcast %add3A_614 : i32 to vector<16xi32>
        %add3A_616 = arith.addi %iota3A, %add3A_615 : vector<16xi32>
        %add3A_617 = arith.addi %broadcast_in_dim3A_613, %add3A_616 : vector<16xi32>
        %mul3A_618 = vector.broadcast %squeeze3A_608 : f32 to vector<16xf32>
        %mul3A_619 = arith.mulf %mul3A_618, %get3A_467 : vector<16xf32>
        tpu.vector_store_idx %arg10[%add3A_617], %mul3A_619 {add = true} : memref<32768xf32, #tpu.memory_space<vmem>>[vector<16xi32>], vector<16xf32>,
        %add3A_620 = arith.constant 16 : i32
        %add3A_621 = vector.broadcast %add3A_620 : i32 to vector<16xi32>
        %add3A_622 = arith.addi %iota3A, %add3A_621 : vector<16xi32>
        %add3A_623 = arith.addi %broadcast_in_dim3A_613, %add3A_622 : vector<16xi32>
        %mul3A_624 = vector.broadcast %squeeze3A_608 : f32 to vector<16xf32>
        %mul3A_625 = arith.mulf %mul3A_624, %get3A_472 : vector<16xf32>
        tpu.vector_store_idx %arg10[%add3A_623], %mul3A_625 {add = true} : memref<32768xf32, #tpu.memory_space<vmem>>[vector<16xi32>], vector<16xf32>,
        %add3A_626 = arith.constant 32 : i32
        %add3A_627 = vector.broadcast %add3A_626 : i32 to vector<16xi32>
        %add3A_628 = arith.addi %iota3A, %add3A_627 : vector<16xi32>
        %add3A_629 = arith.addi %broadcast_in_dim3A_613, %add3A_628 : vector<16xi32>
        %mul3A_630 = vector.broadcast %squeeze3A_608 : f32 to vector<16xf32>
        %mul3A_631 = arith.mulf %mul3A_630, %get3A_477 : vector<16xf32>
        tpu.vector_store_idx %arg10[%add3A_629], %mul3A_631 {add = true} : memref<32768xf32, #tpu.memory_space<vmem>>[vector<16xi32>], vector<16xf32>,
        %add3A_632 = arith.constant 48 : i32
        %add3A_633 = vector.broadcast %add3A_632 : i32 to vector<16xi32>
        %add3A_634 = arith.addi %iota3A, %add3A_633 : vector<16xi32>
        %add3A_635 = arith.addi %broadcast_in_dim3A_613, %add3A_634 : vector<16xi32>
        %mul3A_636 = vector.broadcast %squeeze3A_608 : f32 to vector<16xf32>
        %mul3A_637 = arith.mulf %mul3A_636, %get3A_482 : vector<16xf32>
        tpu.vector_store_idx %arg10[%add3A_635], %mul3A_637 {add = true} : memref<32768xf32, #tpu.memory_space<vmem>>[vector<16xi32>], vector<16xf32>,
        %slice3A_638 = vector.extract_strided_slice %get3A_188 {offsets = [13], sizes = [1], strides = [1]} : vector<16xf32> to vector<1xf32>
        %squeeze3A_639 = vector.extract %slice3A_638[0] : f32 from vector<1xf32>
        %slice3A_640 = vector.extract_strided_slice %gather3A {offsets = [13], sizes = [1], strides = [1]} : vector<16xi32> to vector<1xi32>
        %squeeze3A_641 = vector.extract %slice3A_640[0] : i32 from vector<1xi32>
        %mul3A_642 = arith.constant 64 : i32
        %mul3A_643 = arith.muli %squeeze3A_641, %mul3A_642 : i32
        %broadcast_in_dim3A_644 = vector.broadcast %mul3A_643 : i32 to vector<16xi32>
        %add3A_645 = arith.constant 0 : i32
        %add3A_646 = vector.broadcast %add3A_645 : i32 to vector<16xi32>
        %add3A_647 = arith.addi %iota3A, %add3A_646 : vector<16xi32>
        %add3A_648 = arith.addi %broadcast_in_dim3A_644, %add3A_647 : vector<16xi32>
        %mul3A_649 = vector.broadcast %squeeze3A_639 : f32 to vector<16xf32>
        %mul3A_650 = arith.mulf %mul3A_649, %get3A_467 : vector<16xf32>
        tpu.vector_store_idx %arg10[%add3A_648], %mul3A_650 {add = true} : memref<32768xf32, #tpu.memory_space<vmem>>[vector<16xi32>], vector<16xf32>,
        %add3A_651 = arith.constant 16 : i32
        %add3A_652 = vector.broadcast %add3A_651 : i32 to vector<16xi32>
        %add3A_653 = arith.addi %iota3A, %add3A_652 : vector<16xi32>
        %add3A_654 = arith.addi %broadcast_in_dim3A_644, %add3A_653 : vector<16xi32>
        %mul3A_655 = vector.broadcast %squeeze3A_639 : f32 to vector<16xf32>
        %mul3A_656 = arith.mulf %mul3A_655, %get3A_472 : vector<16xf32>
        tpu.vector_store_idx %arg10[%add3A_654], %mul3A_656 {add = true} : memref<32768xf32, #tpu.memory_space<vmem>>[vector<16xi32>], vector<16xf32>,
        %add3A_657 = arith.constant 32 : i32
        %add3A_658 = vector.broadcast %add3A_657 : i32 to vector<16xi32>
        %add3A_659 = arith.addi %iota3A, %add3A_658 : vector<16xi32>
        %add3A_660 = arith.addi %broadcast_in_dim3A_644, %add3A_659 : vector<16xi32>
        %mul3A_661 = vector.broadcast %squeeze3A_639 : f32 to vector<16xf32>
        %mul3A_662 = arith.mulf %mul3A_661, %get3A_477 : vector<16xf32>
        tpu.vector_store_idx %arg10[%add3A_660], %mul3A_662 {add = true} : memref<32768xf32, #tpu.memory_space<vmem>>[vector<16xi32>], vector<16xf32>,
        %add3A_663 = arith.constant 48 : i32
        %add3A_664 = vector.broadcast %add3A_663 : i32 to vector<16xi32>
        %add3A_665 = arith.addi %iota3A, %add3A_664 : vector<16xi32>
        %add3A_666 = arith.addi %broadcast_in_dim3A_644, %add3A_665 : vector<16xi32>
        %mul3A_667 = vector.broadcast %squeeze3A_639 : f32 to vector<16xf32>
        %mul3A_668 = arith.mulf %mul3A_667, %get3A_482 : vector<16xf32>
        tpu.vector_store_idx %arg10[%add3A_666], %mul3A_668 {add = true} : memref<32768xf32, #tpu.memory_space<vmem>>[vector<16xi32>], vector<16xf32>,
        %slice3A_669 = vector.extract_strided_slice %get3A_188 {offsets = [14], sizes = [1], strides = [1]} : vector<16xf32> to vector<1xf32>
        %squeeze3A_670 = vector.extract %slice3A_669[0] : f32 from vector<1xf32>
        %slice3A_671 = vector.extract_strided_slice %gather3A {offsets = [14], sizes = [1], strides = [1]} : vector<16xi32> to vector<1xi32>
        %squeeze3A_672 = vector.extract %slice3A_671[0] : i32 from vector<1xi32>
        %mul3A_673 = arith.constant 64 : i32
        %mul3A_674 = arith.muli %squeeze3A_672, %mul3A_673 : i32
        %broadcast_in_dim3A_675 = vector.broadcast %mul3A_674 : i32 to vector<16xi32>
        %add3A_676 = arith.constant 0 : i32
        %add3A_677 = vector.broadcast %add3A_676 : i32 to vector<16xi32>
        %add3A_678 = arith.addi %iota3A, %add3A_677 : vector<16xi32>
        %add3A_679 = arith.addi %broadcast_in_dim3A_675, %add3A_678 : vector<16xi32>
        %mul3A_680 = vector.broadcast %squeeze3A_670 : f32 to vector<16xf32>
        %mul3A_681 = arith.mulf %mul3A_680, %get3A_467 : vector<16xf32>
        tpu.vector_store_idx %arg10[%add3A_679], %mul3A_681 {add = true} : memref<32768xf32, #tpu.memory_space<vmem>>[vector<16xi32>], vector<16xf32>,
        %add3A_682 = arith.constant 16 : i32
        %add3A_683 = vector.broadcast %add3A_682 : i32 to vector<16xi32>
        %add3A_684 = arith.addi %iota3A, %add3A_683 : vector<16xi32>
        %add3A_685 = arith.addi %broadcast_in_dim3A_675, %add3A_684 : vector<16xi32>
        %mul3A_686 = vector.broadcast %squeeze3A_670 : f32 to vector<16xf32>
        %mul3A_687 = arith.mulf %mul3A_686, %get3A_472 : vector<16xf32>
        tpu.vector_store_idx %arg10[%add3A_685], %mul3A_687 {add = true} : memref<32768xf32, #tpu.memory_space<vmem>>[vector<16xi32>], vector<16xf32>,
        %add3A_688 = arith.constant 32 : i32
        %add3A_689 = vector.broadcast %add3A_688 : i32 to vector<16xi32>
        %add3A_690 = arith.addi %iota3A, %add3A_689 : vector<16xi32>
        %add3A_691 = arith.addi %broadcast_in_dim3A_675, %add3A_690 : vector<16xi32>
        %mul3A_692 = vector.broadcast %squeeze3A_670 : f32 to vector<16xf32>
        %mul3A_693 = arith.mulf %mul3A_692, %get3A_477 : vector<16xf32>
        tpu.vector_store_idx %arg10[%add3A_691], %mul3A_693 {add = true} : memref<32768xf32, #tpu.memory_space<vmem>>[vector<16xi32>], vector<16xf32>,
        %add3A_694 = arith.constant 48 : i32
        %add3A_695 = vector.broadcast %add3A_694 : i32 to vector<16xi32>
        %add3A_696 = arith.addi %iota3A, %add3A_695 : vector<16xi32>
        %add3A_697 = arith.addi %broadcast_in_dim3A_675, %add3A_696 : vector<16xi32>
        %mul3A_698 = vector.broadcast %squeeze3A_670 : f32 to vector<16xf32>
        %mul3A_699 = arith.mulf %mul3A_698, %get3A_482 : vector<16xf32>
        tpu.vector_store_idx %arg10[%add3A_697], %mul3A_699 {add = true} : memref<32768xf32, #tpu.memory_space<vmem>>[vector<16xi32>], vector<16xf32>,
        %slice3A_700 = vector.extract_strided_slice %get3A_188 {offsets = [15], sizes = [1], strides = [1]} : vector<16xf32> to vector<1xf32>
        %squeeze3A_701 = vector.extract %slice3A_700[0] : f32 from vector<1xf32>
        %slice3A_702 = vector.extract_strided_slice %gather3A {offsets = [15], sizes = [1], strides = [1]} : vector<16xi32> to vector<1xi32>
        %squeeze3A_703 = vector.extract %slice3A_702[0] : i32 from vector<1xi32>
        %mul3A_704 = arith.constant 64 : i32
        %mul3A_705 = arith.muli %squeeze3A_703, %mul3A_704 : i32
        %broadcast_in_dim3A_706 = vector.broadcast %mul3A_705 : i32 to vector<16xi32>
        %add3A_707 = arith.constant 0 : i32
        %add3A_708 = vector.broadcast %add3A_707 : i32 to vector<16xi32>
        %add3A_709 = arith.addi %iota3A, %add3A_708 : vector<16xi32>
        %add3A_710 = arith.addi %broadcast_in_dim3A_706, %add3A_709 : vector<16xi32>
        %mul3A_711 = vector.broadcast %squeeze3A_701 : f32 to vector<16xf32>
        %mul3A_712 = arith.mulf %mul3A_711, %get3A_467 : vector<16xf32>
        tpu.vector_store_idx %arg10[%add3A_710], %mul3A_712 {add = true} : memref<32768xf32, #tpu.memory_space<vmem>>[vector<16xi32>], vector<16xf32>,
        %add3A_713 = arith.constant 16 : i32
        %add3A_714 = vector.broadcast %add3A_713 : i32 to vector<16xi32>
        %add3A_715 = arith.addi %iota3A, %add3A_714 : vector<16xi32>
        %add3A_716 = arith.addi %broadcast_in_dim3A_706, %add3A_715 : vector<16xi32>
        %mul3A_717 = vector.broadcast %squeeze3A_701 : f32 to vector<16xf32>
        %mul3A_718 = arith.mulf %mul3A_717, %get3A_472 : vector<16xf32>
        tpu.vector_store_idx %arg10[%add3A_716], %mul3A_718 {add = true} : memref<32768xf32, #tpu.memory_space<vmem>>[vector<16xi32>], vector<16xf32>,
        %add3A_719 = arith.constant 32 : i32
        %add3A_720 = vector.broadcast %add3A_719 : i32 to vector<16xi32>
        %add3A_721 = arith.addi %iota3A, %add3A_720 : vector<16xi32>
        %add3A_722 = arith.addi %broadcast_in_dim3A_706, %add3A_721 : vector<16xi32>
        %mul3A_723 = vector.broadcast %squeeze3A_701 : f32 to vector<16xf32>
        %mul3A_724 = arith.mulf %mul3A_723, %get3A_477 : vector<16xf32>
        tpu.vector_store_idx %arg10[%add3A_722], %mul3A_724 {add = true} : memref<32768xf32, #tpu.memory_space<vmem>>[vector<16xi32>], vector<16xf32>,
        %add3A_725 = arith.constant 48 : i32
        %add3A_726 = vector.broadcast %add3A_725 : i32 to vector<16xi32>
        %add3A_727 = arith.addi %iota3A, %add3A_726 : vector<16xi32>
        %add3A_728 = arith.addi %broadcast_in_dim3A_706, %add3A_727 : vector<16xi32>
        %mul3A_729 = vector.broadcast %squeeze3A_701 : f32 to vector<16xf32>
        %mul3A_730 = arith.mulf %mul3A_729, %get3A_482 : vector<16xf32>
        tpu.vector_store_idx %arg10[%add3A_728], %mul3A_730 {add = true} : memref<32768xf32, #tpu.memory_space<vmem>>[vector<16xi32>], vector<16xf32>,
        %scan3A_731 = arith.constant 0 : i32
        scf.yield %scan3A_731 : i32
      }
      %scan3A_172 = arith.constant 16 : i32
      %add3A_173 = arith.constant 2 : i32
      %add3A_174 = arith.addi %add3A_139, %add3A_173 : i32
      %lt3A_175 = arith.constant 16 : i32
      %lt3A_176 = arith.cmpi slt, %add3A_174, %lt3A_175 : i32
      %convert_element_type3A_177 = arith.extui %lt3A_176 : i1 to i32
      %cond3A_178 = arith.constant 0 : i32
      %cond3A_179 = arith.cmpi ne, %convert_element_type3A_177, %cond3A_178 : i32
      scf.if %cond3A_179 {
        %add3A_180 = arith.constant 2 : i32
        %add3A_181 = arith.addi %add3A_139, %add3A_180 : i32
        %mul3A_182 = arith.constant 512 : i32
        %mul3A_183 = arith.muli %add3A, %mul3A_182 : i32
        %mul3A_184 = arith.constant 32 : i32
        %mul3A_185 = arith.muli %add3A_181, %mul3A_184 : i32
        %add3A_186 = arith.addi %mul3A_183, %mul3A_185 : i32
        %dma_start3A_187 = arith.constant 0 : i32
        %dma_start3A_188 = arith.constant 0 : i32
        %dma_start3A_189 = tpu.memref_slice %arg2[%add3A_186, %dma_start3A_187, %dma_start3A_188] : memref<16384x2x32xf32, #tpu.memory_space<hbm>> -> memref<32x2x32xf32, #tpu.memory_space<hbm>>
        %dma_start3A_190 = arith.constant 0 : i32
        %dma_start3A_191 = arith.constant 0 : i32
        %dma_start3A_192 = tpu.memref_slice %arg2[%add3A_186, %dma_start3A_190, %dma_start3A_191] : memref<16384x2x32xf32, #tpu.memory_space<hbm>> -> memref<32x2x32xf32, #tpu.memory_space<hbm>>
        tpu.enqueue_dma source(%dma_start3A_192 : memref<32x2x32xf32, #tpu.memory_space<hbm>>) target(%arg13 : memref<32x2x32xf32, #tpu.memory_space<vmem>>) target_semaphore(%arg21 : memref<!tpu.dma_semaphore, #tpu.memory_space<semaphore_mem>>)
        %dma_start3A_193 = arith.constant 0 : i32
        %dma_start3A_194 = tpu.memref_slice %arg3[%add3A_186, %dma_start3A_193] : memref<16384x9xf32, #tpu.memory_space<hbm>> -> memref<32x9xf32, #tpu.memory_space<hbm>>
        %dma_start3A_195 = arith.constant 0 : i32
        %dma_start3A_196 = tpu.memref_slice %arg3[%add3A_186, %dma_start3A_195] : memref<16384x9xf32, #tpu.memory_space<hbm>> -> memref<32x9xf32, #tpu.memory_space<hbm>>
        tpu.enqueue_dma source(%dma_start3A_196 : memref<32x9xf32, #tpu.memory_space<hbm>>) target(%arg15 : memref<32x9xf32, #tpu.memory_space<vmem>>) target_semaphore(%arg21 : memref<!tpu.dma_semaphore, #tpu.memory_space<semaphore_mem>>)
        %dma_start3A_197 = arith.constant 0 : i32
        %dma_start3A_198 = tpu.memref_slice %arg4[%add3A_186, %dma_start3A_197] : memref<16384x8xi32, #tpu.memory_space<hbm>> -> memref<32x8xi32, #tpu.memory_space<hbm>>
        %dma_start3A_199 = arith.constant 0 : i32
        %dma_start3A_200 = tpu.memref_slice %arg4[%add3A_186, %dma_start3A_199] : memref<16384x8xi32, #tpu.memory_space<hbm>> -> memref<32x8xi32, #tpu.memory_space<hbm>>
        tpu.enqueue_dma source(%dma_start3A_200 : memref<32x8xi32, #tpu.memory_space<hbm>>) target(%arg17 : memref<32x8xi32, #tpu.memory_space<vmem>>) target_semaphore(%arg21 : memref<!tpu.dma_semaphore, #tpu.memory_space<semaphore_mem>>)
      } else {
      }
      scf.yield %scan3A_164 : vector<16xf32>
    }
    %scan3A_54 = arith.constant 8 : i32
    %dma_start3A_55 = arith.constant 0 : i32
    %dma_start3A_56 = tpu.memref_slice %arg8[%add3A, %dma_start3A_55] : memref<32x512xf32, #tpu.memory_space<hbm>> -> memref<1x512xf32, #tpu.memory_space<hbm>>
    %dma_start3A_57 = arith.constant 0 : i32
    %dma_start3A_58 = tpu.memref_slice %arg8[%add3A, %dma_start3A_57] : memref<32x512xf32, #tpu.memory_space<hbm>> -> memref<1x512xf32, #tpu.memory_space<hbm>>
    tpu.enqueue_dma source(%arg11 : memref<1x512xf32, #tpu.memory_space<vmem>>) target(%dma_start3A_58 : memref<1x512xf32, #tpu.memory_space<hbm>>) target_semaphore(%arg23 : memref<!tpu.dma_semaphore, #tpu.memory_space<semaphore_mem>>)
    %mul3A_59 = arith.constant 512 : i32
    %mul3A_60 = arith.muli %add3A, %mul3A_59 : i32
    %mul3A_61 = arith.constant 64 : i32
    %mul3A_62 = arith.muli %mul3A_60, %mul3A_61 : i32
    %dma_start3A_63 = tpu.memref_slice %arg7[%mul3A_62] : memref<1048576xf32, #tpu.memory_space<hbm>> -> memref<32768xf32, #tpu.memory_space<hbm>>
    %dma_start3A_64 = tpu.memref_slice %arg7[%mul3A_62] : memref<1048576xf32, #tpu.memory_space<hbm>> -> memref<32768xf32, #tpu.memory_space<hbm>>
    tpu.enqueue_dma source(%arg10 : memref<32768xf32, #tpu.memory_space<vmem>>) target(%dma_start3A_64 : memref<32768xf32, #tpu.memory_space<hbm>>) target_semaphore(%arg23 : memref<!tpu.dma_semaphore, #tpu.memory_space<semaphore_mem>>)
    %reduce_sum3A = arith.constant true
    %reduce_sum3A_65 = vector.broadcast %reduce_sum3A : i1 to vector<16xi1>
    %reduce_sum3A_66 = tpu.scan <sum>, %scan3A_53 masked %reduce_sum3A_65 : vector<16xf32>, vector<16xi1> -> vector<16xf32>
    %reduce_sum3A_67 = vector.extract %reduce_sum3A_66[15] : f32 from vector<16xf32>
    %add3A_68 = vector.broadcast %reduce_sum3A_67 : f32 to vector<16xf32>
    %add3A_69 = arith.addf %broadcast_in_dim3A_1, %add3A_68 : vector<16xf32>
    %swap3A = arith.constant 0 : i32
    %swap3A_70 = arith.index_cast %swap3A : i32 to index
    %swap3A_71 = arith.constant 0 : index
    %swap3A_72 = tpu.vector_load %arg19[%swap3A_70, %swap3A_71] {strides = array<i32>} : memref<1x16xf32, #tpu.memory_space<vmem>>, vector<16xf32>,
    tpu.vector_store %arg19[%swap3A_70, %swap3A_71], %add3A_69 {strides = array<i32>} : memref<1x16xf32, #tpu.memory_space<vmem>>, vector<16xf32>,
    %dma_start3A_73 = arith.constant 0 : i32
    %dma_start3A_74 = tpu.memref_slice %arg9[%add3A, %dma_start3A_73] : memref<32x16xf32, #tpu.memory_space<hbm>> -> memref<1x16xf32, #tpu.memory_space<hbm>>
    %dma_start3A_75 = arith.constant 0 : i32
    %dma_start3A_76 = tpu.memref_slice %arg9[%add3A, %dma_start3A_75] : memref<32x16xf32, #tpu.memory_space<hbm>> -> memref<1x16xf32, #tpu.memory_space<hbm>>
    tpu.enqueue_dma source(%arg19 : memref<1x16xf32, #tpu.memory_space<vmem>>) target(%dma_start3A_76 : memref<1x16xf32, #tpu.memory_space<hbm>>) target_semaphore(%arg23 : memref<!tpu.dma_semaphore, #tpu.memory_space<semaphore_mem>>)
    %dma_wait3A = arith.constant 0 : i32
    %dma_wait3A_77 = arith.constant 0 : i32
    %dma_wait3A_78 = tpu.memref_slice %arg8[%dma_wait3A, %dma_wait3A_77] : memref<32x512xf32, #tpu.memory_space<hbm>> -> memref<1x512xf32, #tpu.memory_space<hbm>>
    %dma_wait3A_79 = arith.constant 0 : i32
    %dma_wait3A_80 = arith.constant 0 : i32
    %dma_wait3A_81 = tpu.memref_slice %arg8[%dma_wait3A_79, %dma_wait3A_80] : memref<32x512xf32, #tpu.memory_space<hbm>> -> memref<1x512xf32, #tpu.memory_space<hbm>>
    tpu.wait_dma2 semaphore(%arg23 : memref<!tpu.dma_semaphore, #tpu.memory_space<semaphore_mem>>) src(%arg11 : memref<1x512xf32, #tpu.memory_space<vmem>>) dst(%dma_wait3A_81 : memref<1x512xf32, #tpu.memory_space<hbm>>)
    %dma_wait3A_82 = arith.constant 0 : i32
    %dma_wait3A_83 = tpu.memref_slice %arg7[%dma_wait3A_82] : memref<1048576xf32, #tpu.memory_space<hbm>> -> memref<32768xf32, #tpu.memory_space<hbm>>
    %dma_wait3A_84 = arith.constant 0 : i32
    %dma_wait3A_85 = tpu.memref_slice %arg7[%dma_wait3A_84] : memref<1048576xf32, #tpu.memory_space<hbm>> -> memref<32768xf32, #tpu.memory_space<hbm>>
    tpu.wait_dma2 semaphore(%arg23 : memref<!tpu.dma_semaphore, #tpu.memory_space<semaphore_mem>>) src(%arg10 : memref<32768xf32, #tpu.memory_space<vmem>>) dst(%dma_wait3A_85 : memref<32768xf32, #tpu.memory_space<hbm>>)
    %dma_wait3A_86 = arith.constant 0 : i32
    %dma_wait3A_87 = arith.constant 0 : i32
    %dma_wait3A_88 = tpu.memref_slice %arg9[%dma_wait3A_86, %dma_wait3A_87] : memref<32x16xf32, #tpu.memory_space<hbm>> -> memref<1x16xf32, #tpu.memory_space<hbm>>
    %dma_wait3A_89 = arith.constant 0 : i32
    %dma_wait3A_90 = arith.constant 0 : i32
    %dma_wait3A_91 = tpu.memref_slice %arg9[%dma_wait3A_89, %dma_wait3A_90] : memref<32x16xf32, #tpu.memory_space<hbm>> -> memref<1x16xf32, #tpu.memory_space<hbm>>
    tpu.wait_dma2 semaphore(%arg23 : memref<!tpu.dma_semaphore, #tpu.memory_space<semaphore_mem>>) src(%arg19 : memref<1x16xf32, #tpu.memory_space<vmem>>) dst(%dma_wait3A_91 : memref<1x16xf32, #tpu.memory_space<hbm>>)
    return
  }
}

module attributes {stable_mosaic.version = 14 : i64} {
  func.func @_tc_body(%arg0: memref<1048576xf32, #tpu.memory_space<vmem>>, %arg1: memref<32x512xf32, #tpu.memory_space<vmem>>, %arg2: memref<32x16xf32, #tpu.memory_space<vmem>>, %arg3: memref<32768xf32, #tpu.memory_space<vmem>>, %arg4: memref<1x512xf32, #tpu.memory_space<vmem>>, %arg5: memref<1x1xf32, #tpu.memory_space<vmem>>) attributes {dimension_semantics = [], scalar_prefetch = 0 : i64, scratch_operands = 0 : i64, tpu.core_type = #tpu.core_type<tc>} {
    %get3A = arith.constant 0 : index
    %get3A_0 = vector.load %arg0[%get3A] : memref<1048576xf32, #tpu.memory_space<vmem>>, vector<32768xf32>
    %get3A_1 = arith.constant 32768 : index
    %get3A_2 = vector.load %arg0[%get3A_1] : memref<1048576xf32, #tpu.memory_space<vmem>>, vector<32768xf32>
    %add3A = arith.addf %get3A_0, %get3A_2 : vector<32768xf32>
    %get3A_3 = arith.constant 65536 : index
    %get3A_4 = vector.load %arg0[%get3A_3] : memref<1048576xf32, #tpu.memory_space<vmem>>, vector<32768xf32>
    %add3A_5 = arith.addf %add3A, %get3A_4 : vector<32768xf32>
    %get3A_6 = arith.constant 98304 : index
    %get3A_7 = vector.load %arg0[%get3A_6] : memref<1048576xf32, #tpu.memory_space<vmem>>, vector<32768xf32>
    %add3A_8 = arith.addf %add3A_5, %get3A_7 : vector<32768xf32>
    %get3A_9 = arith.constant 131072 : index
    %get3A_10 = vector.load %arg0[%get3A_9] : memref<1048576xf32, #tpu.memory_space<vmem>>, vector<32768xf32>
    %add3A_11 = arith.addf %add3A_8, %get3A_10 : vector<32768xf32>
    %get3A_12 = arith.constant 163840 : index
    %get3A_13 = vector.load %arg0[%get3A_12] : memref<1048576xf32, #tpu.memory_space<vmem>>, vector<32768xf32>
    %add3A_14 = arith.addf %add3A_11, %get3A_13 : vector<32768xf32>
    %get3A_15 = arith.constant 196608 : index
    %get3A_16 = vector.load %arg0[%get3A_15] : memref<1048576xf32, #tpu.memory_space<vmem>>, vector<32768xf32>
    %add3A_17 = arith.addf %add3A_14, %get3A_16 : vector<32768xf32>
    %get3A_18 = arith.constant 229376 : index
    %get3A_19 = vector.load %arg0[%get3A_18] : memref<1048576xf32, #tpu.memory_space<vmem>>, vector<32768xf32>
    %add3A_20 = arith.addf %add3A_17, %get3A_19 : vector<32768xf32>
    %get3A_21 = arith.constant 262144 : index
    %get3A_22 = vector.load %arg0[%get3A_21] : memref<1048576xf32, #tpu.memory_space<vmem>>, vector<32768xf32>
    %add3A_23 = arith.addf %add3A_20, %get3A_22 : vector<32768xf32>
    %get3A_24 = arith.constant 294912 : index
    %get3A_25 = vector.load %arg0[%get3A_24] : memref<1048576xf32, #tpu.memory_space<vmem>>, vector<32768xf32>
    %add3A_26 = arith.addf %add3A_23, %get3A_25 : vector<32768xf32>
    %get3A_27 = arith.constant 327680 : index
    %get3A_28 = vector.load %arg0[%get3A_27] : memref<1048576xf32, #tpu.memory_space<vmem>>, vector<32768xf32>
    %add3A_29 = arith.addf %add3A_26, %get3A_28 : vector<32768xf32>
    %get3A_30 = arith.constant 360448 : index
    %get3A_31 = vector.load %arg0[%get3A_30] : memref<1048576xf32, #tpu.memory_space<vmem>>, vector<32768xf32>
    %add3A_32 = arith.addf %add3A_29, %get3A_31 : vector<32768xf32>
    %get3A_33 = arith.constant 393216 : index
    %get3A_34 = vector.load %arg0[%get3A_33] : memref<1048576xf32, #tpu.memory_space<vmem>>, vector<32768xf32>
    %add3A_35 = arith.addf %add3A_32, %get3A_34 : vector<32768xf32>
    %get3A_36 = arith.constant 425984 : index
    %get3A_37 = vector.load %arg0[%get3A_36] : memref<1048576xf32, #tpu.memory_space<vmem>>, vector<32768xf32>
    %add3A_38 = arith.addf %add3A_35, %get3A_37 : vector<32768xf32>
    %get3A_39 = arith.constant 458752 : index
    %get3A_40 = vector.load %arg0[%get3A_39] : memref<1048576xf32, #tpu.memory_space<vmem>>, vector<32768xf32>
    %add3A_41 = arith.addf %add3A_38, %get3A_40 : vector<32768xf32>
    %get3A_42 = arith.constant 491520 : index
    %get3A_43 = vector.load %arg0[%get3A_42] : memref<1048576xf32, #tpu.memory_space<vmem>>, vector<32768xf32>
    %add3A_44 = arith.addf %add3A_41, %get3A_43 : vector<32768xf32>
    %get3A_45 = arith.constant 524288 : index
    %get3A_46 = vector.load %arg0[%get3A_45] : memref<1048576xf32, #tpu.memory_space<vmem>>, vector<32768xf32>
    %add3A_47 = arith.addf %add3A_44, %get3A_46 : vector<32768xf32>
    %get3A_48 = arith.constant 557056 : index
    %get3A_49 = vector.load %arg0[%get3A_48] : memref<1048576xf32, #tpu.memory_space<vmem>>, vector<32768xf32>
    %add3A_50 = arith.addf %add3A_47, %get3A_49 : vector<32768xf32>
    %get3A_51 = arith.constant 589824 : index
    %get3A_52 = vector.load %arg0[%get3A_51] : memref<1048576xf32, #tpu.memory_space<vmem>>, vector<32768xf32>
    %add3A_53 = arith.addf %add3A_50, %get3A_52 : vector<32768xf32>
    %get3A_54 = arith.constant 622592 : index
    %get3A_55 = vector.load %arg0[%get3A_54] : memref<1048576xf32, #tpu.memory_space<vmem>>, vector<32768xf32>
    %add3A_56 = arith.addf %add3A_53, %get3A_55 : vector<32768xf32>
    %get3A_57 = arith.constant 655360 : index
    %get3A_58 = vector.load %arg0[%get3A_57] : memref<1048576xf32, #tpu.memory_space<vmem>>, vector<32768xf32>
    %add3A_59 = arith.addf %add3A_56, %get3A_58 : vector<32768xf32>
    %get3A_60 = arith.constant 688128 : index
    %get3A_61 = vector.load %arg0[%get3A_60] : memref<1048576xf32, #tpu.memory_space<vmem>>, vector<32768xf32>
    %add3A_62 = arith.addf %add3A_59, %get3A_61 : vector<32768xf32>
    %get3A_63 = arith.constant 720896 : index
    %get3A_64 = vector.load %arg0[%get3A_63] : memref<1048576xf32, #tpu.memory_space<vmem>>, vector<32768xf32>
    %add3A_65 = arith.addf %add3A_62, %get3A_64 : vector<32768xf32>
    %get3A_66 = arith.constant 753664 : index
    %get3A_67 = vector.load %arg0[%get3A_66] : memref<1048576xf32, #tpu.memory_space<vmem>>, vector<32768xf32>
    %add3A_68 = arith.addf %add3A_65, %get3A_67 : vector<32768xf32>
    %get3A_69 = arith.constant 786432 : index
    %get3A_70 = vector.load %arg0[%get3A_69] : memref<1048576xf32, #tpu.memory_space<vmem>>, vector<32768xf32>
    %add3A_71 = arith.addf %add3A_68, %get3A_70 : vector<32768xf32>
    %get3A_72 = arith.constant 819200 : index
    %get3A_73 = vector.load %arg0[%get3A_72] : memref<1048576xf32, #tpu.memory_space<vmem>>, vector<32768xf32>
    %add3A_74 = arith.addf %add3A_71, %get3A_73 : vector<32768xf32>
    %get3A_75 = arith.constant 851968 : index
    %get3A_76 = vector.load %arg0[%get3A_75] : memref<1048576xf32, #tpu.memory_space<vmem>>, vector<32768xf32>
    %add3A_77 = arith.addf %add3A_74, %get3A_76 : vector<32768xf32>
    %get3A_78 = arith.constant 884736 : index
    %get3A_79 = vector.load %arg0[%get3A_78] : memref<1048576xf32, #tpu.memory_space<vmem>>, vector<32768xf32>
    %add3A_80 = arith.addf %add3A_77, %get3A_79 : vector<32768xf32>
    %get3A_81 = arith.constant 917504 : index
    %get3A_82 = vector.load %arg0[%get3A_81] : memref<1048576xf32, #tpu.memory_space<vmem>>, vector<32768xf32>
    %add3A_83 = arith.addf %add3A_80, %get3A_82 : vector<32768xf32>
    %get3A_84 = arith.constant 950272 : index
    %get3A_85 = vector.load %arg0[%get3A_84] : memref<1048576xf32, #tpu.memory_space<vmem>>, vector<32768xf32>
    %add3A_86 = arith.addf %add3A_83, %get3A_85 : vector<32768xf32>
    %get3A_87 = arith.constant 983040 : index
    %get3A_88 = vector.load %arg0[%get3A_87] : memref<1048576xf32, #tpu.memory_space<vmem>>, vector<32768xf32>
    %add3A_89 = arith.addf %add3A_86, %get3A_88 : vector<32768xf32>
    %get3A_90 = arith.constant 1015808 : index
    %get3A_91 = vector.load %arg0[%get3A_90] : memref<1048576xf32, #tpu.memory_space<vmem>>, vector<32768xf32>
    %add3A_92 = arith.addf %add3A_89, %get3A_91 : vector<32768xf32>
    %swap3A = arith.constant 0 : index
    %swap3A_93 = vector.load %arg3[%swap3A] : memref<32768xf32, #tpu.memory_space<vmem>>, vector<32768xf32>
    tpu.vector_store %arg3[%swap3A], %add3A_92 {strides = array<i32>} : memref<32768xf32, #tpu.memory_space<vmem>>, vector<32768xf32>,
    %get3A_94 = arith.constant 0 : index
    %get3A_95 = arith.constant 0 : index
    %get3A_96 = vector.load %arg1[%get3A_94, %get3A_95] : memref<32x512xf32, #tpu.memory_space<vmem>>, vector<32x512xf32>
    %reduce_sum3A = arith.constant dense<0.000000e+00> : vector<512xf32>
    %reduce_sum3A_97 = vector.multi_reduction <add>, %get3A_96, %reduce_sum3A [0] : vector<32x512xf32> to vector<512xf32>
    %broadcast_in_dim3A = vector.shape_cast %reduce_sum3A_97 : vector<512xf32> to vector<1x512xf32>
    %swap3A_98 = arith.constant 0 : index
    %swap3A_99 = arith.constant 0 : index
    %swap3A_100 = vector.load %arg4[%swap3A_98, %swap3A_99] : memref<1x512xf32, #tpu.memory_space<vmem>>, vector<1x512xf32>
    tpu.vector_store %arg4[%swap3A_98, %swap3A_99], %broadcast_in_dim3A {strides = array<i32>} : memref<1x512xf32, #tpu.memory_space<vmem>>, vector<1x512xf32>,
    %get3A_101 = arith.constant 0 : index
    %get3A_102 = arith.constant 0 : index
    %get3A_103 = vector.load %arg2[%get3A_101, %get3A_102] : memref<32x16xf32, #tpu.memory_space<vmem>>, vector<32x16xf32>
    %reduce_sum3A_104 = vector.shape_cast %get3A_103 : vector<32x16xf32> to vector<1x32x16xf32>
    %reduce_sum3A_105 = arith.constant dense<0.000000e+00> : vector<1xf32>
    %reduce_sum3A_106 = vector.multi_reduction <add>, %reduce_sum3A_104, %reduce_sum3A_105 [1, 2] : vector<1x32x16xf32> to vector<1xf32>
    %reduce_sum3A_107 = vector.shape_cast %reduce_sum3A_106 : vector<1xf32> to vector<1x1x1xf32>
    %reduce_sum3A_108 = vector.extract %reduce_sum3A_107[0, 0, 0] : f32 from vector<1x1x1xf32>
    %mul3A = arith.constant 6.250000e-02 : f32
    %mul3A_109 = arith.mulf %reduce_sum3A_108, %mul3A : f32
    %broadcast_in_dim3A_110 = vector.broadcast %mul3A_109 : f32 to vector<1x1xf32>
    %swap3A_111 = arith.constant 0 : index
    %swap3A_112 = arith.constant 0 : index
    %swap3A_113 = vector.load %arg5[%swap3A_111, %swap3A_112] : memref<1x1xf32, #tpu.memory_space<vmem>>, vector<1x1xf32>
    tpu.vector_store %arg5[%swap3A_111, %swap3A_112], %broadcast_in_dim3A_110 {strides = array<i32>} : memref<1x1xf32, #tpu.memory_space<vmem>>, vector<1x1xf32>,
    return
  }
}

</mosaic_0001>

<sc_bundles>
// kernel: kernel.5.cloned.1.call-start
scs
__scs_entry_jumppad:
0x0: {  	(pc) =	sbr.rel $0x88, $3  }
0x1: {  	(tag) =	ssettag $0x0;
	lr =	simm.s32 $0x1  }
0x2: {  	[smem:$0x3F9C] =	sst lr;
	_ =	strace $0xD0000000  }
0x3: {  	_ = 	snop  }
0x4: {  	_ = 	snop  }
0x5: {  	_ = 	snop  }
0x6: {  	_ = 	snop  }
0x7: {  	_ = 	snop  }
__scs_overlays_trampoline_lowered:
0x8: {  	[smem:$0x3FAB] =	sst s0  }
0x9: {  	[smem:$0x3FAC] =	sst s1  }
0xa: {  	[smem:$0x3FAD] =	sst s2  }
0xb: {  	[smem:$0x3FAE] =	sst s3  }
0xc: {  	[smem:$0x3FAF] =	sst s4  }
0xd: {  	[smem:$0x3FB0] =	sst s5  }
0xe: {  	[smem:$0x3FB1] =	sst s6  }
0xf: {  	[smem:$0x3FB2] =	sst s7  }
0x10: {  	[smem:$0x3FB3] =	sst s8  }
0x11: {  	[smem:$0x3FB4] =	sst s9;
	s0 =	simm.s32 @!p0 $0x0  }
0x12: {  	s1 =	sld [smem:$0x3F9A];
	s0 =	simm.s32 @p0 $0x1  }
0x13: {  	[smem:$0x3FB5] =	sst s0;
	s0 =	simm.s32 @!p1 $0x0  }
0x14: {  	s2 =	sld [smem:$0x3F99];
	s0 =	simm.s32 @p1 $0x1  }
0x15: {  	[smem:$0x3FB6] =	sst s0;
	s0 =	simm.s32 @!p2 $0x0  }
0x16: {  	s3 =	sld [smem:$0x3FDB];
	s0 =	simm.s32 @p2 $0x1  }
0x17: {  	s4 =	simm.s32 $0x1BF5;
	[smem:$0x3FB8] =	sst s0  }
0x18: {  	s0 =	sld [smem:$0x3F9B];
	_ =	swait.ge [sflag:s4], $0x0  }
0x19: {  	s7 =	sld [smem:$0x3F9C]  }
0x1a: {  	s8 =	sadd.s32 $0xFFFFE003, lr  }
0x1b: {  	s9 =	sadd.s32 $0xFFFFFEF7, lr;
	s5 =	simm.s32 $0xFFFFFFFF;
	p2 =	slt.u32 s8, $0xFFFFF086  }
0x1c: {  	p1 =	slt.u32 s9, $0xF7A;
	s5 =	simm.s32 @!p2 $0x0  }
0x1d: {  	s5 =	simm.s32 @p1 $0x1;
	p0 =	seq.s32 s7, s2  }
0x1e: {  	s7 =	smul.u32 @!p0 $0xF7A, s2;
	p2 =	seq.s32 @!p0 s5, $0x0  }
0x1f: {  	s9 =	smul.u32 $0xF7A, s1;
	s8 =	simm.s32 @!p0 $0x1BF5;
	p2 =	por !p2, p0  }
0x20: {  	[sflag:s8] =	ssyncset.s32 @!p0 $0xFFFFF086;
	s6 =	sadd.s32 @!p0 s3, s7;
	s7 =	simm.s32 @!p0 $0x108  }
0x21: {  	s3 =	sadd.s32 s3, s9;
	s6 =	sadd.s32 @!p0 $0x88, s6;
	s7 =	simm.s32 @p2 $0x1082  }
0x22: {  	[simem:s7], [sflag:s8] =	dma.local @!p0 [hbm:s6], $0xF7A  }
0x23: {  	s9 =	sor.u32 $0xD0000000, s2;
	s6 =	simm.s32 $0x108;
	_ =	swait.ge @!p0 [sflag:s8], $0x0  }
0x24: {  	s3 =	sadd.s32 $0x88, s3;
	s6 =	simm.s32 @!p1 $0x1082;
	[sflag:s4] =	ssyncset.s32 $0xFFFFF086  }
0x25: {  	[simem:s6], [sflag:s4] =	dma.local [hbm:s3], $0xF7A  }
0x26: {  	[smem:$0x3F9C] =	sst s1;
	(tag) =	ssettag s2;
	_ =	strace s9  }
0x27: {  	s1 =	sld [smem:$0x3FAC]  }
0x28: {  	s2 =	sld [smem:$0x3FAD]  }
0x29: {  	s4 =	sld [smem:$0x3FAF]  }
0x2a: {  	p0 =	seq.s32 s5, $0x0;
	s5 =	sld [smem:$0x3FB0]  }
0x2b: {  	s6 =	sld [smem:$0x3FB1]  }
0x2c: {  	s7 =	sld [smem:$0x3FB2]  }
0x2d: {  	s3 =	simm.s32 $0x108;
	s8 =	sld [smem:$0x3FB3]  }
0x2e: {  	s3 =	simm.s32 @!p0 $0x1082;
	s9 =	sld [smem:$0x3FB4]  }
0x2f: {  	lr =	sadd.s32 s0, s3;
	s0 =	sld [smem:$0x3FAB]  }
0x30: {  	s3 =	sld [smem:$0x3FAE]  }
0x31: {  	[smem:$0x3FB7] =	sst s10  }
0x32: {  	s10 =	sld [smem:$0x3FB5];
	_ =	sdelay $0x3  }
0x33: {  	p0 =	seq.s32 s10, $0x1;
	s10 =	sld [smem:$0x3FB7];
	_ =	sdelay $0x3  }
0x34: {  	[smem:$0x3FB7] =	sst s10  }
0x35: {  	s10 =	sld [smem:$0x3FB6];
	_ =	sdelay $0x3  }
0x36: {  	p1 =	seq.s32 s10, $0x1;
	s10 =	sld [smem:$0x3FB7];
	_ =	sdelay $0x3  }
0x37: {  	[smem:$0x3FB7] =	sst s10  }
0x38: {  	s10 =	sld [smem:$0x3FB8]  }
0x39: {  	_ = 	snop;
	(pc) =	sbr.ind lr, $3  }
0x3a: {  	_ = 	snop  }
0x3b: {  	_ = 	snop  }
0x3c: {  	p2 =	seq.s32 s10, $0x1;
	s10 =	sld [smem:$0x3FB7]  }
0x3d: {  	_ =	shalt  }
0x3e: {  	_ =	shalt  }
0x3f: {  	_ =	shalt  }
0x40: {  	_ =	shalt  }
0x41: {  	_ =	shalt  }
0x42: {  	_ =	shalt  }
0x43: {  	_ =	shalt  }
0x44: {  	_ =	shalt  }
0x45: {  	_ =	shalt  }
0x46: {  	_ =	shalt  }
0x47: {  	_ =	shalt  }
0x48: {  	_ =	shalt  }
0x49: {  	_ =	shalt  }
0x4a: {  	_ =	shalt  }
0x4b: {  	_ =	shalt  }
0x4c: {  	_ =	shalt  }
0x4d: {  	_ =	shalt  }
0x4e: {  	_ =	shalt  }
0x4f: {  	_ =	shalt  }
0x50: {  	_ =	shalt  }
0x51: {  	_ =	shalt  }
0x52: {  	_ =	shalt  }
0x53: {  	_ =	shalt  }
0x54: {  	_ =	shalt  }
0x55: {  	_ =	shalt  }
0x56: {  	_ =	shalt  }
0x57: {  	_ =	shalt  }
0x58: {  	_ =	shalt  }
0x59: {  	_ =	shalt  }
0x5a: {  	_ =	shalt  }
0x5b: {  	_ =	shalt  }
0x5c: {  	_ =	shalt  }
0x5d: {  	_ =	shalt  }
0x5e: {  	_ =	shalt  }
0x5f: {  	_ =	shalt  }
0x60: {  	_ =	shalt  }
0x61: {  	_ =	shalt  }
0x62: {  	_ =	shalt  }
0x63: {  	_ =	shalt  }
0x64: {  	_ =	shalt  }
0x65: {  	_ =	shalt  }
0x66: {  	_ =	shalt  }
0x67: {  	_ =	shalt  }
0x68: {  	_ =	shalt  }
0x69: {  	_ =	shalt  }
0x6a: {  	_ =	shalt  }
0x6b: {  	_ =	shalt  }
0x6c: {  	_ =	shalt  }
0x6d: {  	_ =	shalt  }
0x6e: {  	_ =	shalt  }
0x6f: {  	_ =	shalt  }
0x70: {  	_ =	shalt  }
0x71: {  	_ =	shalt  }
0x72: {  	_ =	shalt  }
0x73: {  	_ =	shalt  }
0x74: {  	_ =	shalt  }
0x75: {  	_ =	shalt  }
0x76: {  	_ =	shalt  }
0x77: {  	_ =	shalt  }
0x78: {  	_ =	shalt  }
0x79: {  	_ =	shalt  }
0x7a: {  	_ =	shalt  }
0x7b: {  	_ =	shalt  }
0x7c: {  	_ =	shalt  }
0x7d: {  	_ =	shalt  }
0x7e: {  	_ =	shalt  }
0x7f: {  	_ =	shalt  }
0x80: {  	_ =	shalt  }
0x81: {  	_ =	shalt  }
0x82: {  	_ =	shalt  }
0x83: {  	_ =	shalt  }
0x84: {  	_ =	shalt  }
0x85: {  	_ =	shalt  }
0x86: {  	_ =	shalt  }
0x87: {  	_ =	shalt  }
.Lfunc_end0:
.L_simem_size_0:
called_computation_lowered:
.L_overlay_start_0:
0x88: {  	s2 =	sld [smem:$0x3FD9]  }
0x89: {  	s3 =	sld [smem:$0x3FFE];
	_ =	sdelay $0x1  }
0x8a: {  	s1 =	srdreg.scid  }
0x8b: {  	s0 =	sand.u32 $0x1, s1  }
0x8c: {  	s15 =	sshll.u32 s0, $0xA;
	s2 =	sadd.s32 s3, s2  }
0x8d: {  	s2 =	sadd.s32 s2, s15  }
0x8e: {  	[smem:$0x3FC3] =	sst s2  }
0x8f: {  	_ = 	snop  }
0x90: {  	s2 =	sld [smem:$0x3FD0];
	_ =	sdelay $0x1  }
0x91: {  	s16 =	sld [smem:$0x3FC9]  }
0x92: {  	s5 =	simm.s32 $0xA;
	s6 =	simm.s32 $0x10;
	s4 =	sld [smem:$0x3FC6]  }
0x93: {  	[smem:s6], [sflag:s5] =	dma.local [hbm:s2], $0x1  }
0x94: {  	_ =	swait.eq [sflag:s5], $0x1  }
0x95: {  	s17 =	sld [smem:$0x10];
	[sflag:s5] =	ssyncset.done $0x0  }
0x96: {  	s18 =	sld [smem:$0x12];
	[sflag:s5] =	ssyncadd.s32 $0xFFFFFFFF  }
0x97: {  	s19 =	sld [smem:$0x13];
	(tm) =	ssettm $0x1  }
0x98: {  	s7 =	sld [smem:$0x3FFB];
	_ =	sdelay $0x3  }
0x99: {  	_ =	strace s7  }
0x9a: {  	s7 =	sld [smem:$0x3FFC];
	_ =	sdelay $0x3  }
0x9b: {  	_ =	strace s7  }
0x9c: {  	s7 =	sld [smem:$0x3FFD];
	_ =	sdelay $0x3  }
0x9d: {  	_ =	strace s7  }
0x9e: {  	_ =	strace $0x8FFFFFFF  }
0x9f: {  	s20 =	sld [smem:$0x3FDB];
	_ =	sdelay $0x1  }
0xa0: {  	s8 =	simm.s32 $_scs_section_size  }
0xa1: {  	s9 =	simm.s32 $_size__tile_overlayer_lowered;
	s10 =	simm.s32 $_tile_overlayer_lowered  }
0xa2: {  	s23 =	simm.s32 $0x1BFF;
	s22 =	sshll.u32 s10, $0x1;
	s7 =	sadd.s32 s8, s20  }
0xa3: {  	s11 =	simm.s32 $0x0;
	s21 =	sshll.u32 s9, $0x1;
	s9 =	sadd.s32 s22, s7  }
0xa4: {  	[timem:s11], [sflag:s23] =	dma.local [hbm:s9], s21  }
0xa5: {  	_ =	swait.ge [sflag:s23], s21  }
0xa6: {  	s8 =	ssub.s32 $0x0, s21;
	[sflag:s23] =	ssyncset.done $0x0  }
0xa7: {  	[sflag:s23] =	ssyncadd.s32 s8;
	_ =	sdelay $0x1  }
0xa8: {  	s24 =	simm.s32 $0x1B8B  }
0xa9: {  	_ =	swait.ge [sflag:s24], $0x1  }
0xaa: {  	[sflag:s24] =	ssyncset.done $0x0  }
0xab: {  	s25 =	simm.s32 $0x1B8E;
	[sflag:s24] =	ssyncadd.s32 $0xFFFFFFFF  }
0xac: {  	s26 =	simm.s32 $execute0_lowered;
	[smem:$0x3FD2] =	sst s25  }
0xad: {  	s8 =	sshll.u32 s26, $0x1;
	_ =	strace $0x80000046;
	[dreg:$0x1] =	wrdreg $0xFFFFFFFF  }
0xae: {  	s28 =	simm.s32 $_size_execute0_lowered;
	s7 =	sadd.s32 s7, s8;
	[dreg:$0x0] =	wrdreg $0x0  }
0xaf: {  	s8 =	sshll.u32 s28, $0x1;
	[dreg:$0x2] =	wrdreg s7  }
0xb0: {  	[dreg:$0x3] =	wrdreg s8  }
0xb1: {  	[dreg:$0x4] =	wrdreg $0xC0  }
0xb2: {  	_ =	task [dreg:s11], $0x5FFFF  }
0xb3: {  	[dreg:$0x1] =	wrdreg $0xFFFFFFFF  }
0xb4: {  	[dreg:$0x0] =	wrdreg $0x60  }
0xb5: {  	[dreg:$0x2] =	wrdreg s16  }
0xb6: {  	[dreg:$0x3] =	wrdreg s18  }
0xb7: {  	[dreg:$0x4] =	wrdreg s4  }
0xb8: {  	[dreg:$0x5] =	wrdreg s17  }
0xb9: {  	[dreg:$0x6] =	wrdreg s19  }
0xba: {  	[dreg:$0x7] =	wrdreg $0x9  }
0xbb: {  	_ =	task.clear_ibuf [dreg:s11], $0x8FFFF;
	_ =	strace $0x90000046  }
0xbc: {  	s29 =	simm.s32 $0x9;
	_ =	strace $0x80000048  }
0xbd: {  	_ =	swait.ge [sflag:s29], $0x1  }
0xbe: {  	[sflag:s29] =	ssyncadd.s32 $0xFFFFFFFF  }
0xbf: {  	_ =	strace $0x90000048  }
0xc0: {  	_ =	sfence  }
0xc1: {  	s30 =	sld [smem:$0x0];
	_ =	sdelay $0x2  }
0xc2: {  	s31 =	sshll.u32 s1, $0xD;
	s1 =	sshrl.u32 s1, $0x2  }
0xc3: {  	s3 =	sand.u32 $0x4000, s31;
	s1 =	sadd.s32 s1, s30  }
0xc4: {  	s0 =	sor.u32 s3, s0;
	s1 =	sshll.u32 s1, $0x11  }
0xc5: {  	s0 =	sor.u32 s1, s0  }
0xc6: {  	s0 =	sadd.s32 $0x8F2B, s0  }
0xc7: {  	[sflag:s0] =	ssyncadd.remote.s32 $0x1  }
0xc8: {  	_ =	sfence.sel $0xFFFF  }
0xc9: {  	[dreg:$0x0] =	wrdreg $0xFFFFFFFF;
	(pc) =	sbr.abs _section_cstart, $3  }
0xca: {  	[dreg:$0x1] =	wrdreg $0xFFFFFFFF  }
0xcb: {  	_ =	task.clear_ibuf [dreg:s11], $0x2FFFF;
	_ =	strace $0x9FFFFFFF  }
0xcc: {  	(tm) =	ssettm $0x7FFFFFFF  }
0xcd: {  	_ =	shalt  }
tec
execute0_lowered:
.L_overlay_start_1:
0x0: {  	(tag) =	ssettag $0x1  }
0x1: {  	s6 =	rddreg [dreg:$0x0]  }
0x2: {  	s1 =	rddreg [dreg:$0x1]  }
0x3: {  	s2 =	rddreg [dreg:$0x2]  }
0x4: {  	s9 =	rddreg [dreg:$0x3]  }
0x5: {  	s4 =	rddreg [dreg:$0x4]  }
0x6: {  	s0 =	rddreg [dreg:$0x5]  }
0x7: {  	s7 =	srdreg.scid;
	s3 =	stileid.u32;
	s5 =	simm.s32 $0x0  }
0x8: {  	s12 =	simm.s32 $0x1000;
	s13 =	simm.s32 $0x800;
	s14 =	simm.s32 $0x1800  }
0x9: {  	s15 =	simm.s32 $0x1;
	s16 =	simm.s32 $0x2;
	s17 =	simm.s32 $0x3  }
0xa: {  	s7 =	sand.u32 $0x1, s7;
	s8 =	sshll.u32 s3, $0x1;
	[smem:$0x7FF] =	sst s5  }
0xb: {  	s10 =	ssub.s32 $0x2, s7;
	s18 =	sor.u32 s7, s8;
	_ =	strace $0x80000047  }
.Ltmp0:
0xc: {  	s7 =	sadd.s32 $0x100, s2;
	s8 =	sadd.s32 $0x100, s1;
	(pc) =	sbr.rel .LBB2_1-.Ltmp0, $4  }
0xd: {  	s31 =	sshrl.u32 s10, $0x1;
	s11 =	sshll.u32 s18, $0xC;
	s19 =	sshll.u32 s18, $0xF  }
0xe: {  	p0 =	sne.s32 s18, $0x0;
	s18 =	simm.s32 $0x4;
	s10 =	ssub.s32 s10, s31  }
0xf: {  	s6 =	sadd.s32 s6, s11;
	s20 =	sadd.s32 $0x8000, s19;
	s9 =	sadd.s32 s9, s11  }
0x10: {  	s11 =	simm.s32 $0x2000;
	v0 =	vmov s19;
	s19 =	simm.s32 $0x0;
	s10 =	smax.u32 s10, $0x1;
	v1 =	vmov s20  }
.LBB2_8:
0x11: {  	[hbm4b:s9+s5] =	stream.linear.scatter [tilespmem:s11], [sflag:$0x4], $0x8000, $0x38;
	[tilespmem:$0xA000] =	vst v63  }
0x12: {  	_ =	swait.ge [sflag:s18], $0x8000  }
0x13: {  	s20 =	simm.s32 @!p0 $0x0;
	s19 =	sadd.s32 $0x1, s19;
	[sflag:s18] =	ssyncset.done $0x0  }
0x14: {  	s21 =	simm.s32 @!p0 $0x2000;
	p1 =	sne.s32 s19, s10;
	[sflag:s18] =	ssyncadd.s32 $0xFFFF8000  }
0x15: {  	[hbm4b:s4+s20] =	stream.linear.scatter @!p0 [tilespmem:s21], [sflag:$0x4], $0x10, $0x38;
	[tilespmem:$0xA000] =	vst v63  }
.Ltmp1:
0x16: {  	_ = 	snop;
	(pc) =	sbr.rel @!p1 .LBB2_9-.Ltmp1, $4  }
0x17: {  	s20 =	simm.s32 @!p0 $0x4  }
0x18: {  	_ =	swait.ge @!p0 [sflag:s20], $0x10  }
0x19: {  	[sflag:s20] =	ssyncset.done @!p0 $0x0  }
0x1a: {  	[sflag:s20] =	ssyncadd.s32 @!p0 $0xFFFFFFF0  }
.LBB2_1:
0x1b: {  	[tilespmem:s11], [sflag:$0x1] =	stream.linear.gather [hbm4b:s6+s5], $0x8000, $0x38;
	[tilespmem:$0xA000] =	vst v63  }
0x1c: {  	_ = 	snop  }
0x1d: {  	[tilespmem:s5], [sflag:$0x2] =	stream.linear.gather [hbm4b:s2+s5], $0x800, $0x38;
	[tilespmem:$0xA000] =	vst v63  }
0x1e: {  	_ = 	snop  }
0x1f: {  	[tilespmem:s12], [sflag:$0x2] =	stream.linear.gather [hbm4b:s1+s5], $0x800, $0x38;
	[tilespmem:$0xA000] =	vst v63  }
0x20: {  	_ = 	snop  }
0x21: {  	[tilespmem:s13], [sflag:$0x3] =	stream.linear.gather [hbm4b:s7+s5], $0x800, $0x38;
	[tilespmem:$0xA000] =	vst v63  }
0x22: {  	_ = 	snop  }
0x23: {  	[tilespmem:s14], [sflag:$0x3] =	stream.linear.gather [hbm4b:s8+s5], $0x800, $0x38;
	[tilespmem:$0xA000] =	vst v63  }
0x24: {  	_ =	swait.ge [sflag:s15], $0x8000  }
0x25: {  	[sflag:s15] =	ssyncset.done $0x0  }
0x26: {  	s20 =	simm.s32 $0x0;
	[sflag:s15] =	ssyncadd.s32 $0xFFFF8000  }
.LBB2_2:
0x27: {  	_ =	swait.ge [sflag:s16], $0x800  }
0x28: {  	[sflag:s16] =	ssyncset.done $0x0  }
0x29: {  	[sflag:s16] =	ssyncadd.s32 $0xFFFFF800  }
0x2a: {  	_ =	swait.ge [sflag:s16], $0x800  }
0x2b: {  	[sflag:s16] =	ssyncset.done $0x0  }
0x2c: {  	s21 =	simm.s32 $0x0;
	s22 =	simm.s32 $0x40;
	[sflag:s16] =	ssyncadd.s32 $0xFFFFF800  }
.LBB2_3:
0x2d: {  	p1 =	sne.s32 s22, $0x1FC0;
	v2 =	vld [tilespmem:s21+$0x0];
	_ =	sdelay $0x4  }
0x2e: {  	vm0 =	vge.s32 v2, v0;
	vm1 =	vlt.s32 v2, v1  }
0x2f: {  	v2 =	vsub.s32 v2, v0;
	vm0 =	vmand vm0, vm1  }
0x30: {  	v3 =	vld [tilespmem:s21+$0x1000];
	v2 =	vnsel vm0, $0x0, v2  }
.Ltmp2:
0x31: {  	(pc) =	sbr.rel @p1 .LBB2_3-.Ltmp2, $2  }
0x32: {  	_ =	sdelay $0x2  }
0x33: {  	s21 =	sshra.s32 s22, $0x2;
	s22 =	sadd.s32 $0x40, s22;
	[tilespmem:v2+s11+$0x0] =	vst.idx.msk vm0, v3  }
0x34: {  	v2 =	vld [tilespmem:s21+$0x0];
	_ =	sdelay $0x4  }
0x35: {  	vm0 =	vge.s32 v2, v0;
	vm1 =	vlt.s32 v2, v1  }
0x36: {  	v2 =	vsub.s32 v2, v0;
	vm0 =	vmand vm0, vm1  }
0x37: {  	v3 =	vld [tilespmem:s21+$0x1000];
	v2 =	vnsel vm0, $0x0, v2;
	_ =	sdelay $0x2  }
0x38: {  	s21 =	sshll.u32 s20, $0x9;
	p1 =	seq.s32 s20, $0x3  }
0x39: {  	s22 =	sadd.s32 @!p1 $0x200, s21  }
0x3a: {  	s24 =	simm.s32 @!p1 $0x0;
	s23 =	sadd.s32 @!p1 s2, s22;
	[tilespmem:v2+s11+$0x0] =	vst.idx.msk vm0, v3  }
0x3b: {  	[tilespmem:s24], [sflag:$0x2] =	stream.linear.gather @!p1 [hbm4b:s23+s24], $0x800, $0x38;
	[tilespmem:$0xA000] =	vst v63  }
0x3c: {  	s22 =	sadd.s32 @!p1 s1, s22;
	s23 =	simm.s32 @!p1 $0x1000  }
0x3d: {  	[tilespmem:s23], [sflag:$0x2] =	stream.linear.gather @!p1 [hbm4b:s22+s24], $0x800, $0x38;
	[tilespmem:$0xA000] =	vst v63  }
0x3e: {  	_ =	swait.ge [sflag:s17], $0x800  }
0x3f: {  	[sflag:s17] =	ssyncset.done $0x0  }
0x40: {  	[sflag:s17] =	ssyncadd.s32 $0xFFFFF800  }
0x41: {  	_ =	swait.ge [sflag:s17], $0x800  }
0x42: {  	[sflag:s17] =	ssyncset.done $0x0  }
0x43: {  	s22 =	simm.s32 $0x0;
	s23 =	simm.s32 $0x40;
	[sflag:s17] =	ssyncadd.s32 $0xFFFFF800  }
.LBB2_5:
0x44: {  	p2 =	sne.s32 s23, $0x1FC0;
	v2 =	vld [tilespmem:s22+$0x800];
	_ =	sdelay $0x4  }
0x45: {  	vm0 =	vge.s32 v2, v0;
	vm1 =	vlt.s32 v2, v1  }
0x46: {  	v2 =	vsub.s32 v2, v0;
	vm0 =	vmand vm0, vm1  }
0x47: {  	v3 =	vld [tilespmem:s22+$0x1800];
	v2 =	vnsel vm0, $0x0, v2  }
.Ltmp3:
0x48: {  	(pc) =	sbr.rel @p2 .LBB2_5-.Ltmp3, $2  }
0x49: {  	_ =	sdelay $0x2  }
0x4a: {  	s22 =	sshra.s32 s23, $0x2;
	s23 =	sadd.s32 $0x40, s23;
	[tilespmem:v2+s11+$0x0] =	vst.idx.msk vm0, v3  }
0x4b: {  	v2 =	vld [tilespmem:s22+$0x800];
	_ =	sdelay $0x4  }
0x4c: {  	vm0 =	vge.s32 v2, v0;
	vm1 =	vlt.s32 v2, v1  }
0x4d: {  	v2 =	vsub.s32 v2, v0;
	vm0 =	vmand vm0, vm1  }
0x4e: {  	v3 =	vld [tilespmem:s22+$0x1800];
	v2 =	vnsel vm0, $0x0, v2  }
.Ltmp4:
0x4f: {  	_ = 	snop;
	(pc) =	sbr.rel @p1 .LBB2_8-.Ltmp4, $2  }
0x50: {  	_ =	sdelay $0x2  }
0x51: {  	[tilespmem:v2+s11+$0x0] =	vst.idx.msk vm0, v3  }
.Ltmp5:
0x52: {  	s21 =	sadd.s32 $0x300, s21;
	(pc) =	sbr.rel .LBB2_2-.Ltmp5, $4  }
0x53: {  	s22 =	sadd.s32 s2, s21  }
0x54: {  	[tilespmem:s13], [sflag:$0x3] =	stream.linear.gather [hbm4b:s22+s5], $0x800, $0x38;
	[tilespmem:$0xA000] =	vst v63  }
0x55: {  	s20 =	sadd.s32 $0x1, s20;
	s21 =	sadd.s32 s1, s21  }
0x56: {  	[tilespmem:s14], [sflag:$0x3] =	stream.linear.gather [hbm4b:s21+s5], $0x800, $0x38;
	[tilespmem:$0xA000] =	vst v63  }
.LBB2_9:
0x57: {  	_ =	sfence.sel $0x180000  }
0x58: {  	[bflag:$0x0] =	sbarrier.arrive $0xFFFF  }
0x59: {  	p0 =	sne.s32 s3, $0x0;
	_ =	strace $0x90000047  }
0x5a: {  	s0 =	sadd.s32 @!p0 $0x100000, s0;
	[bflag:$0x2] =	sbarrier.arrive $0xFFFF  }
0x5b: {  	[sflag:s0] =	ssyncadd.tile.s32 @!p0 $0x1;
	_ =	shalt  }
.Lfunc_end2:
_tile_overlayer_lowered:
.L_overlay_start_2:
0x5c: {  	(tag) =	ssettag $0x2  }
0x5d: {  	s0 =	rddreg [dreg:$0x0];
	s2 =	stileid.u32  }
0x5e: {  	s1 =	rddreg [dreg:$0x1];
	p0 =	sne.s32 s2, $0x0  }
0x5f: {  	s3 =	rddreg [dreg:$0x2];
	[bflag:$0x3] =	sbarrier.arrive $0xFFFF;
	s2 =	simm.s32 @!p0 $0x1C04  }
0x60: {  	[timem:s3], [sflag:s2] =	dma.local @!p0 [hbm:s0], s1  }
0x61: {  	s0 =	simm.s32 @!p0 $0x4  }
0x62: {  	_ =	swait.ge @!p0 [sflag:s0], s1  }
0x63: {  	s1 =	ssub.s32 @!p0 $0x0, s1;
	[sflag:s0] =	ssyncset.done @!p0 $0x0  }
0x64: {  	[sflag:s0] =	ssyncadd.s32 @!p0 s1  }
0x65: {  	[bflag:$0x3] =	sbarrier.arrive $0xFFFF  }
0x66: {  	_ =	shalt  }

// kernel: kernel.8.cloned.1.call-start
scs
__scs_entry_jumppad:
0x0: {  	(pc) =	sbr.rel $0x88, $3  }
0x1: {  	(tag) =	ssettag $0x0;
	lr =	simm.s32 $0x1  }
0x2: {  	[smem:$0x3F9C] =	sst lr;
	_ =	strace $0xD0000000  }
0x3: {  	_ = 	snop  }
0x4: {  	_ = 	snop  }
0x5: {  	_ = 	snop  }
0x6: {  	_ = 	snop  }
0x7: {  	_ = 	snop  }
__scs_overlays_trampoline_lowered:
0x8: {  	[smem:$0x3FAB] =	sst s0  }
0x9: {  	[smem:$0x3FAC] =	sst s1  }
0xa: {  	[smem:$0x3FAD] =	sst s2  }
0xb: {  	[smem:$0x3FAE] =	sst s3  }
0xc: {  	[smem:$0x3FAF] =	sst s4  }
0xd: {  	[smem:$0x3FB0] =	sst s5  }
0xe: {  	[smem:$0x3FB1] =	sst s6  }
0xf: {  	[smem:$0x3FB2] =	sst s7  }
0x10: {  	[smem:$0x3FB3] =	sst s8  }
0x11: {  	[smem:$0x3FB4] =	sst s9;
	s0 =	simm.s32 @!p0 $0x0  }
0x12: {  	s1 =	sld [smem:$0x3F9A];
	s0 =	simm.s32 @p0 $0x1  }
0x13: {  	[smem:$0x3FB5] =	sst s0;
	s0 =	simm.s32 @!p1 $0x0  }
0x14: {  	s2 =	sld [smem:$0x3F99];
	s0 =	simm.s32 @p1 $0x1  }
0x15: {  	[smem:$0x3FB6] =	sst s0;
	s0 =	simm.s32 @!p2 $0x0  }
0x16: {  	s3 =	sld [smem:$0x3FDB];
	s0 =	simm.s32 @p2 $0x1  }
0x17: {  	s4 =	simm.s32 $0x1BF5;
	[smem:$0x3FB8] =	sst s0  }
0x18: {  	s0 =	sld [smem:$0x3F9B];
	_ =	swait.ge [sflag:s4], $0x0  }
0x19: {  	s7 =	sld [smem:$0x3F9C]  }
0x1a: {  	s8 =	sadd.s32 $0xFFFFE003, lr  }
0x1b: {  	s9 =	sadd.s32 $0xFFFFFEF7, lr;
	s5 =	simm.s32 $0xFFFFFFFF;
	p2 =	slt.u32 s8, $0xFFFFF086  }
0x1c: {  	p1 =	slt.u32 s9, $0xF7A;
	s5 =	simm.s32 @!p2 $0x0  }
0x1d: {  	s5 =	simm.s32 @p1 $0x1;
	p0 =	seq.s32 s7, s2  }
0x1e: {  	s7 =	smul.u32 @!p0 $0xF7A, s2;
	p2 =	seq.s32 @!p0 s5, $0x0  }
0x1f: {  	s9 =	smul.u32 $0xF7A, s1;
	s8 =	simm.s32 @!p0 $0x1BF5;
	p2 =	por !p2, p0  }
0x20: {  	[sflag:s8] =	ssyncset.s32 @!p0 $0xFFFFF086;
	s6 =	sadd.s32 @!p0 s3, s7;
	s7 =	simm.s32 @!p0 $0x108  }
0x21: {  	s3 =	sadd.s32 s3, s9;
	s6 =	sadd.s32 @!p0 $0x88, s6;
	s7 =	simm.s32 @p2 $0x1082  }
0x22: {  	[simem:s7], [sflag:s8] =	dma.local @!p0 [hbm:s6], $0xF7A  }
0x23: {  	s9 =	sor.u32 $0xD0000000, s2;
	s6 =	simm.s32 $0x108;
	_ =	swait.ge @!p0 [sflag:s8], $0x0  }
0x24: {  	s3 =	sadd.s32 $0x88, s3;
	s6 =	simm.s32 @!p1 $0x1082;
	[sflag:s4] =	ssyncset.s32 $0xFFFFF086  }
0x25: {  	[simem:s6], [sflag:s4] =	dma.local [hbm:s3], $0xF7A  }
0x26: {  	[smem:$0x3F9C] =	sst s1;
	(tag) =	ssettag s2;
	_ =	strace s9  }
0x27: {  	s1 =	sld [smem:$0x3FAC]  }
0x28: {  	s2 =	sld [smem:$0x3FAD]  }
0x29: {  	s4 =	sld [smem:$0x3FAF]  }
0x2a: {  	p0 =	seq.s32 s5, $0x0;
	s5 =	sld [smem:$0x3FB0]  }
0x2b: {  	s6 =	sld [smem:$0x3FB1]  }
0x2c: {  	s7 =	sld [smem:$0x3FB2]  }
0x2d: {  	s3 =	simm.s32 $0x108;
	s8 =	sld [smem:$0x3FB3]  }
0x2e: {  	s3 =	simm.s32 @!p0 $0x1082;
	s9 =	sld [smem:$0x3FB4]  }
0x2f: {  	lr =	sadd.s32 s0, s3;
	s0 =	sld [smem:$0x3FAB]  }
0x30: {  	s3 =	sld [smem:$0x3FAE]  }
0x31: {  	[smem:$0x3FB7] =	sst s10  }
0x32: {  	s10 =	sld [smem:$0x3FB5];
	_ =	sdelay $0x3  }
0x33: {  	p0 =	seq.s32 s10, $0x1;
	s10 =	sld [smem:$0x3FB7];
	_ =	sdelay $0x3  }
0x34: {  	[smem:$0x3FB7] =	sst s10  }
0x35: {  	s10 =	sld [smem:$0x3FB6];
	_ =	sdelay $0x3  }
0x36: {  	p1 =	seq.s32 s10, $0x1;
	s10 =	sld [smem:$0x3FB7];
	_ =	sdelay $0x3  }
0x37: {  	[smem:$0x3FB7] =	sst s10  }
0x38: {  	s10 =	sld [smem:$0x3FB8]  }
0x39: {  	_ = 	snop;
	(pc) =	sbr.ind lr, $3  }
0x3a: {  	_ = 	snop  }
0x3b: {  	_ = 	snop  }
0x3c: {  	p2 =	seq.s32 s10, $0x1;
	s10 =	sld [smem:$0x3FB7]  }
0x3d: {  	_ =	shalt  }
0x3e: {  	_ =	shalt  }
0x3f: {  	_ =	shalt  }
0x40: {  	_ =	shalt  }
0x41: {  	_ =	shalt  }
0x42: {  	_ =	shalt  }
0x43: {  	_ =	shalt  }
0x44: {  	_ =	shalt  }
0x45: {  	_ =	shalt  }
0x46: {  	_ =	shalt  }
0x47: {  	_ =	shalt  }
0x48: {  	_ =	shalt  }
0x49: {  	_ =	shalt  }
0x4a: {  	_ =	shalt  }
0x4b: {  	_ =	shalt  }
0x4c: {  	_ =	shalt  }
0x4d: {  	_ =	shalt  }
0x4e: {  	_ =	shalt  }
0x4f: {  	_ =	shalt  }
0x50: {  	_ =	shalt  }
0x51: {  	_ =	shalt  }
0x52: {  	_ =	shalt  }
0x53: {  	_ =	shalt  }
0x54: {  	_ =	shalt  }
0x55: {  	_ =	shalt  }
0x56: {  	_ =	shalt  }
0x57: {  	_ =	shalt  }
0x58: {  	_ =	shalt  }
0x59: {  	_ =	shalt  }
0x5a: {  	_ =	shalt  }
0x5b: {  	_ =	shalt  }
0x5c: {  	_ =	shalt  }
0x5d: {  	_ =	shalt  }
0x5e: {  	_ =	shalt  }
0x5f: {  	_ =	shalt  }
0x60: {  	_ =	shalt  }
0x61: {  	_ =	shalt  }
0x62: {  	_ =	shalt  }
0x63: {  	_ =	shalt  }
0x64: {  	_ =	shalt  }
0x65: {  	_ =	shalt  }
0x66: {  	_ =	shalt  }
0x67: {  	_ =	shalt  }
0x68: {  	_ =	shalt  }
0x69: {  	_ =	shalt  }
0x6a: {  	_ =	shalt  }
0x6b: {  	_ =	shalt  }
0x6c: {  	_ =	shalt  }
0x6d: {  	_ =	shalt  }
0x6e: {  	_ =	shalt  }
0x6f: {  	_ =	shalt  }
0x70: {  	_ =	shalt  }
0x71: {  	_ =	shalt  }
0x72: {  	_ =	shalt  }
0x73: {  	_ =	shalt  }
0x74: {  	_ =	shalt  }
0x75: {  	_ =	shalt  }
0x76: {  	_ =	shalt  }
0x77: {  	_ =	shalt  }
0x78: {  	_ =	shalt  }
0x79: {  	_ =	shalt  }
0x7a: {  	_ =	shalt  }
0x7b: {  	_ =	shalt  }
0x7c: {  	_ =	shalt  }
0x7d: {  	_ =	shalt  }
0x7e: {  	_ =	shalt  }
0x7f: {  	_ =	shalt  }
0x80: {  	_ =	shalt  }
0x81: {  	_ =	shalt  }
0x82: {  	_ =	shalt  }
0x83: {  	_ =	shalt  }
0x84: {  	_ =	shalt  }
0x85: {  	_ =	shalt  }
0x86: {  	_ =	shalt  }
0x87: {  	_ =	shalt  }
.Lfunc_end0:
.L_simem_size_0:
called_computation.1_lowered:
.L_overlay_start_0:
0x88: {  	s2 =	sld [smem:$0x3FD9]  }
0x89: {  	s3 =	sld [smem:$0x3FFE];
	_ =	sdelay $0x1  }
0x8a: {  	s1 =	srdreg.scid  }
0x8b: {  	s0 =	sand.u32 $0x1, s1  }
0x8c: {  	s14 =	sshll.u32 s0, $0xA;
	s2 =	sadd.s32 s3, s2  }
0x8d: {  	s2 =	sadd.s32 s2, s14  }
0x8e: {  	[smem:$0x3FC3] =	sst s2  }
0x8f: {  	_ = 	snop  }
0x90: {  	s2 =	sld [smem:$0x3FD0];
	_ =	sdelay $0x2  }
0x91: {  	s15 =	simm.s32 $0xA;
	s4 =	simm.s32 $0x10  }
0x92: {  	[smem:s4], [sflag:s15] =	dma.local [hbm:s2], $0x1  }
0x93: {  	_ =	swait.eq [sflag:s15], $0x1  }
0x94: {  	[sflag:s15] =	ssyncset.done $0x0  }
0x95: {  	[sflag:s15] =	ssyncadd.s32 $0xFFFFFFFF  }
0x96: {  	s16 =	sld [smem:$0x12];
	(tm) =	ssettm $0x1  }
0x97: {  	s17 =	sld [smem:$0x3FFB];
	_ =	sdelay $0x3  }
0x98: {  	_ =	strace s17  }
0x99: {  	s3 =	sld [smem:$0x3FFC];
	_ =	sdelay $0x3  }
0x9a: {  	_ =	strace s3  }
0x9b: {  	s3 =	sld [smem:$0x3FFD];
	_ =	sdelay $0x3  }
0x9c: {  	_ =	strace s3  }
0x9d: {  	_ =	strace $0x8FFFFFFF  }
0x9e: {  	s18 =	sld [smem:$0x3FDB];
	_ =	sdelay $0x1  }
0x9f: {  	s19 =	simm.s32 $_scs_section_size  }
0xa0: {  	s5 =	simm.s32 $_size__tile_overlayer_lowered;
	s6 =	simm.s32 $_tile_overlayer_lowered  }
0xa1: {  	s22 =	simm.s32 $0x1BFF;
	s21 =	sshll.u32 s6, $0x1;
	s3 =	sadd.s32 s19, s18  }
0xa2: {  	s7 =	simm.s32 $0x0;
	s20 =	sshll.u32 s5, $0x1;
	s5 =	sadd.s32 s21, s3  }
0xa3: {  	[timem:s7], [sflag:s22] =	dma.local [hbm:s5], s20  }
0xa4: {  	_ =	swait.ge [sflag:s22], s20  }
0xa5: {  	s4 =	ssub.s32 $0x0, s20;
	[sflag:s22] =	ssyncset.done $0x0  }
0xa6: {  	[sflag:s22] =	ssyncadd.s32 s4;
	_ =	sdelay $0x1  }
0xa7: {  	s23 =	simm.s32 $0x1B8B  }
0xa8: {  	_ =	swait.ge [sflag:s23], $0x1  }
0xa9: {  	[sflag:s23] =	ssyncset.done $0x0  }
0xaa: {  	s25 =	simm.s32 $0x1B8E;
	s24 =	sld [smem:$0x3FFE];
	[sflag:s23] =	ssyncadd.s32 $0xFFFFFFFF  }
0xab: {  	s26 =	simm.s32 $execute0_lowered;
	[smem:$0x3FD2] =	sst s25  }
0xac: {  	s5 =	sshll.u32 s26, $0x1;
	_ =	strace $0x80000049;
	[dreg:$0x1] =	wrdreg $0xFFFFFFFF  }
0xad: {  	s28 =	simm.s32 $_size_execute0_lowered;
	s3 =	sadd.s32 s3, s5;
	[dreg:$0x0] =	wrdreg $0x0  }
0xae: {  	s5 =	sshll.u32 s28, $0x1;
	[dreg:$0x2] =	wrdreg s3  }
0xaf: {  	[dreg:$0x3] =	wrdreg s5  }
0xb0: {  	[dreg:$0x4] =	wrdreg $0xC0  }
0xb1: {  	_ =	task [dreg:s7], $0x5FFFF  }
0xb2: {  	[dreg:$0x1] =	wrdreg $0xFFFFFFFF  }
0xb3: {  	[dreg:$0x0] =	wrdreg $0x60  }
0xb4: {  	[dreg:$0x2] =	wrdreg s24  }
0xb5: {  	[dreg:$0x3] =	wrdreg s16  }
0xb6: {  	[dreg:$0x4] =	wrdreg $0x9  }
0xb7: {  	_ =	task.clear_ibuf [dreg:s7], $0x5FFFF;
	_ =	strace $0x90000049  }
0xb8: {  	s29 =	simm.s32 $0x9;
	_ =	strace $0x8000004B  }
0xb9: {  	_ =	swait.ge [sflag:s29], $0x1  }
0xba: {  	[sflag:s29] =	ssyncadd.s32 $0xFFFFFFFF  }
0xbb: {  	_ =	strace $0x9000004B  }
0xbc: {  	_ =	sfence  }
0xbd: {  	s30 =	sld [smem:$0x0];
	_ =	sdelay $0x2  }
0xbe: {  	s31 =	sshll.u32 s1, $0xD;
	s1 =	sshrl.u32 s1, $0x2  }
0xbf: {  	s3 =	sand.u32 $0x4000, s31;
	s1 =	sadd.s32 s1, s30  }
0xc0: {  	s0 =	sor.u32 s3, s0;
	s1 =	sshll.u32 s1, $0x11  }
0xc1: {  	s0 =	sor.u32 s1, s0  }
0xc2: {  	s0 =	sadd.s32 $0x8F2B, s0  }
0xc3: {  	[sflag:s0] =	ssyncadd.remote.s32 $0x1  }
0xc4: {  	_ =	sfence.sel $0xFFFF  }
0xc5: {  	[dreg:$0x0] =	wrdreg $0xFFFFFFFF;
	(pc) =	sbr.abs _section_cstart, $3  }
0xc6: {  	[dreg:$0x1] =	wrdreg $0xFFFFFFFF  }
0xc7: {  	_ =	task.clear_ibuf [dreg:s7], $0x2FFFF;
	_ =	strace $0x9FFFFFFF  }
0xc8: {  	(tm) =	ssettm $0x7FFFFFFF  }
0xc9: {  	_ =	shalt  }
tec
execute0_lowered:
.L_overlay_start_1:
0x0: {  	(tag) =	ssettag $0x1  }
0x1: {  	s0 =	rddreg [dreg:$0x0]  }
0x2: {  	s3 =	simm.s32 $0x0;
	s1 =	srdreg.scid;
	s8 =	stileid.u32  }
0x3: {  	s20 =	simm.s32 $0xC200;
	s21 =	simm.s32 $0xE200;
	s28 =	simm.s32 $0x8000  }
0x4: {  	s29 =	simm.s32 $0x2;
	[smem:$0x7FF] =	sst s3;
	s1 =	sand.u32 $0x1, s1  }
0x5: {  	s2 =	sshll.u32 s8, $0x1;
	s4 =	sadd.s32 $0x81E00, s0;
	s5 =	sadd.s32 $0x1E00, s0  }
0x6: {  	s6 =	sadd.s32 $0x41E00, s0;
	s8 =	sshrl.u32 s8, $0x2;
	_ =	strace $0x8000004A  }
0x7: {  	s2 =	sor.u32 s1, s2;
	s10 =	sshll.u32 s8, $0xC;
	s8 =	sshll.u32 s8, $0xA  }
0x8: {  	s1 =	ssub.s32 $0x2, s1;
	s7 =	sshll.u32 s2, $0xC;
	s9 =	sshll.u32 s2, $0x7  }
0x9: {  	s23 =	sshrl.u32 s1, $0x1;
	s24 =	sshll.u32 s2, $0x9;
	s25 =	sshll.u32 s2, $0xE  }
0xa: {  	s2 =	sshll.u32 s2, $0xD;
	s7 =	sadd.s32 s7, s0;
	s9 =	sand.u32 $0x380, s9  }
0xb: {  	s1 =	ssub.s32 s1, s23;
	s26 =	sadd.s32 s5, s2;
	s30 =	sor.u32 $0x20, s24  }
0xc: {  	s2 =	sadd.s32 s6, s2;
	s13 =	sor.u32 $0x40, s24;
	s14 =	sor.u32 $0x60, s24  }
0xd: {  	s23 =	simm.s32 $0xD200;
	s24 =	simm.s32 $0xF200;
	[dreg:$0x4] =	wrdreg s26  }
0xe: {  	s10 =	sor.u32 s10, s9;
	s8 =	sor.u32 s8, s9;
	[dreg:$0x5] =	wrdreg s2  }
0xf: {  	s31 =	sshll.u32 s30, $0x5;
	s12 =	sshll.u32 s30, $0x4;
	s16 =	sadd.s32 $0x101E00, s7  }
0x10: {  	s18 =	smax.u32 s1, $0x1;
	s26 =	simm.s32 $0x1;
	s1 =	simm.s32 $0x4  }
.Ltmp0:
0x11: {  	s2 =	simm.s32 $0x0;
	s22 =	sshrl.u32 s10, $0x3;
	(pc) =	sbr.rel .LBB2_1-.Ltmp0, $4  }
0x12: {  	s8 =	sshrl.u32 s8, $0x3;
	s10 =	sadd.s32 s4, s25;
	s11 =	sadd.s32 s5, s12  }
0x13: {  	v0 =	vlaneseq.u32;
	s12 =	sadd.s32 s6, s12;
	s25 =	simm.s32 $0x3;
	s9 =	sadd.s32 s22, s0  }
0x14: {  	v1 =	vshrl.u32 v0, $0x3;
	v3 =	vor.u32 $0x10, v0;
	v4 =	vor.u32 $0x20, v0;
	s0 =	sadd.s32 s8, s0;
	[dreg:$0x3] =	wrdreg s10;
	s22 =	simm.s32 $0xA200  }
0x15: {  	v2 =	vand.u32 $0x7, v0;
	v5 =	vor.u32 $0x30, v0;
	v1 =	vmul.u32 $0x80, v1;
	s10 =	sadd.s32 s4, s31;
	s15 =	sadd.s32 $0x121E00, s9;
	s17 =	sadd.s32 $0x122600, s0  }
.LBB2_12:
0x16: {  	_ = 	snop  }
0x17: {  	(xrf2) =	vadd.scan.msk.f32 $0xffff, v6;
	_ =	sdelay $0x9  }
0x18: {  	v6, _, _ =	vpop (xrf2)  }
0x19: {  	s0 =	simm.s32 $0x80;
	s7 =	simm.s32 $0x400;
	v6 =	vadd.f32 $0.0e+00, v6  }
0x1a: {  	[hbm4b:s15+s0] =	stream.strided.scatter [tilespmem:s28], [sflag:$0x4], $0x200, s7, s0, $0x38;
	[tilespmem:$0x10380] =	vst v63  }
0x1b: {  	v6 =	vbroadcast v6, $0xF  }
0x1c: {  	[hbm4b:s16+s3] =	stream.linear.scatter [tilespmem:s3], [sflag:$0x4], $0x8000, $0x38;
	[tilespmem:$0x10380] =	vst v63  }
0x1d: {  	s31 =	simm.s32 $0x10300;
	[tilespmem:$0x10300] =	vst v6  }
0x1e: {  	[hbm4b:s17+s3] =	stream.linear.scatter [tilespmem:s31], [sflag:$0x4], $0x80, $0x38;
	[tilespmem:$0x10380] =	vst v63  }
0x1f: {  	_ =	swait.ge [sflag:s1], $0x200  }
0x20: {  	[sflag:s1] =	ssyncset.done $0x0  }
0x21: {  	s2 =	sadd.s32 $0x1, s2;
	[sflag:s1] =	ssyncadd.s32 $0xFFFFFE00  }
0x22: {  	p0 =	sne.s32 s2, s18;
	_ =	swait.ge [sflag:s1], $0x8000  }
.Ltmp1:
0x23: {  	[sflag:s1] =	ssyncset.done $0x0;
	(pc) =	sbr.rel @!p0 .LBB2_13-.Ltmp1, $4  }
0x24: {  	[sflag:s1] =	ssyncadd.s32 $0xFFFF8000  }
0x25: {  	_ =	swait.ge [sflag:s1], $0x80  }
0x26: {  	[sflag:s1] =	ssyncset.done $0x0  }
0x27: {  	[sflag:s1] =	ssyncadd.s32 $0xFFFFFF80  }
.LBB2_1:
0x28: {  	s0 =	rddreg [dreg:$0x3];
	s7 =	simm.s32 $0x8200  }
0x29: {  	[tilespmem:s7], [sflag:$0x1] =	stream.linear.gather [hbm4b:s0+s3], $0x2000, $0x38;
	[tilespmem:$0x10380] =	vst v63  }
0x2a: {  	s19 =	rddreg [dreg:$0x4]  }
0x2b: {  	[tilespmem:s20], [sflag:$0x1] =	stream.linear.gather [hbm4b:s19+s3], $0x1000, $0x38;
	[tilespmem:$0x10380] =	vst v63  }
0x2c: {  	s30 =	rddreg [dreg:$0x5]  }
0x2d: {  	[tilespmem:s21], [sflag:$0x1] =	stream.linear.gather [hbm4b:s30+s3], $0x1000, $0x38;
	[tilespmem:$0x10380] =	vst v63  }
0x2e: {  	_ = 	snop  }
0x2f: {  	[tilespmem:s22], [sflag:$0x2] =	stream.linear.gather [hbm4b:s10+s3], $0x2000, $0x38;
	[tilespmem:$0x10380] =	vst v63  }
0x30: {  	_ = 	snop  }
0x31: {  	[tilespmem:s23], [sflag:$0x2] =	stream.linear.gather [hbm4b:s11+s3], $0x1000, $0x38;
	[tilespmem:$0x10380] =	vst v63  }
0x32: {  	_ = 	snop  }
0x33: {  	[tilespmem:s24], [sflag:$0x2] =	stream.linear.gather [hbm4b:s12+s3], $0x1000, $0x38;
	[tilespmem:$0x10380] =	vst v63  }
0x34: {  	s31 =	rddreg [dreg:$0x1]  }
0x35: {  	v6 =	vimm.f32 $0.0e+00;
	[tilespmem:s3], [sflag:$0x3] =	stream.linear.gather [hbm4b:s31+s3], $0x8000, $0x38;
	[tilespmem:$0x10380] =	vst v63  }
0x36: {  	[tilespmem:$0x8000] =	vst v6  }
0x37: {  	[tilespmem:$0x8010] =	vst v6  }
0x38: {  	[tilespmem:$0x8020] =	vst v6  }
0x39: {  	[tilespmem:$0x8030] =	vst v6  }
0x3a: {  	[tilespmem:$0x8040] =	vst v6  }
0x3b: {  	[tilespmem:$0x8050] =	vst v6  }
0x3c: {  	[tilespmem:$0x8060] =	vst v6  }
0x3d: {  	[tilespmem:$0x8070] =	vst v6  }
0x3e: {  	[tilespmem:$0x8080] =	vst v6  }
0x3f: {  	[tilespmem:$0x8090] =	vst v6  }
0x40: {  	[tilespmem:$0x80A0] =	vst v6  }
0x41: {  	[tilespmem:$0x80B0] =	vst v6  }
0x42: {  	[tilespmem:$0x80C0] =	vst v6  }
0x43: {  	[tilespmem:$0x80D0] =	vst v6  }
0x44: {  	[tilespmem:$0x80E0] =	vst v6  }
0x45: {  	[tilespmem:$0x80F0] =	vst v6  }
0x46: {  	[tilespmem:$0x8100] =	vst v6  }
0x47: {  	[tilespmem:$0x8110] =	vst v6  }
0x48: {  	[tilespmem:$0x8120] =	vst v6  }
0x49: {  	[tilespmem:$0x8130] =	vst v6  }
0x4a: {  	[tilespmem:$0x8140] =	vst v6  }
0x4b: {  	[tilespmem:$0x8150] =	vst v6  }
0x4c: {  	[tilespmem:$0x8160] =	vst v6  }
0x4d: {  	[tilespmem:$0x8170] =	vst v6  }
0x4e: {  	[tilespmem:$0x8180] =	vst v6  }
0x4f: {  	[tilespmem:$0x8190] =	vst v6  }
0x50: {  	[tilespmem:$0x81A0] =	vst v6  }
0x51: {  	[tilespmem:$0x81B0] =	vst v6  }
0x52: {  	[tilespmem:$0x81C0] =	vst v6  }
0x53: {  	[tilespmem:$0x81D0] =	vst v6  }
0x54: {  	[tilespmem:$0x81E0] =	vst v6  }
0x55: {  	[tilespmem:$0x81F0] =	vst v6  }
0x56: {  	_ =	swait.ge [sflag:s25], $0x8000  }
0x57: {  	[sflag:s25] =	ssyncset.done $0x0  }
0x58: {  	s19 =	simm.s32 $0x0;
	[sflag:s25] =	ssyncadd.s32 $0xFFFF8000  }
.LBB2_2:
0x59: {  	_ =	swait.ge [sflag:s26], $0x2000  }
0x5a: {  	[sflag:s26] =	ssyncset.done $0x0  }
0x5b: {  	[sflag:s26] =	ssyncadd.s32 $0xFFFFE000  }
0x5c: {  	_ =	swait.ge [sflag:s26], $0x1000  }
0x5d: {  	[sflag:s26] =	ssyncset.done $0x0  }
0x5e: {  	[sflag:s26] =	ssyncadd.s32 $0xFFFFF000  }
0x5f: {  	_ =	swait.ge [sflag:s26], $0x1000  }
0x60: {  	s0 =	simm.s32 $0x0;
	[sflag:s26] =	ssyncset.done $0x0  }
0x61: {  	p0 =	por $0x1, $0x1;
	s7 =	simm.s32 $0x0;
	[sflag:s26] =	ssyncadd.s32 $0xFFFFF000  }
.LBB2_3:
0x62: {  	v7 =	vor.u32 s7, v0  }
0x63: {  	v8 =	vshll.u32 v7, $0x7  }
0x64: {  	v9 =	vor.u32 $0x1, v8  }
0x65: {  	v10 =	vor.u32 $0x2, v8  }
0x66: {  	v11 =	vor.u32 $0x3, v8  }
0x67: {  	v12 =	vor.u32 $0x4, v8  }
0x68: {  	v14 =	vor.u32 $0x5, v8;
	v13 =	vld.idx.msk [tilespmem:v8+s20+$0x0], $0xffff  }
0x69: {  	v15 =	vor.u32 $0x6, v8;
	v9 =	vld.idx.msk [tilespmem:v9+s20+$0x0], $0xffff  }
0x6a: {  	v16 =	vor.u32 $0x7, v8;
	v10 =	vld.idx.msk [tilespmem:v10+s20+$0x0], $0xffff  }
0x6b: {  	v8 =	vor.u32 $0x8, v8;
	v11 =	vld.idx.msk [tilespmem:v11+s20+$0x0], $0xffff  }
0x6c: {  	v12 =	vld.idx.msk [tilespmem:v12+s20+$0x0], $0xffff  }
0x6d: {  	v14 =	vld.idx.msk [tilespmem:v14+s20+$0x0], $0xffff  }
0x6e: {  	v15 =	vld.idx.msk [tilespmem:v15+s20+$0x0], $0xffff;
	v17 =	vmax.f32 v13, v9  }
0x6f: {  	v16 =	vld.idx.msk [tilespmem:v16+s20+$0x0], $0xffff;
	v17 =	vmax.f32 v17, v10  }
0x70: {  	v8 =	vld.idx.msk [tilespmem:v8+s20+$0x0], $0xffff;
	v17 =	vmax.f32 v17, v11  }
0x71: {  	v17 =	vmax.f32 v17, v12  }
0x72: {  	v17 =	vmax.f32 v17, v14  }
0x73: {  	v17 =	vmax.f32 v17, v15  }
0x74: {  	v17 =	vmax.f32 v17, v16  }
0x75: {  	v17 =	vmax.f32 v17, v8  }
0x76: {  	v13 =	vsub.f32 v13, v17  }
0x77: {  	v9 =	vsub.f32 v9, v17  }
0x78: {  	v13 =	vmul.f32 $1.442695020e+00, v13  }
0x79: {  	v10 =	vsub.f32 v10, v17;
	v9 =	vmul.f32 $1.442695020e+00, v9  }
0x7a: {  	(erf) = vpow2.f32 v13  }
0x7b: {  	v39 =	vsub.f32 v11, v17;
	v38 =	vmul.f32 $1.442695020e+00, v10;
	(erf) = vpow2.f32 v9;
	_ =	sdelay $0x1  }
0x7c: {  	v41 =	vsub.f32 v12, v17;
	v40 =	vmul.f32 $1.442695020e+00, v39;
	(erf) = vpow2.f32 v38;
	_ =	sdelay $0x1  }
0x7d: {  	v43 =	vsub.f32 v14, v17;
	v42 =	vmul.f32 $1.442695020e+00, v41;
	(erf) = vpow2.f32 v40;
	_ =	sdelay $0x1  }
0x7e: {  	v44 =	vsub.f32 v15, v17;
	v45 =	vmul.f32 $1.442695020e+00, v43;
	(erf) = vpow2.f32 v42;
	_ =	sdelay $0x1  }
0x7f: {  	v48 =	vsub.f32 v16, v17;
	v46 =	vmul.f32 $1.442695020e+00, v44;
	v47 =	vpop (erf);
	(erf) = vpow2.f32 v45  }
0x80: {  	v8 =	vsub.f32 v8, v17;
	v49 =	vpop (erf)  }
0x81: {  	v9 =	vmul.f32 $1.442695020e+00, v48;
	(erf) = vpow2.f32 v46;
	v50 =	vadd.f32 v49, v47  }
0x82: {  	v51 =	vpop (erf)  }
0x83: {  	v8 =	vmul.f32 $1.442695020e+00, v8;
	(erf) = vpow2.f32 v9;
	v52 =	vadd.f32 v50, v51  }
0x84: {  	v53 =	vpop (erf)  }
0x85: {  	(erf) = vpow2.f32 v8;
	v8 =	vadd.f32 v52, v53  }
0x86: {  	v54 =	vpop (erf)  }
0x87: {  	v8 =	vadd.f32 v8, v54  }
0x88: {  	v55 =	vpop (erf)  }
0x89: {  	v8 =	vadd.f32 v8, v55  }
0x8a: {  	v56 =	vpop (erf)  }
0x8b: {  	v8 =	vadd.f32 v8, v56  }
0x8c: {  	v57 =	vpop (erf)  }
0x8d: {  	v8 =	vadd.f32 v8, v57  }
0x8e: {  	v58 =	vpop (erf)  }
0x8f: {  	v8 =	vadd.f32 v8, v58;
	_ =	sdelay $0x1  }
0x90: {  	(erf) = vrcp.f32 v8;
	_ =	sdelay $0x6  }
0x91: {  	v7 =	vshll.u32 v7, $0x3  }
0x92: {  	v8 =	vor.u32 $0x1, v7  }
0x93: {  	v19 =	vor.u32 $0x2, v7;
	v18 =	vpop (erf)  }
0x94: {  	v20 =	vor.u32 $0x3, v7;
	v11 =	vmul.f32 v18, v47  }
0x95: {  	s30 =	simm.s32 $0x10200;
	v21 =	vor.u32 $0x4, v7;
	v12 =	vmul.f32 v18, v49  }
0x96: {  	v60 =	vor.u32 $0x5, v7;
	v59 =	vmul.f32 v18, v51;
	[tilespmem:v7+s30+$0x0] =	vst.idx.msk $0xffff, v11  }
0x97: {  	v61 =	vor.u32 $0x6, v7;
	[tilespmem:v8+s30+$0x0] =	vst.idx.msk $0xffff, v12;
	v8 =	vmul.f32 v18, v53  }
0x98: {  	p1 =	por p0, p0;
	v9 =	vmul.f32 v18, v54;
	v7 =	vor.u32 $0x7, v7;
	[tilespmem:v19+s30+$0x0] =	vst.idx.msk $0xffff, v59  }
.Ltmp2:
0x99: {  	[tilespmem:v20+s30+$0x0] =	vst.idx.msk $0xffff, v8;
	v8 =	vmul.f32 v18, v55;
	(pc) =	sbr.rel @p1 .LBB2_3-.Ltmp2, $4  }
0x9a: {  	v62 =	vmul.f32 v18, v56;
	[tilespmem:v21+s30+$0x0] =	vst.idx.msk $0xffff, v9  }
0x9b: {  	v63 =	vmul.f32 v18, v58;
	[tilespmem:v60+s30+$0x0] =	vst.idx.msk $0xffff, v8;
	v8 =	vmul.f32 v18, v57  }
0x9c: {  	[tilespmem:v61+s30+$0x0] =	vst.idx.msk $0xffff, v62  }
0x9d: {  	s31 =	simm.s32 $0x8300;
	s7 =	simm.s32 $0x10;
	p0 =	por $0x0, $0x0;
	v6 =	vadd.f32 v63, v6;
	[tilespmem:v7+s30+$0x0] =	vst.idx.msk $0xffff, v8  }
0x9e: {  	v7 =	vmov s0  }
0x9f: {  	v7 =	vshll.u32 v7, $0x7  }
0xa0: {  	v7 =	vor.u32 v1, v7  }
0xa1: {  	v7 =	vor.u32 v2, v7;
	_ =	sdelay $0x4  }
0xa2: {  	v9 =	vld.idx.msk [tilespmem:v7+s21+$0x0], $0xffff;
	_ =	sdelay $0x2  }
0xa3: {  	v7 =	vld [tilespmem:s30+$0x0];
	_ =	sdelay $0x4  }
0xa4: {  	v8 =	vshll.u32 v9, $0x6;
	[tilespmem:v9+s28+$0x0] =	vst.idx.add.f32.msk $0xffff, v7  }
0xa5: {  	v9 =	vbroadcast v8, $0x0;
	v10 =	vld [tilespmem:s31+$0xFFFFFF00]  }
0xa6: {  	v11 =	vld [tilespmem:s31+$0xFFFFFF10]  }
0xa7: {  	v12 =	vld [tilespmem:s31+$0xFFFFFF80];
	v13 =	vor.u32 v0, v9  }
0xa8: {  	v15 =	vbroadcast v7, $0x0;
	v14 =	vld [tilespmem:s31+$0xFFFFFF90];
	v16 =	vor.u32 v3, v9  }
0xa9: {  	v17 =	vbroadcast v8, $0x1;
	v18 =	vor.u32 v4, v9  }
0xaa: {  	v9 =	vor.u32 v5, v9;
	v19 =	vmul.f32 v10, v15  }
0xab: {  	v21 =	vor.u32 v0, v17;
	v20 =	vmul.f32 v11, v15  }
0xac: {  	v40 =	vbroadcast v7, $0x1;
	v22 =	vor.u32 v3, v17;
	v39 =	vmul.f32 v12, v15;
	[tilespmem:v13+s3+$0x0] =	vst.idx.add.f32.msk $0xffff, v19  }
0xad: {  	v23 =	vbroadcast v8, $0x2;
	v41 =	vor.u32 v4, v17;
	v15 =	vmul.f32 v14, v15;
	[tilespmem:v16+s3+$0x0] =	vst.idx.add.f32.msk $0xffff, v20  }
0xae: {  	v17 =	vor.u32 v5, v17;
	v42 =	vmul.f32 v10, v40;
	[tilespmem:v18+s3+$0x0] =	vst.idx.add.f32.msk $0xffff, v39  }
0xaf: {  	v43 =	vor.u32 v0, v23;
	[tilespmem:v9+s3+$0x0] =	vst.idx.add.f32.msk $0xffff, v15;
	v9 =	vmul.f32 v11, v40  }
0xb0: {  	v45 =	vbroadcast v7, $0x2;
	v46 =	vor.u32 v3, v23;
	v44 =	vmul.f32 v12, v40;
	[tilespmem:v21+s3+$0x0] =	vst.idx.add.f32.msk $0xffff, v42  }
0xb1: {  	v47 =	vbroadcast v8, $0x3;
	v48 =	vor.u32 v4, v23;
	[tilespmem:v22+s3+$0x0] =	vst.idx.add.f32.msk $0xffff, v9;
	v9 =	vmul.f32 v14, v40  }
0xb2: {  	v50 =	vor.u32 v5, v23;
	v49 =	vmul.f32 v10, v45;
	[tilespmem:v41+s3+$0x0] =	vst.idx.add.f32.msk $0xffff, v44  }
0xb3: {  	v51 =	vor.u32 v0, v47;
	[tilespmem:v17+s3+$0x0] =	vst.idx.add.f32.msk $0xffff, v9;
	v9 =	vmul.f32 v11, v45  }
0xb4: {  	v53 =	vbroadcast v7, $0x3;
	v54 =	vor.u32 v3, v47;
	v52 =	vmul.f32 v12, v45;
	[tilespmem:v43+s3+$0x0] =	vst.idx.add.f32.msk $0xffff, v49  }
0xb5: {  	v55 =	vbroadcast v8, $0x4;
	v56 =	vor.u32 v4, v47;
	[tilespmem:v46+s3+$0x0] =	vst.idx.add.f32.msk $0xffff, v9;
	v9 =	vmul.f32 v14, v45  }
0xb6: {  	v58 =	vor.u32 v5, v47;
	v57 =	vmul.f32 v10, v53;
	[tilespmem:v48+s3+$0x0] =	vst.idx.add.f32.msk $0xffff, v52  }
0xb7: {  	v59 =	vor.u32 v0, v55;
	[tilespmem:v50+s3+$0x0] =	vst.idx.add.f32.msk $0xffff, v9;
	v9 =	vmul.f32 v11, v53  }
0xb8: {  	v61 =	vbroadcast v7, $0x4;
	v62 =	vor.u32 v3, v55;
	v60 =	vmul.f32 v12, v53;
	[tilespmem:v51+s3+$0x0] =	vst.idx.add.f32.msk $0xffff, v57  }
0xb9: {  	v63 =	vbroadcast v8, $0x5;
	v24 =	vor.u32 v4, v55;
	[tilespmem:v54+s3+$0x0] =	vst.idx.add.f32.msk $0xffff, v9;
	v9 =	vmul.f32 v14, v53  }
0xba: {  	v26 =	vor.u32 v5, v55;
	v25 =	vmul.f32 v10, v61;
	[tilespmem:v56+s3+$0x0] =	vst.idx.add.f32.msk $0xffff, v60  }
0xbb: {  	v27 =	vor.u32 v0, v63;
	[tilespmem:v58+s3+$0x0] =	vst.idx.add.f32.msk $0xffff, v9;
	v9 =	vmul.f32 v11, v61  }
0xbc: {  	v29 =	vbroadcast v7, $0x5;
	v30 =	vor.u32 v3, v63;
	v28 =	vmul.f32 v12, v61;
	[tilespmem:v59+s3+$0x0] =	vst.idx.add.f32.msk $0xffff, v25  }
0xbd: {  	v31 =	vbroadcast v8, $0x6;
	v32 =	vor.u32 v4, v63;
	[tilespmem:v62+s3+$0x0] =	vst.idx.add.f32.msk $0xffff, v9;
	v9 =	vmul.f32 v14, v61  }
0xbe: {  	v34 =	vor.u32 v5, v63;
	v33 =	vmul.f32 v10, v29;
	[tilespmem:v24+s3+$0x0] =	vst.idx.add.f32.msk $0xffff, v28  }
0xbf: {  	v35 =	vor.u32 v0, v31;
	[tilespmem:v26+s3+$0x0] =	vst.idx.add.f32.msk $0xffff, v9;
	v9 =	vmul.f32 v11, v29  }
0xc0: {  	v37 =	vbroadcast v7, $0x6;
	v38 =	vor.u32 v3, v31;
	v36 =	vmul.f32 v12, v29;
	[tilespmem:v27+s3+$0x0] =	vst.idx.add.f32.msk $0xffff, v33  }
0xc1: {  	v39 =	vbroadcast v8, $0x7;
	v40 =	vor.u32 v4, v31;
	[tilespmem:v30+s3+$0x0] =	vst.idx.add.f32.msk $0xffff, v9;
	v9 =	vmul.f32 v14, v29  }
0xc2: {  	v42 =	vor.u32 v5, v31;
	v41 =	vmul.f32 v10, v37;
	[tilespmem:v32+s3+$0x0] =	vst.idx.add.f32.msk $0xffff, v36  }
0xc3: {  	v43 =	vor.u32 v0, v39;
	[tilespmem:v34+s3+$0x0] =	vst.idx.add.f32.msk $0xffff, v9;
	v9 =	vmul.f32 v11, v37  }
0xc4: {  	v44 =	vmul.f32 v12, v37;
	v45 =	vbroadcast v7, $0x7;
	v46 =	vor.u32 v3, v39;
	[tilespmem:v35+s3+$0x0] =	vst.idx.add.f32.msk $0xffff, v41  }
0xc5: {  	v47 =	vor.u32 v4, v39;
	[tilespmem:v38+s3+$0x0] =	vst.idx.add.f32.msk $0xffff, v9;
	v9 =	vmul.f32 v14, v37  }
0xc6: {  	v48 =	vor.u32 v5, v39;
	v10 =	vmul.f32 v10, v45;
	[tilespmem:v40+s3+$0x0] =	vst.idx.add.f32.msk $0xffff, v44  }
0xc7: {  	[tilespmem:v42+s3+$0x0] =	vst.idx.add.f32.msk $0xffff, v9;
	v9 =	vmul.f32 v11, v45  }
0xc8: {  	[tilespmem:v43+s3+$0x0] =	vst.idx.add.f32.msk $0xffff, v10;
	v10 =	vmul.f32 v12, v45  }
0xc9: {  	[tilespmem:v46+s3+$0x0] =	vst.idx.add.f32.msk $0xffff, v9;
	v9 =	vmul.f32 v14, v45  }
0xca: {  	[tilespmem:v47+s3+$0x0] =	vst.idx.add.f32.msk $0xffff, v10  }
0xcb: {  	[tilespmem:v48+s3+$0x0] =	vst.idx.add.f32.msk $0xffff, v9  }
0xcc: {  	v9 =	vbroadcast v8, $0x8;
	v10 =	vld [tilespmem:s31+$0x0]  }
0xcd: {  	v11 =	vld [tilespmem:s31+$0x10]  }
0xce: {  	v12 =	vld [tilespmem:s31+$0x80];
	v49 =	vor.u32 v0, v9  }
0xcf: {  	v50 =	vbroadcast v7, $0x8;
	v14 =	vld [tilespmem:s31+$0x90];
	v51 =	vor.u32 v3, v9  }
0xd0: {  	v52 =	vbroadcast v8, $0x9;
	v53 =	vor.u32 v4, v9  }
0xd1: {  	v9 =	vor.u32 v5, v9;
	v54 =	vmul.f32 v10, v50  }
0xd2: {  	v56 =	vor.u32 v0, v52;
	v55 =	vmul.f32 v11, v50  }
0xd3: {  	v58 =	vbroadcast v7, $0x9;
	v59 =	vor.u32 v3, v52;
	v57 =	vmul.f32 v12, v50;
	[tilespmem:v49+s3+$0x0] =	vst.idx.add.f32.msk $0xffff, v54  }
0xd4: {  	v60 =	vbroadcast v8, $0xA;
	v61 =	vor.u32 v4, v52;
	v15 =	vmul.f32 v14, v50;
	[tilespmem:v51+s3+$0x0] =	vst.idx.add.f32.msk $0xffff, v55  }
0xd5: {  	v17 =	vor.u32 v5, v52;
	v62 =	vmul.f32 v10, v58;
	[tilespmem:v53+s3+$0x0] =	vst.idx.add.f32.msk $0xffff, v57  }
0xd6: {  	v63 =	vor.u32 v0, v60;
	[tilespmem:v9+s3+$0x0] =	vst.idx.add.f32.msk $0xffff, v15;
	v9 =	vmul.f32 v11, v58  }
0xd7: {  	v25 =	vbroadcast v7, $0xA;
	v26 =	vor.u32 v3, v60;
	v24 =	vmul.f32 v12, v58;
	[tilespmem:v56+s3+$0x0] =	vst.idx.add.f32.msk $0xffff, v62  }
0xd8: {  	v28 =	vor.u32 v4, v60;
	v27 =	vbroadcast v8, $0xB;
	[tilespmem:v59+s3+$0x0] =	vst.idx.add.f32.msk $0xffff, v9;
	v9 =	vmul.f32 v14, v58  }
0xd9: {  	v30 =	vor.u32 v5, v60;
	v29 =	vmul.f32 v10, v25;
	[tilespmem:v61+s3+$0x0] =	vst.idx.add.f32.msk $0xffff, v24  }
0xda: {  	(v2sf) =	vpush v8, $0xF;
	v31 =	vor.u32 v0, v27;
	[tilespmem:v17+s3+$0x0] =	vst.idx.add.f32.msk $0xffff, v9;
	v9 =	vmul.f32 v11, v25  }
0xdb: {  	v33 =	vbroadcast v7, $0xB;
	v34 =	vor.u32 v3, v27;
	v32 =	vmul.f32 v12, v25;
	[tilespmem:v63+s3+$0x0] =	vst.idx.add.f32.msk $0xffff, v29  }
0xdc: {  	v36 =	vor.u32 v4, v27;
	v35 =	vbroadcast v8, $0xC;
	[tilespmem:v26+s3+$0x0] =	vst.idx.add.f32.msk $0xffff, v9;
	v9 =	vmul.f32 v14, v25  }
0xdd: {  	v38 =	vor.u32 v5, v27;
	v37 =	vmul.f32 v10, v33;
	[tilespmem:v28+s3+$0x0] =	vst.idx.add.f32.msk $0xffff, v32  }
0xde: {  	v39 =	vor.u32 v0, v35;
	[tilespmem:v30+s3+$0x0] =	vst.idx.add.f32.msk $0xffff, v9;
	v9 =	vmul.f32 v11, v33  }
0xdf: {  	v41 =	vbroadcast v7, $0xC;
	v42 =	vor.u32 v3, v35;
	v40 =	vmul.f32 v12, v33;
	[tilespmem:v31+s3+$0x0] =	vst.idx.add.f32.msk $0xffff, v37  }
0xe0: {  	v44 =	vor.u32 v4, v35;
	v43 =	vbroadcast v8, $0xD;
	[tilespmem:v34+s3+$0x0] =	vst.idx.add.f32.msk $0xffff, v9;
	v9 =	vmul.f32 v14, v33  }
0xe1: {  	v46 =	vor.u32 v5, v35;
	v45 =	vmul.f32 v10, v41;
	[tilespmem:v36+s3+$0x0] =	vst.idx.add.f32.msk $0xffff, v40  }
0xe2: {  	v47 =	vor.u32 v0, v43;
	[tilespmem:v38+s3+$0x0] =	vst.idx.add.f32.msk $0xffff, v9;
	v9 =	vmul.f32 v11, v41  }
0xe3: {  	v48 =	vmul.f32 v12, v41;
	v50 =	vor.u32 v3, v43;
	v49 =	vbroadcast v7, $0xD;
	[tilespmem:v39+s3+$0x0] =	vst.idx.add.f32.msk $0xffff, v45  }
0xe4: {  	v8 =	vbroadcast v8, $0xE;
	v51 =	vor.u32 v4, v43;
	[tilespmem:v42+s3+$0x0] =	vst.idx.add.f32.msk $0xffff, v9;
	v9 =	vmul.f32 v14, v41  }
0xe5: {  	v52 =	vmul.f32 v10, v49;
	v53 =	vor.u32 v5, v43;
	[tilespmem:v44+s3+$0x0] =	vst.idx.add.f32.msk $0xffff, v48  }
0xe6: {  	v54 =	vor.u32 v0, v8;
	[tilespmem:v46+s3+$0x0] =	vst.idx.add.f32.msk $0xffff, v9;
	v9 =	vmul.f32 v11, v49  }
0xe7: {  	v55 =	vmul.f32 v12, v49;
	v57 =	vor.u32 v3, v8;
	v56 =	vbroadcast v7, $0xE;
	[tilespmem:v47+s3+$0x0] =	vst.idx.add.f32.msk $0xffff, v52  }
0xe8: {  	v58 =	vor.u32 v4, v8;
	[tilespmem:v50+s3+$0x0] =	vst.idx.add.f32.msk $0xffff, v9;
	v9 =	vmul.f32 v14, v49  }
0xe9: {  	s9 =	spop (v2sf);
	v8 =	vor.u32 v5, v8;
	v59 =	vmul.f32 v10, v56;
	[tilespmem:v51+s3+$0x0] =	vst.idx.add.f32.msk $0xffff, v55  }
0xea: {  	v60 =	vor.u32 s9, v0;
	[tilespmem:v53+s3+$0x0] =	vst.idx.add.f32.msk $0xffff, v9;
	v9 =	vmul.f32 v11, v56  }
0xeb: {  	v62 =	vor.u32 s9, v3;
	v61 =	vbroadcast v7, $0xF;
	v7 =	vmul.f32 v12, v56;
	[tilespmem:v54+s3+$0x0] =	vst.idx.add.f32.msk $0xffff, v59  }
0xec: {  	[tilespmem:v57+s3+$0x0] =	vst.idx.add.f32.msk $0xffff, v9;
	v9 =	vmul.f32 v14, v56  }
0xed: {  	s7 =	simm.s32 $0x2;
	[tilespmem:v58+s3+$0x0] =	vst.idx.add.f32.msk $0xffff, v7;
	v7 =	vmul.f32 v10, v61  }
0xee: {  	v63 =	vor.u32 s9, v4;
	v10 =	vmov s7;
	[tilespmem:v8+s3+$0x0] =	vst.idx.add.f32.msk $0xffff, v9;
	v8 =	vmul.f32 v11, v61  }
0xef: {  	v9 =	vshll.u32 v10, $0x7;
	[tilespmem:v60+s3+$0x0] =	vst.idx.add.f32.msk $0xffff, v7  }
0xf0: {  	v7 =	vor.u32 v1, v9;
	[tilespmem:v62+s3+$0x0] =	vst.idx.add.f32.msk $0xffff, v8;
	v8 =	vor.u32 s9, v5  }
0xf1: {  	v10 =	vmul.f32 v12, v61;
	v7 =	vor.u32 v2, v7;
	_ =	sdelay $0x1  }
0xf2: {  	s8 =	simm.s32 $0x4;
	v9 =	vmul.f32 v14, v61;
	[tilespmem:v63+s3+$0x0] =	vst.idx.add.f32.msk $0xffff, v10  }
.LBB2_5:
0xf3: {  	s30 =	sadd.s32 $0x10, s30  }
0xf4: {  	[tilespmem:v8+s3+$0x0] =	vst.idx.add.f32.msk $0xffff, v9;
	s31 =	sadd.s32 $0x200, s31;
	s7 =	smov.u32 s8;
	s0 =	sadd.s32 $0x2, s8  }
0xf5: {  	p0 =	sne.s32 s8, $0x1E;
	v8 =	vld.idx.msk [tilespmem:v7+s21+$0x0], $0xffff;
	_ =	sdelay $0x2  }
0xf6: {  	v7 =	vld [tilespmem:s30+$0x0];
	_ =	sdelay $0x2  }
0xf7: {  	v20 =	vshll.u32 v8, $0x6  }
0xf8: {  	v9 =	vbroadcast v20, $0x0;
	v21 =	vbroadcast v20, $0x1;
	(v2sf) =	vpush v20, $0xF  }
0xf9: {  	v22 =	vbroadcast v20, $0x2;
	v23 =	vbroadcast v20, $0x3;
	[tilespmem:v8+s28+$0x0] =	vst.idx.add.f32.msk $0xffff, v7  }
0xfa: {  	v24 =	vbroadcast v20, $0x4;
	v25 =	vbroadcast v20, $0x5;
	v15 =	vld [tilespmem:s31+$0xFFFFFF00]  }
0xfb: {  	v26 =	vbroadcast v20, $0x6;
	v19 =	vbroadcast v20, $0x7;
	v16 =	vld [tilespmem:s31+$0xFFFFFF10]  }
0xfc: {  	v14 =	vbroadcast v20, $0x8;
	v13 =	vbroadcast v20, $0x9;
	v27 =	vor.u32 v0, v9;
	v17 =	vld [tilespmem:s31+$0xFFFFFF80]  }
0xfd: {  	v12 =	vbroadcast v20, $0xA;
	v28 =	vbroadcast v7, $0x0;
	v29 =	vor.u32 v3, v9;
	v18 =	vld [tilespmem:s31+$0xFFFFFF90]  }
0xfe: {  	v11 =	vbroadcast v20, $0xB;
	v10 =	vbroadcast v20, $0xC;
	v30 =	vor.u32 v4, v9  }
0xff: {  	v32 =	vor.u32 v5, v9;
	v9 =	vbroadcast v20, $0xD;
	v31 =	vmul.f32 v15, v28  }
0x100: {  	v34 =	vor.u32 v0, v21;
	v8 =	vbroadcast v20, $0xE;
	v33 =	vmul.f32 v16, v28  }
0x101: {  	[tilespmem:v27+s3+$0x0] =	vst.idx.add.f32.msk $0xffff, v31;
	v20 =	vmul.f32 v17, v28;
	v27 =	vbroadcast v7, $0x1;
	v31 =	vor.u32 v3, v21  }
0x102: {  	[tilespmem:v29+s3+$0x0] =	vst.idx.add.f32.msk $0xffff, v33;
	v28 =	vmul.f32 v18, v28;
	v29 =	vor.u32 v4, v21  }
0x103: {  	v21 =	vor.u32 v5, v21;
	[tilespmem:v30+s3+$0x0] =	vst.idx.add.f32.msk $0xffff, v20;
	v20 =	vmul.f32 v15, v27  }
0x104: {  	v30 =	vor.u32 v0, v22;
	[tilespmem:v32+s3+$0x0] =	vst.idx.add.f32.msk $0xffff, v28;
	v28 =	vmul.f32 v16, v27  }
0x105: {  	v33 =	vor.u32 v3, v22;
	v32 =	vbroadcast v7, $0x2;
	[tilespmem:v34+s3+$0x0] =	vst.idx.add.f32.msk $0xffff, v20;
	v20 =	vmul.f32 v17, v27  }
0x106: {  	v27 =	vmul.f32 v18, v27;
	[tilespmem:v31+s3+$0x0] =	vst.idx.add.f32.msk $0xffff, v28;
	v28 =	vor.u32 v4, v22  }
0x107: {  	v22 =	vor.u32 v5, v22;
	[tilespmem:v29+s3+$0x0] =	vst.idx.add.f32.msk $0xffff, v20;
	v20 =	vmul.f32 v15, v32;
	s8 =	spop (v2sf)  }
0x108: {  	[tilespmem:v21+s3+$0x0] =	vst.idx.add.f32.msk $0xffff, v27;
	v21 =	vmul.f32 v16, v32;
	v27 =	vor.u32 v0, v23  }
0x109: {  	v29 =	vbroadcast v7, $0x3;
	[tilespmem:v30+s3+$0x0] =	vst.idx.add.f32.msk $0xffff, v20;
	v20 =	vmul.f32 v17, v32;
	v30 =	vor.u32 v3, v23  }
0x10a: {  	v31 =	vor.u32 v4, v23;
	[tilespmem:v33+s3+$0x0] =	vst.idx.add.f32.msk $0xffff, v21;
	v21 =	vmul.f32 v18, v32  }
0x10b: {  	v23 =	vor.u32 v5, v23;
	[tilespmem:v28+s3+$0x0] =	vst.idx.add.f32.msk $0xffff, v20;
	v20 =	vmul.f32 v15, v29  }
0x10c: {  	[tilespmem:v22+s3+$0x0] =	vst.idx.add.f32.msk $0xffff, v21;
	v21 =	vmul.f32 v16, v29;
	v22 =	vor.u32 v0, v24  }
0x10d: {  	v28 =	vor.u32 v3, v24;
	[tilespmem:v27+s3+$0x0] =	vst.idx.add.f32.msk $0xffff, v20;
	v20 =	vmul.f32 v17, v29;
	v27 =	vbroadcast v7, $0x4  }
0x10e: {  	[tilespmem:v30+s3+$0x0] =	vst.idx.add.f32.msk $0xffff, v21;
	v21 =	vmul.f32 v18, v29;
	v29 =	vor.u32 v4, v24  }
0x10f: {  	v24 =	vor.u32 v5, v24;
	[tilespmem:v31+s3+$0x0] =	vst.idx.add.f32.msk $0xffff, v20;
	v20 =	vmul.f32 v15, v27  }
0x110: {  	[tilespmem:v23+s3+$0x0] =	vst.idx.add.f32.msk $0xffff, v21;
	v21 =	vmul.f32 v16, v27;
	v23 =	vor.u32 v0, v25  }
0x111: {  	v30 =	vor.u32 v3, v25;
	[tilespmem:v22+s3+$0x0] =	vst.idx.add.f32.msk $0xffff, v20;
	v20 =	vmul.f32 v17, v27;
	v22 =	vbroadcast v7, $0x5  }
0x112: {  	[tilespmem:v28+s3+$0x0] =	vst.idx.add.f32.msk $0xffff, v21;
	v21 =	vmul.f32 v18, v27;
	v27 =	vor.u32 v4, v25  }
0x113: {  	v25 =	vor.u32 v5, v25;
	[tilespmem:v29+s3+$0x0] =	vst.idx.add.f32.msk $0xffff, v20;
	v20 =	vmul.f32 v15, v22  }
0x114: {  	[tilespmem:v24+s3+$0x0] =	vst.idx.add.f32.msk $0xffff, v21;
	v21 =	vmul.f32 v16, v22;
	v24 =	vor.u32 v0, v26  }
0x115: {  	v28 =	vor.u32 v3, v26;
	[tilespmem:v23+s3+$0x0] =	vst.idx.add.f32.msk $0xffff, v20;
	v20 =	vmul.f32 v17, v22;
	v23 =	vbroadcast v7, $0x6  }
0x116: {  	[tilespmem:v30+s3+$0x0] =	vst.idx.add.f32.msk $0xffff, v21;
	v21 =	vmul.f32 v18, v22;
	v22 =	vor.u32 v4, v26  }
0x117: {  	v26 =	vor.u32 v5, v26;
	[tilespmem:v27+s3+$0x0] =	vst.idx.add.f32.msk $0xffff, v20;
	v20 =	vmul.f32 v15, v23  }
0x118: {  	[tilespmem:v25+s3+$0x0] =	vst.idx.add.f32.msk $0xffff, v21;
	v21 =	vmul.f32 v16, v23;
	v25 =	vor.u32 v0, v19  }
0x119: {  	v27 =	vor.u32 v3, v19;
	[tilespmem:v24+s3+$0x0] =	vst.idx.add.f32.msk $0xffff, v20;
	v20 =	vmul.f32 v17, v23;
	v24 =	vbroadcast v7, $0x7  }
0x11a: {  	[tilespmem:v28+s3+$0x0] =	vst.idx.add.f32.msk $0xffff, v21;
	v21 =	vmul.f32 v18, v23;
	v23 =	vor.u32 v4, v19  }
0x11b: {  	v19 =	vor.u32 v5, v19;
	[tilespmem:v22+s3+$0x0] =	vst.idx.add.f32.msk $0xffff, v20;
	v15 =	vmul.f32 v15, v24  }
0x11c: {  	v16 =	vmul.f32 v16, v24;
	[tilespmem:v26+s3+$0x0] =	vst.idx.add.f32.msk $0xffff, v21  }
0x11d: {  	[tilespmem:v25+s3+$0x0] =	vst.idx.add.f32.msk $0xffff, v15;
	v15 =	vmul.f32 v17, v24  }
0x11e: {  	[tilespmem:v27+s3+$0x0] =	vst.idx.add.f32.msk $0xffff, v16;
	v16 =	vmul.f32 v18, v24  }
0x11f: {  	[tilespmem:v23+s3+$0x0] =	vst.idx.add.f32.msk $0xffff, v15  }
0x120: {  	[tilespmem:v19+s3+$0x0] =	vst.idx.add.f32.msk $0xffff, v16  }
0x121: {  	v18 =	vld [tilespmem:s31+$0x0]  }
0x122: {  	v17 =	vld [tilespmem:s31+$0x10]  }
0x123: {  	v19 =	vor.u32 v0, v14;
	v15 =	vld [tilespmem:s31+$0x80]  }
0x124: {  	v20 =	vbroadcast v7, $0x8;
	v21 =	vor.u32 v3, v14;
	v16 =	vld [tilespmem:s31+$0x90]  }
0x125: {  	v22 =	vor.u32 v4, v14  }
0x126: {  	v14 =	vor.u32 v5, v14;
	v23 =	vmul.f32 v18, v20  }
0x127: {  	v25 =	vor.u32 v0, v13;
	v24 =	vmul.f32 v17, v20  }
0x128: {  	v26 =	vor.u32 v3, v13;
	[tilespmem:v19+s3+$0x0] =	vst.idx.add.f32.msk $0xffff, v23;
	v19 =	vmul.f32 v15, v20;
	v23 =	vbroadcast v7, $0x9  }
0x129: {  	[tilespmem:v21+s3+$0x0] =	vst.idx.add.f32.msk $0xffff, v24;
	v20 =	vmul.f32 v16, v20;
	v21 =	vor.u32 v4, v13  }
0x12a: {  	v13 =	vor.u32 v5, v13;
	[tilespmem:v22+s3+$0x0] =	vst.idx.add.f32.msk $0xffff, v19;
	v19 =	vmul.f32 v18, v23  }
0x12b: {  	[tilespmem:v14+s3+$0x0] =	vst.idx.add.f32.msk $0xffff, v20;
	v14 =	vmul.f32 v17, v23;
	v20 =	vor.u32 v0, v12  }
0x12c: {  	v24 =	vor.u32 v3, v12;
	v22 =	vbroadcast v7, $0xA;
	[tilespmem:v25+s3+$0x0] =	vst.idx.add.f32.msk $0xffff, v19;
	v19 =	vmul.f32 v15, v23  }
0x12d: {  	[tilespmem:v26+s3+$0x0] =	vst.idx.add.f32.msk $0xffff, v14;
	v14 =	vmul.f32 v16, v23;
	v23 =	vor.u32 v4, v12  }
0x12e: {  	v12 =	vor.u32 v5, v12;
	[tilespmem:v21+s3+$0x0] =	vst.idx.add.f32.msk $0xffff, v19;
	v19 =	vmul.f32 v18, v22  }
0x12f: {  	[tilespmem:v13+s3+$0x0] =	vst.idx.add.f32.msk $0xffff, v14;
	v13 =	vmul.f32 v17, v22;
	v14 =	vor.u32 v0, v11  }
0x130: {  	v21 =	vor.u32 v3, v11;
	[tilespmem:v20+s3+$0x0] =	vst.idx.add.f32.msk $0xffff, v19;
	v19 =	vmul.f32 v15, v22;
	v20 =	vbroadcast v7, $0xB  }
0x131: {  	[tilespmem:v24+s3+$0x0] =	vst.idx.add.f32.msk $0xffff, v13;
	v13 =	vmul.f32 v16, v22;
	v22 =	vor.u32 v4, v11  }
0x132: {  	v11 =	vor.u32 v5, v11;
	[tilespmem:v23+s3+$0x0] =	vst.idx.add.f32.msk $0xffff, v19;
	v19 =	vmul.f32 v18, v20  }
0x133: {  	[tilespmem:v12+s3+$0x0] =	vst.idx.add.f32.msk $0xffff, v13;
	v12 =	vmul.f32 v17, v20;
	v13 =	vor.u32 v0, v10  }
0x134: {  	v23 =	vor.u32 v3, v10;
	[tilespmem:v14+s3+$0x0] =	vst.idx.add.f32.msk $0xffff, v19;
	v14 =	vmul.f32 v15, v20;
	v19 =	vbroadcast v7, $0xC  }
0x135: {  	[tilespmem:v21+s3+$0x0] =	vst.idx.add.f32.msk $0xffff, v12;
	v12 =	vmul.f32 v16, v20;
	v20 =	vor.u32 v4, v10  }
0x136: {  	v10 =	vor.u32 v5, v10;
	[tilespmem:v22+s3+$0x0] =	vst.idx.add.f32.msk $0xffff, v14;
	v14 =	vmul.f32 v18, v19  }
0x137: {  	[tilespmem:v11+s3+$0x0] =	vst.idx.add.f32.msk $0xffff, v12;
	v11 =	vmul.f32 v17, v19;
	v12 =	vor.u32 v0, v9  }
0x138: {  	v21 =	vor.u32 v3, v9;
	[tilespmem:v13+s3+$0x0] =	vst.idx.add.f32.msk $0xffff, v14;
	v13 =	vmul.f32 v15, v19;
	v14 =	vbroadcast v7, $0xD  }
0x139: {  	[tilespmem:v23+s3+$0x0] =	vst.idx.add.f32.msk $0xffff, v11;
	v11 =	vmul.f32 v16, v19;
	v19 =	vor.u32 v4, v9  }
0x13a: {  	v9 =	vor.u32 v5, v9;
	[tilespmem:v20+s3+$0x0] =	vst.idx.add.f32.msk $0xffff, v13;
	v13 =	vmul.f32 v18, v14  }
0x13b: {  	[tilespmem:v10+s3+$0x0] =	vst.idx.add.f32.msk $0xffff, v11;
	v10 =	vmul.f32 v17, v14;
	v11 =	vor.u32 v0, v8  }
0x13c: {  	v20 =	vor.u32 v3, v8;
	[tilespmem:v12+s3+$0x0] =	vst.idx.add.f32.msk $0xffff, v13;
	v12 =	vmul.f32 v15, v14;
	v13 =	vbroadcast v7, $0xE  }
0x13d: {  	[tilespmem:v21+s3+$0x0] =	vst.idx.add.f32.msk $0xffff, v10;
	v10 =	vmul.f32 v16, v14;
	v14 =	vor.u32 v4, v8  }
0x13e: {  	[tilespmem:v19+s3+$0x0] =	vst.idx.add.f32.msk $0xffff, v12;
	v12 =	vmul.f32 v18, v13;
	v19 =	vor.u32 v5, v8  }
0x13f: {  	v8 =	vmul.f32 v17, v13;
	[tilespmem:v9+s3+$0x0] =	vst.idx.add.f32.msk $0xffff, v10;
	v9 =	vor.u32 s8, v0;
	v10 =	vbroadcast v7, $0xF  }
0x140: {  	v7 =	vmov s7;
	[tilespmem:v11+s3+$0x0] =	vst.idx.add.f32.msk $0xffff, v12;
	v11 =	vmul.f32 v15, v13;
	v12 =	vor.u32 s8, v3  }
0x141: {  	v7 =	vshll.u32 v7, $0x7;
	v13 =	vmul.f32 v16, v13;
	[tilespmem:v20+s3+$0x0] =	vst.idx.add.f32.msk $0xffff, v8;
	v20 =	vor.u32 s8, v4  }
.Ltmp3:
0x142: {  	v7 =	vor.u32 v1, v7;
	v8 =	vor.u32 s8, v5;
	[tilespmem:v14+s3+$0x0] =	vst.idx.add.f32.msk $0xffff, v11;
	v11 =	vmul.f32 v18, v10;
	(pc) =	sbr.rel @p0 .LBB2_5-.Ltmp3, $4  }
0x143: {  	v7 =	vor.u32 v2, v7;
	[tilespmem:v19+s3+$0x0] =	vst.idx.add.f32.msk $0xffff, v13;
	v13 =	vmul.f32 v17, v10  }
0x144: {  	[tilespmem:v9+s3+$0x0] =	vst.idx.add.f32.msk $0xffff, v11;
	v11 =	vmul.f32 v15, v10  }
0x145: {  	v9 =	vmul.f32 v16, v10;
	[tilespmem:v12+s3+$0x0] =	vst.idx.add.f32.msk $0xffff, v13  }
0x146: {  	s8 =	smov.u32 s0;
	[tilespmem:v20+s3+$0x0] =	vst.idx.add.f32.msk $0xffff, v11  }
0x147: {  	_ =	sdelay $0x3  }
0x148: {  	[tilespmem:v8+s3+$0x0] =	vst.idx.add.f32.msk $0xffff, v9  }
0x149: {  	v9 =	vld.idx.msk [tilespmem:v7+s21+$0x0], $0xffff;
	_ =	sdelay $0x1  }
0x14a: {  	s0 =	sadd.s32 $0x10, s30  }
0x14b: {  	v7 =	vld [tilespmem:s0+$0x0];
	_ =	sdelay $0x4  }
0x14c: {  	s9 =	sadd.s32 $0x200, s31;
	v8 =	vshll.u32 v9, $0x6;
	[tilespmem:v9+s28+$0x0] =	vst.idx.add.f32.msk $0xffff, v7  }
0x14d: {  	v48 =	vbroadcast v8, $0x0;
	v10 =	vld [tilespmem:s9+$0xFFFFFF00]  }
0x14e: {  	v11 =	vld [tilespmem:s9+$0xFFFFFF10]  }
0x14f: {  	v13 =	vor.u32 v0, v48;
	v12 =	vld [tilespmem:s9+$0xFFFFFF80]  }
0x150: {  	v15 =	vbroadcast v7, $0x0;
	v16 =	vor.u32 v3, v48;
	v14 =	vld [tilespmem:s9+$0xFFFFFF90]  }
0x151: {  	v17 =	vbroadcast v8, $0x1;
	v18 =	vor.u32 v4, v48  }
0x152: {  	v9 =	vor.u32 v5, v48;
	v19 =	vmul.f32 v10, v15  }
0x153: {  	v21 =	vor.u32 v0, v17;
	v20 =	vmul.f32 v11, v15  }
0x154: {  	v50 =	vbroadcast v7, $0x1;
	v22 =	vor.u32 v3, v17;
	v49 =	vmul.f32 v12, v15;
	[tilespmem:v13+s3+$0x0] =	vst.idx.add.f32.msk $0xffff, v19  }
0x155: {  	v23 =	vbroadcast v8, $0x2;
	v51 =	vor.u32 v4, v17;
	v15 =	vmul.f32 v14, v15;
	[tilespmem:v16+s3+$0x0] =	vst.idx.add.f32.msk $0xffff, v20  }
0x156: {  	v17 =	vor.u32 v5, v17;
	v52 =	vmul.f32 v10, v50;
	[tilespmem:v18+s3+$0x0] =	vst.idx.add.f32.msk $0xffff, v49  }
0x157: {  	v54 =	vor.u32 v0, v23;
	v53 =	vmul.f32 v11, v50;
	[tilespmem:v9+s3+$0x0] =	vst.idx.add.f32.msk $0xffff, v15  }
0x158: {  	v56 =	vbroadcast v7, $0x2;
	v57 =	vor.u32 v3, v23;
	v55 =	vmul.f32 v12, v50;
	[tilespmem:v21+s3+$0x0] =	vst.idx.add.f32.msk $0xffff, v52  }
0x159: {  	v58 =	vbroadcast v8, $0x3;
	v60 =	vor.u32 v4, v23;
	v59 =	vmul.f32 v14, v50;
	[tilespmem:v22+s3+$0x0] =	vst.idx.add.f32.msk $0xffff, v53  }
0x15a: {  	v62 =	vor.u32 v5, v23;
	v61 =	vmul.f32 v10, v56;
	[tilespmem:v51+s3+$0x0] =	vst.idx.add.f32.msk $0xffff, v55  }
0x15b: {  	v24 =	vor.u32 v0, v58;
	v63 =	vmul.f32 v11, v56;
	[tilespmem:v17+s3+$0x0] =	vst.idx.add.f32.msk $0xffff, v59  }
0x15c: {  	v26 =	vbroadcast v7, $0x3;
	v27 =	vor.u32 v3, v58;
	v25 =	vmul.f32 v12, v56;
	[tilespmem:v54+s3+$0x0] =	vst.idx.add.f32.msk $0xffff, v61  }
0x15d: {  	v28 =	vbroadcast v8, $0x4;
	v30 =	vor.u32 v4, v58;
	v29 =	vmul.f32 v14, v56;
	[tilespmem:v57+s3+$0x0] =	vst.idx.add.f32.msk $0xffff, v63  }
0x15e: {  	v32 =	vor.u32 v5, v58;
	v31 =	vmul.f32 v10, v26;
	[tilespmem:v60+s3+$0x0] =	vst.idx.add.f32.msk $0xffff, v25  }
0x15f: {  	v34 =	vor.u32 v0, v28;
	v33 =	vmul.f32 v11, v26;
	[tilespmem:v62+s3+$0x0] =	vst.idx.add.f32.msk $0xffff, v29  }
0x160: {  	v36 =	vbroadcast v7, $0x4;
	v37 =	vor.u32 v3, v28;
	v35 =	vmul.f32 v12, v26;
	[tilespmem:v24+s3+$0x0] =	vst.idx.add.f32.msk $0xffff, v31  }
0x161: {  	v38 =	vbroadcast v8, $0x5;
	v40 =	vor.u32 v4, v28;
	v39 =	vmul.f32 v14, v26;
	[tilespmem:v27+s3+$0x0] =	vst.idx.add.f32.msk $0xffff, v33  }
0x162: {  	v42 =	vor.u32 v5, v28;
	v41 =	vmul.f32 v10, v36;
	[tilespmem:v30+s3+$0x0] =	vst.idx.add.f32.msk $0xffff, v35  }
0x163: {  	v44 =	vor.u32 v0, v38;
	v43 =	vmul.f32 v11, v36;
	[tilespmem:v32+s3+$0x0] =	vst.idx.add.f32.msk $0xffff, v39  }
0x164: {  	v46 =	vbroadcast v7, $0x5;
	v47 =	vor.u32 v3, v38;
	v45 =	vmul.f32 v12, v36;
	[tilespmem:v34+s3+$0x0] =	vst.idx.add.f32.msk $0xffff, v41  }
0x165: {  	v48 =	vbroadcast v8, $0x6;
	v50 =	vor.u32 v4, v38;
	v49 =	vmul.f32 v14, v36;
	[tilespmem:v37+s3+$0x0] =	vst.idx.add.f32.msk $0xffff, v43  }
0x166: {  	v52 =	vor.u32 v5, v38;
	v51 =	vmul.f32 v10, v46;
	[tilespmem:v40+s3+$0x0] =	vst.idx.add.f32.msk $0xffff, v45  }
0x167: {  	v53 =	vmul.f32 v11, v46;
	v54 =	vor.u32 v0, v48;
	[tilespmem:v42+s3+$0x0] =	vst.idx.add.f32.msk $0xffff, v49  }
0x168: {  	v56 =	vbroadcast v7, $0x6;
	v55 =	vmul.f32 v12, v46;
	v57 =	vor.u32 v3, v48;
	[tilespmem:v44+s3+$0x0] =	vst.idx.add.f32.msk $0xffff, v51  }
0x169: {  	v58 =	vbroadcast v8, $0x7;
	v59 =	vmul.f32 v14, v46;
	v60 =	vor.u32 v4, v48;
	[tilespmem:v47+s3+$0x0] =	vst.idx.add.f32.msk $0xffff, v53  }
0x16a: {  	v61 =	vmul.f32 v10, v56;
	v62 =	vor.u32 v5, v48;
	[tilespmem:v50+s3+$0x0] =	vst.idx.add.f32.msk $0xffff, v55  }
0x16b: {  	v63 =	vmul.f32 v11, v56;
	v24 =	vor.u32 v0, v58;
	[tilespmem:v52+s3+$0x0] =	vst.idx.add.f32.msk $0xffff, v59  }
0x16c: {  	v26 =	vbroadcast v7, $0x7;
	v25 =	vmul.f32 v12, v56;
	v27 =	vor.u32 v3, v58;
	[tilespmem:v54+s3+$0x0] =	vst.idx.add.f32.msk $0xffff, v61  }
0x16d: {  	v28 =	vmul.f32 v14, v56;
	v29 =	vor.u32 v4, v58;
	[tilespmem:v57+s3+$0x0] =	vst.idx.add.f32.msk $0xffff, v63  }
0x16e: {  	v10 =	vmul.f32 v10, v26;
	v30 =	vor.u32 v5, v58;
	[tilespmem:v60+s3+$0x0] =	vst.idx.add.f32.msk $0xffff, v25  }
0x16f: {  	v31 =	vmul.f32 v11, v26;
	[tilespmem:v62+s3+$0x0] =	vst.idx.add.f32.msk $0xffff, v28  }
0x170: {  	v32 =	vmul.f32 v12, v26;
	[tilespmem:v24+s3+$0x0] =	vst.idx.add.f32.msk $0xffff, v10  }
0x171: {  	v33 =	vmul.f32 v14, v26;
	[tilespmem:v27+s3+$0x0] =	vst.idx.add.f32.msk $0xffff, v31  }
0x172: {  	[tilespmem:v29+s3+$0x0] =	vst.idx.add.f32.msk $0xffff, v32  }
0x173: {  	[tilespmem:v30+s3+$0x0] =	vst.idx.add.f32.msk $0xffff, v33  }
0x174: {  	v34 =	vbroadcast v8, $0x8;
	v10 =	vld [tilespmem:s9+$0x0]  }
0x175: {  	v11 =	vld [tilespmem:s9+$0x10]  }
0x176: {  	v35 =	vor.u32 v0, v34;
	v12 =	vld [tilespmem:s9+$0x80]  }
0x177: {  	v36 =	vbroadcast v7, $0x8;
	v37 =	vor.u32 v3, v34;
	v14 =	vld [tilespmem:s9+$0x90]  }
0x178: {  	v38 =	vbroadcast v8, $0x9;
	v39 =	vor.u32 v4, v34  }
0x179: {  	v9 =	vor.u32 v5, v34;
	v40 =	vmul.f32 v10, v36  }
0x17a: {  	v42 =	vor.u32 v0, v38;
	v41 =	vmul.f32 v11, v36  }
0x17b: {  	v45 =	vor.u32 v3, v38;
	v44 =	vbroadcast v7, $0x9;
	v43 =	vmul.f32 v12, v36;
	[tilespmem:v35+s3+$0x0] =	vst.idx.add.f32.msk $0xffff, v40  }
0x17c: {  	v46 =	vbroadcast v8, $0xA;
	v47 =	vor.u32 v4, v38;
	v15 =	vmul.f32 v14, v36;
	[tilespmem:v37+s3+$0x0] =	vst.idx.add.f32.msk $0xffff, v41  }
0x17d: {  	v17 =	vor.u32 v5, v38;
	v48 =	vmul.f32 v10, v44;
	[tilespmem:v39+s3+$0x0] =	vst.idx.add.f32.msk $0xffff, v43  }
0x17e: {  	v50 =	vor.u32 v0, v46;
	v49 =	vmul.f32 v11, v44;
	[tilespmem:v9+s3+$0x0] =	vst.idx.add.f32.msk $0xffff, v15  }
0x17f: {  	v53 =	vor.u32 v3, v46;
	v52 =	vbroadcast v7, $0xA;
	v51 =	vmul.f32 v12, v44;
	[tilespmem:v42+s3+$0x0] =	vst.idx.add.f32.msk $0xffff, v48  }
0x180: {  	v56 =	vor.u32 v4, v46;
	v54 =	vbroadcast v8, $0xB;
	v55 =	vmul.f32 v14, v44;
	[tilespmem:v45+s3+$0x0] =	vst.idx.add.f32.msk $0xffff, v49  }
0x181: {  	v58 =	vor.u32 v5, v46;
	v57 =	vmul.f32 v10, v52;
	[tilespmem:v47+s3+$0x0] =	vst.idx.add.f32.msk $0xffff, v51  }
0x182: {  	(v2sf) =	vpush v8, $0xF;
	v60 =	vor.u32 v0, v54;
	v59 =	vmul.f32 v11, v52;
	[tilespmem:v17+s3+$0x0] =	vst.idx.add.f32.msk $0xffff, v55  }
0x183: {  	v63 =	vor.u32 v3, v54;
	v62 =	vbroadcast v7, $0xB;
	v61 =	vmul.f32 v12, v52;
	[tilespmem:v50+s3+$0x0] =	vst.idx.add.f32.msk $0xffff, v57  }
0x184: {  	v26 =	vor.u32 v4, v54;
	v24 =	vbroadcast v8, $0xC;
	v25 =	vmul.f32 v14, v52;
	[tilespmem:v53+s3+$0x0] =	vst.idx.add.f32.msk $0xffff, v59  }
0x185: {  	v28 =	vor.u32 v5, v54;
	v27 =	vmul.f32 v10, v62;
	[tilespmem:v56+s3+$0x0] =	vst.idx.add.f32.msk $0xffff, v61  }
0x186: {  	v30 =	vor.u32 v0, v24;
	v29 =	vmul.f32 v11, v62;
	[tilespmem:v58+s3+$0x0] =	vst.idx.add.f32.msk $0xffff, v25  }
0x187: {  	v32 =	vbroadcast v7, $0xC;
	v33 =	vor.u32 v3, v24;
	v31 =	vmul.f32 v12, v62;
	[tilespmem:v60+s3+$0x0] =	vst.idx.add.f32.msk $0xffff, v27  }
0x188: {  	v34 =	vbroadcast v8, $0xD;
	v36 =	vor.u32 v4, v24;
	v35 =	vmul.f32 v14, v62;
	[tilespmem:v63+s3+$0x0] =	vst.idx.add.f32.msk $0xffff, v29  }
0x189: {  	v38 =	vor.u32 v5, v24;
	v37 =	vmul.f32 v10, v32;
	[tilespmem:v26+s3+$0x0] =	vst.idx.add.f32.msk $0xffff, v31  }
0x18a: {  	v40 =	vor.u32 v0, v34;
	v39 =	vmul.f32 v11, v32;
	[tilespmem:v28+s3+$0x0] =	vst.idx.add.f32.msk $0xffff, v35  }
0x18b: {  	v41 =	vmul.f32 v12, v32;
	v43 =	vor.u32 v3, v34;
	v42 =	vbroadcast v7, $0xD;
	[tilespmem:v30+s3+$0x0] =	vst.idx.add.f32.msk $0xffff, v37  }
0x18c: {  	v8 =	vbroadcast v8, $0xE;
	v44 =	vmul.f32 v14, v32;
	v45 =	vor.u32 v4, v34;
	[tilespmem:v33+s3+$0x0] =	vst.idx.add.f32.msk $0xffff, v39  }
0x18d: {  	v46 =	vmul.f32 v10, v42;
	v47 =	vor.u32 v5, v34;
	[tilespmem:v36+s3+$0x0] =	vst.idx.add.f32.msk $0xffff, v41  }
0x18e: {  	v49 =	vor.u32 v0, v8;
	v48 =	vmul.f32 v11, v42;
	[tilespmem:v38+s3+$0x0] =	vst.idx.add.f32.msk $0xffff, v44  }
0x18f: {  	v52 =	vor.u32 v3, v8;
	v51 =	vbroadcast v7, $0xE;
	v50 =	vmul.f32 v12, v42;
	[tilespmem:v40+s3+$0x0] =	vst.idx.add.f32.msk $0xffff, v46  }
0x190: {  	v54 =	vor.u32 v4, v8;
	v53 =	vmul.f32 v14, v42;
	[tilespmem:v43+s3+$0x0] =	vst.idx.add.f32.msk $0xffff, v48  }
0x191: {  	s31 =	spop (v2sf);
	v8 =	vor.u32 v5, v8;
	v55 =	vmul.f32 v10, v51;
	[tilespmem:v45+s3+$0x0] =	vst.idx.add.f32.msk $0xffff, v50  }
0x192: {  	v57 =	vor.u32 s31, v0;
	v56 =	vmul.f32 v11, v51;
	[tilespmem:v47+s3+$0x0] =	vst.idx.add.f32.msk $0xffff, v53  }
0x193: {  	v7 =	vbroadcast v7, $0xF;
	v59 =	vor.u32 s31, v3;
	v58 =	vmul.f32 v12, v51;
	[tilespmem:v49+s3+$0x0] =	vst.idx.add.f32.msk $0xffff, v55  }
0x194: {  	v61 =	vor.u32 s31, v4;
	v60 =	vmul.f32 v14, v51;
	[tilespmem:v52+s3+$0x0] =	vst.idx.add.f32.msk $0xffff, v56  }
0x195: {  	v62 =	vor.u32 s31, v5;
	v10 =	vmul.f32 v10, v7;
	[tilespmem:v54+s3+$0x0] =	vst.idx.add.f32.msk $0xffff, v58  }
0x196: {  	s30 =	sshll.u32 s19, $0x6;
	p0 =	seq.s32 s19, $0x7;
	[tilespmem:v8+s3+$0x0] =	vst.idx.add.f32.msk $0xffff, v60;
	v8 =	vmul.f32 v11, v7  }
0x197: {  	s0 =	sadd.s32 @!p0 s30, s13;
	v63 =	vmul.f32 v12, v7;
	[tilespmem:v57+s3+$0x0] =	vst.idx.add.f32.msk $0xffff, v10  }
0x198: {  	s7 =	sshll.u32 @!p0 s0, $0x5;
	v7 =	vmul.f32 v14, v7;
	[tilespmem:v59+s3+$0x0] =	vst.idx.add.f32.msk $0xffff, v8  }
0x199: {  	s8 =	simm.s32 @!p0 $0x0;
	s7 =	sand.u32 @!p0 $0x1FFFF800, s7;
	[tilespmem:v61+s3+$0x0] =	vst.idx.add.f32.msk $0xffff, v63  }
0x19a: {  	s0 =	sshll.u32 @!p0 s0, $0x4;
	s7 =	sadd.s32 @!p0 s4, s7;
	s9 =	simm.s32 @!p0 $0x8200;
	[tilespmem:v62+s3+$0x0] =	vst.idx.add.f32.msk $0xffff, v7  }
0x19b: {  	[tilespmem:s9], [sflag:$0x1] =	stream.linear.gather @!p0 [hbm4b:s7+s8], $0x2000, $0x38;
	[tilespmem:$0x10380] =	vst v63  }
0x19c: {  	s7 =	sadd.s32 @!p0 s5, s0;
	s9 =	simm.s32 @!p0 $0xC200  }
0x19d: {  	[tilespmem:s9], [sflag:$0x1] =	stream.linear.gather @!p0 [hbm4b:s7+s8], $0x1000, $0x38;
	[tilespmem:$0x10380] =	vst v63  }
0x19e: {  	s0 =	sadd.s32 @!p0 s6, s0;
	s7 =	simm.s32 @!p0 $0xE200  }
0x19f: {  	[tilespmem:s7], [sflag:$0x1] =	stream.linear.gather @!p0 [hbm4b:s0+s8], $0x1000, $0x38;
	[tilespmem:$0x10380] =	vst v63  }
0x1a0: {  	_ =	swait.ge [sflag:s29], $0x2000  }
0x1a1: {  	[sflag:s29] =	ssyncset.done $0x0  }
0x1a2: {  	[sflag:s29] =	ssyncadd.s32 $0xFFFFE000  }
0x1a3: {  	_ =	swait.ge [sflag:s29], $0x1000  }
0x1a4: {  	[sflag:s29] =	ssyncset.done $0x0  }
0x1a5: {  	[sflag:s29] =	ssyncadd.s32 $0xFFFFF000  }
0x1a6: {  	_ =	swait.ge [sflag:s29], $0x1000  }
0x1a7: {  	p1 =	por $0x1, $0x1;
	[sflag:s29] =	ssyncset.done $0x0  }
0x1a8: {  	s7 =	simm.s32 $0x0;
	s8 =	simm.s32 $0x0;
	[sflag:s29] =	ssyncadd.s32 $0xFFFFF000  }
.LBB2_7:
0x1a9: {  	v7 =	vor.u32 s8, v0  }
0x1aa: {  	v8 =	vshll.u32 v7, $0x7  }
0x1ab: {  	v9 =	vor.u32 $0x1, v8  }
0x1ac: {  	v10 =	vor.u32 $0x2, v8  }
0x1ad: {  	v11 =	vor.u32 $0x3, v8  }
0x1ae: {  	v12 =	vor.u32 $0x4, v8  }
0x1af: {  	v14 =	vor.u32 $0x5, v8;
	v13 =	vld.idx.msk [tilespmem:v8+s23+$0x0], $0xffff  }
0x1b0: {  	v15 =	vor.u32 $0x6, v8;
	v9 =	vld.idx.msk [tilespmem:v9+s23+$0x0], $0xffff  }
0x1b1: {  	v16 =	vor.u32 $0x7, v8;
	v10 =	vld.idx.msk [tilespmem:v10+s23+$0x0], $0xffff  }
0x1b2: {  	v8 =	vor.u32 $0x8, v8;
	v11 =	vld.idx.msk [tilespmem:v11+s23+$0x0], $0xffff  }
0x1b3: {  	v12 =	vld.idx.msk [tilespmem:v12+s23+$0x0], $0xffff  }
0x1b4: {  	v14 =	vld.idx.msk [tilespmem:v14+s23+$0x0], $0xffff  }
0x1b5: {  	v15 =	vld.idx.msk [tilespmem:v15+s23+$0x0], $0xffff;
	v17 =	vmax.f32 v13, v9  }
0x1b6: {  	v16 =	vld.idx.msk [tilespmem:v16+s23+$0x0], $0xffff;
	v17 =	vmax.f32 v17, v10  }
0x1b7: {  	v8 =	vld.idx.msk [tilespmem:v8+s23+$0x0], $0xffff;
	v17 =	vmax.f32 v17, v11  }
0x1b8: {  	v17 =	vmax.f32 v17, v12  }
0x1b9: {  	v17 =	vmax.f32 v17, v14  }
0x1ba: {  	v17 =	vmax.f32 v17, v15  }
0x1bb: {  	v17 =	vmax.f32 v17, v16  }
0x1bc: {  	v17 =	vmax.f32 v17, v8  }
0x1bd: {  	v13 =	vsub.f32 v13, v17  }
0x1be: {  	v9 =	vsub.f32 v9, v17  }
0x1bf: {  	v13 =	vmul.f32 $1.442695020e+00, v13  }
0x1c0: {  	v10 =	vsub.f32 v10, v17;
	v9 =	vmul.f32 $1.442695020e+00, v9  }
0x1c1: {  	(erf) = vpow2.f32 v13  }
0x1c2: {  	v39 =	vsub.f32 v11, v17;
	v38 =	vmul.f32 $1.442695020e+00, v10;
	(erf) = vpow2.f32 v9;
	_ =	sdelay $0x1  }
0x1c3: {  	v41 =	vsub.f32 v12, v17;
	v40 =	vmul.f32 $1.442695020e+00, v39;
	(erf) = vpow2.f32 v38;
	_ =	sdelay $0x1  }
0x1c4: {  	v43 =	vsub.f32 v14, v17;
	v42 =	vmul.f32 $1.442695020e+00, v41;
	(erf) = vpow2.f32 v40;
	_ =	sdelay $0x1  }
0x1c5: {  	v44 =	vsub.f32 v15, v17;
	v45 =	vmul.f32 $1.442695020e+00, v43;
	(erf) = vpow2.f32 v42;
	_ =	sdelay $0x1  }
0x1c6: {  	v48 =	vsub.f32 v16, v17;
	v46 =	vmul.f32 $1.442695020e+00, v44;
	v47 =	vpop (erf);
	(erf) = vpow2.f32 v45  }
0x1c7: {  	v8 =	vsub.f32 v8, v17;
	v49 =	vpop (erf)  }
0x1c8: {  	v9 =	vmul.f32 $1.442695020e+00, v48;
	(erf) = vpow2.f32 v46;
	v50 =	vadd.f32 v49, v47  }
0x1c9: {  	v51 =	vpop (erf)  }
0x1ca: {  	v8 =	vmul.f32 $1.442695020e+00, v8;
	(erf) = vpow2.f32 v9;
	v52 =	vadd.f32 v50, v51  }
0x1cb: {  	v53 =	vpop (erf)  }
0x1cc: {  	(erf) = vpow2.f32 v8;
	v8 =	vadd.f32 v52, v53  }
0x1cd: {  	v54 =	vpop (erf)  }
0x1ce: {  	v8 =	vadd.f32 v8, v54  }
0x1cf: {  	v55 =	vpop (erf)  }
0x1d0: {  	v8 =	vadd.f32 v8, v55  }
0x1d1: {  	v56 =	vpop (erf)  }
0x1d2: {  	v8 =	vadd.f32 v8, v56  }
0x1d3: {  	v57 =	vpop (erf)  }
0x1d4: {  	v8 =	vadd.f32 v8, v57  }
0x1d5: {  	v58 =	vpop (erf)  }
0x1d6: {  	v8 =	vadd.f32 v8, v58;
	_ =	sdelay $0x1  }
0x1d7: {  	(erf) = vrcp.f32 v8;
	_ =	sdelay $0x6  }
0x1d8: {  	v7 =	vshll.u32 v7, $0x3  }
0x1d9: {  	v8 =	vor.u32 $0x1, v7  }
0x1da: {  	v19 =	vor.u32 $0x2, v7;
	v18 =	vpop (erf)  }
0x1db: {  	v20 =	vor.u32 $0x3, v7;
	v11 =	vmul.f32 v18, v47  }
0x1dc: {  	s31 =	simm.s32 $0x10200;
	v21 =	vor.u32 $0x4, v7;
	v12 =	vmul.f32 v18, v49  }
0x1dd: {  	v60 =	vor.u32 $0x5, v7;
	v59 =	vmul.f32 v18, v51;
	[tilespmem:v7+s31+$0x0] =	vst.idx.msk $0xffff, v11  }
0x1de: {  	v61 =	vor.u32 $0x6, v7;
	[tilespmem:v8+s31+$0x0] =	vst.idx.msk $0xffff, v12;
	v8 =	vmul.f32 v18, v53  }
0x1df: {  	p2 =	por p1, p1;
	v9 =	vmul.f32 v18, v54;
	v7 =	vor.u32 $0x7, v7;
	[tilespmem:v19+s31+$0x0] =	vst.idx.msk $0xffff, v59  }
.Ltmp4:
0x1e0: {  	[tilespmem:v20+s31+$0x0] =	vst.idx.msk $0xffff, v8;
	v8 =	vmul.f32 v18, v55;
	(pc) =	sbr.rel @p2 .LBB2_7-.Ltmp4, $4  }
0x1e1: {  	v62 =	vmul.f32 v18, v56;
	[tilespmem:v21+s31+$0x0] =	vst.idx.msk $0xffff, v9  }
0x1e2: {  	v63 =	vmul.f32 v18, v58;
	[tilespmem:v60+s31+$0x0] =	vst.idx.msk $0xffff, v8;
	v8 =	vmul.f32 v18, v57  }
0x1e3: {  	[tilespmem:v61+s31+$0x0] =	vst.idx.msk $0xffff, v62  }
0x1e4: {  	s0 =	simm.s32 $0xA300;
	s8 =	simm.s32 $0x10;
	p1 =	por $0x0, $0x0;
	v6 =	vadd.f32 v63, v6;
	[tilespmem:v7+s31+$0x0] =	vst.idx.msk $0xffff, v8  }
0x1e5: {  	v7 =	vmov s7  }
0x1e6: {  	v7 =	vshll.u32 v7, $0x7  }
0x1e7: {  	v7 =	vor.u32 v1, v7  }
0x1e8: {  	v7 =	vor.u32 v2, v7;
	_ =	sdelay $0x4  }
0x1e9: {  	v9 =	vld.idx.msk [tilespmem:v7+s24+$0x0], $0xffff;
	_ =	sdelay $0x2  }
0x1ea: {  	v7 =	vld [tilespmem:s31+$0x0];
	_ =	sdelay $0x4  }
0x1eb: {  	v8 =	vshll.u32 v9, $0x6;
	[tilespmem:v9+s28+$0x0] =	vst.idx.add.f32.msk $0xffff, v7  }
0x1ec: {  	v9 =	vbroadcast v8, $0x0;
	v10 =	vld [tilespmem:s0+$0xFFFFFF00]  }
0x1ed: {  	v11 =	vld [tilespmem:s0+$0xFFFFFF10]  }
0x1ee: {  	v12 =	vld [tilespmem:s0+$0xFFFFFF80];
	v13 =	vor.u32 v0, v9  }
0x1ef: {  	v15 =	vbroadcast v7, $0x0;
	v14 =	vld [tilespmem:s0+$0xFFFFFF90];
	v16 =	vor.u32 v3, v9  }
0x1f0: {  	v17 =	vbroadcast v8, $0x1;
	v18 =	vor.u32 v4, v9  }
0x1f1: {  	v9 =	vor.u32 v5, v9;
	v19 =	vmul.f32 v10, v15  }
0x1f2: {  	v21 =	vor.u32 v0, v17;
	v20 =	vmul.f32 v11, v15  }
0x1f3: {  	v40 =	vbroadcast v7, $0x1;
	v22 =	vor.u32 v3, v17;
	v39 =	vmul.f32 v12, v15;
	[tilespmem:v13+s3+$0x0] =	vst.idx.add.f32.msk $0xffff, v19  }
0x1f4: {  	v23 =	vbroadcast v8, $0x2;
	v41 =	vor.u32 v4, v17;
	v15 =	vmul.f32 v14, v15;
	[tilespmem:v16+s3+$0x0] =	vst.idx.add.f32.msk $0xffff, v20  }
0x1f5: {  	v17 =	vor.u32 v5, v17;
	v42 =	vmul.f32 v10, v40;
	[tilespmem:v18+s3+$0x0] =	vst.idx.add.f32.msk $0xffff, v39  }
0x1f6: {  	v43 =	vor.u32 v0, v23;
	[tilespmem:v9+s3+$0x0] =	vst.idx.add.f32.msk $0xffff, v15;
	v9 =	vmul.f32 v11, v40  }
0x1f7: {  	v45 =	vbroadcast v7, $0x2;
	v46 =	vor.u32 v3, v23;
	v44 =	vmul.f32 v12, v40;
	[tilespmem:v21+s3+$0x0] =	vst.idx.add.f32.msk $0xffff, v42  }
0x1f8: {  	v47 =	vbroadcast v8, $0x3;
	v48 =	vor.u32 v4, v23;
	[tilespmem:v22+s3+$0x0] =	vst.idx.add.f32.msk $0xffff, v9;
	v9 =	vmul.f32 v14, v40  }
0x1f9: {  	v50 =	vor.u32 v5, v23;
	v49 =	vmul.f32 v10, v45;
	[tilespmem:v41+s3+$0x0] =	vst.idx.add.f32.msk $0xffff, v44  }
0x1fa: {  	v51 =	vor.u32 v0, v47;
	[tilespmem:v17+s3+$0x0] =	vst.idx.add.f32.msk $0xffff, v9;
	v9 =	vmul.f32 v11, v45  }
0x1fb: {  	v53 =	vbroadcast v7, $0x3;
	v54 =	vor.u32 v3, v47;
	v52 =	vmul.f32 v12, v45;
	[tilespmem:v43+s3+$0x0] =	vst.idx.add.f32.msk $0xffff, v49  }
0x1fc: {  	v55 =	vbroadcast v8, $0x4;
	v56 =	vor.u32 v4, v47;
	[tilespmem:v46+s3+$0x0] =	vst.idx.add.f32.msk $0xffff, v9;
	v9 =	vmul.f32 v14, v45  }
0x1fd: {  	v58 =	vor.u32 v5, v47;
	v57 =	vmul.f32 v10, v53;
	[tilespmem:v48+s3+$0x0] =	vst.idx.add.f32.msk $0xffff, v52  }
0x1fe: {  	v59 =	vor.u32 v0, v55;
	[tilespmem:v50+s3+$0x0] =	vst.idx.add.f32.msk $0xffff, v9;
	v9 =	vmul.f32 v11, v53  }
0x1ff: {  	v61 =	vbroadcast v7, $0x4;
	v62 =	vor.u32 v3, v55;
	v60 =	vmul.f32 v12, v53;
	[tilespmem:v51+s3+$0x0] =	vst.idx.add.f32.msk $0xffff, v57  }
0x200: {  	v63 =	vbroadcast v8, $0x5;
	v24 =	vor.u32 v4, v55;
	[tilespmem:v54+s3+$0x0] =	vst.idx.add.f32.msk $0xffff, v9;
	v9 =	vmul.f32 v14, v53  }
0x201: {  	v26 =	vor.u32 v5, v55;
	v25 =	vmul.f32 v10, v61;
	[tilespmem:v56+s3+$0x0] =	vst.idx.add.f32.msk $0xffff, v60  }
0x202: {  	v27 =	vor.u32 v0, v63;
	[tilespmem:v58+s3+$0x0] =	vst.idx.add.f32.msk $0xffff, v9;
	v9 =	vmul.f32 v11, v61  }
0x203: {  	v29 =	vbroadcast v7, $0x5;
	v30 =	vor.u32 v3, v63;
	v28 =	vmul.f32 v12, v61;
	[tilespmem:v59+s3+$0x0] =	vst.idx.add.f32.msk $0xffff, v25  }
0x204: {  	v31 =	vbroadcast v8, $0x6;
	v32 =	vor.u32 v4, v63;
	[tilespmem:v62+s3+$0x0] =	vst.idx.add.f32.msk $0xffff, v9;
	v9 =	vmul.f32 v14, v61  }
0x205: {  	v34 =	vor.u32 v5, v63;
	v33 =	vmul.f32 v10, v29;
	[tilespmem:v24+s3+$0x0] =	vst.idx.add.f32.msk $0xffff, v28  }
0x206: {  	v35 =	vor.u32 v0, v31;
	[tilespmem:v26+s3+$0x0] =	vst.idx.add.f32.msk $0xffff, v9;
	v9 =	vmul.f32 v11, v29  }
0x207: {  	v37 =	vbroadcast v7, $0x6;
	v38 =	vor.u32 v3, v31;
	v36 =	vmul.f32 v12, v29;
	[tilespmem:v27+s3+$0x0] =	vst.idx.add.f32.msk $0xffff, v33  }
0x208: {  	v39 =	vbroadcast v8, $0x7;
	v40 =	vor.u32 v4, v31;
	[tilespmem:v30+s3+$0x0] =	vst.idx.add.f32.msk $0xffff, v9;
	v9 =	vmul.f32 v14, v29  }
0x209: {  	v42 =	vor.u32 v5, v31;
	v41 =	vmul.f32 v10, v37;
	[tilespmem:v32+s3+$0x0] =	vst.idx.add.f32.msk $0xffff, v36  }
0x20a: {  	v43 =	vor.u32 v0, v39;
	[tilespmem:v34+s3+$0x0] =	vst.idx.add.f32.msk $0xffff, v9;
	v9 =	vmul.f32 v11, v37  }
0x20b: {  	v44 =	vmul.f32 v12, v37;
	v45 =	vbroadcast v7, $0x7;
	v46 =	vor.u32 v3, v39;
	[tilespmem:v35+s3+$0x0] =	vst.idx.add.f32.msk $0xffff, v41  }
0x20c: {  	v47 =	vor.u32 v4, v39;
	[tilespmem:v38+s3+$0x0] =	vst.idx.add.f32.msk $0xffff, v9;
	v9 =	vmul.f32 v14, v37  }
0x20d: {  	v48 =	vor.u32 v5, v39;
	v10 =	vmul.f32 v10, v45;
	[tilespmem:v40+s3+$0x0] =	vst.idx.add.f32.msk $0xffff, v44  }
0x20e: {  	[tilespmem:v42+s3+$0x0] =	vst.idx.add.f32.msk $0xffff, v9;
	v9 =	vmul.f32 v11, v45  }
0x20f: {  	[tilespmem:v43+s3+$0x0] =	vst.idx.add.f32.msk $0xffff, v10;
	v10 =	vmul.f32 v12, v45  }
0x210: {  	[tilespmem:v46+s3+$0x0] =	vst.idx.add.f32.msk $0xffff, v9;
	v9 =	vmul.f32 v14, v45  }
0x211: {  	[tilespmem:v47+s3+$0x0] =	vst.idx.add.f32.msk $0xffff, v10  }
0x212: {  	[tilespmem:v48+s3+$0x0] =	vst.idx.add.f32.msk $0xffff, v9  }
0x213: {  	v9 =	vbroadcast v8, $0x8;
	v10 =	vld [tilespmem:s0+$0x0]  }
0x214: {  	v11 =	vld [tilespmem:s0+$0x10]  }
0x215: {  	v12 =	vld [tilespmem:s0+$0x80];
	v49 =	vor.u32 v0, v9  }
0x216: {  	v50 =	vbroadcast v7, $0x8;
	v14 =	vld [tilespmem:s0+$0x90];
	v51 =	vor.u32 v3, v9  }
0x217: {  	v52 =	vbroadcast v8, $0x9;
	v53 =	vor.u32 v4, v9  }
0x218: {  	v9 =	vor.u32 v5, v9;
	v54 =	vmul.f32 v10, v50  }
0x219: {  	v56 =	vor.u32 v0, v52;
	v55 =	vmul.f32 v11, v50  }
0x21a: {  	v58 =	vbroadcast v7, $0x9;
	v59 =	vor.u32 v3, v52;
	v57 =	vmul.f32 v12, v50;
	[tilespmem:v49+s3+$0x0] =	vst.idx.add.f32.msk $0xffff, v54  }
0x21b: {  	v60 =	vbroadcast v8, $0xA;
	v61 =	vor.u32 v4, v52;
	v15 =	vmul.f32 v14, v50;
	[tilespmem:v51+s3+$0x0] =	vst.idx.add.f32.msk $0xffff, v55  }
0x21c: {  	v17 =	vor.u32 v5, v52;
	v62 =	vmul.f32 v10, v58;
	[tilespmem:v53+s3+$0x0] =	vst.idx.add.f32.msk $0xffff, v57  }
0x21d: {  	v63 =	vor.u32 v0, v60;
	[tilespmem:v9+s3+$0x0] =	vst.idx.add.f32.msk $0xffff, v15;
	v9 =	vmul.f32 v11, v58  }
0x21e: {  	v25 =	vbroadcast v7, $0xA;
	v26 =	vor.u32 v3, v60;
	v24 =	vmul.f32 v12, v58;
	[tilespmem:v56+s3+$0x0] =	vst.idx.add.f32.msk $0xffff, v62  }
0x21f: {  	v28 =	vor.u32 v4, v60;
	v27 =	vbroadcast v8, $0xB;
	[tilespmem:v59+s3+$0x0] =	vst.idx.add.f32.msk $0xffff, v9;
	v9 =	vmul.f32 v14, v58  }
0x220: {  	v30 =	vor.u32 v5, v60;
	v29 =	vmul.f32 v10, v25;
	[tilespmem:v61+s3+$0x0] =	vst.idx.add.f32.msk $0xffff, v24  }
0x221: {  	(v2sf) =	vpush v8, $0xF;
	v31 =	vor.u32 v0, v27;
	[tilespmem:v17+s3+$0x0] =	vst.idx.add.f32.msk $0xffff, v9;
	v9 =	vmul.f32 v11, v25  }
0x222: {  	v33 =	vbroadcast v7, $0xB;
	v34 =	vor.u32 v3, v27;
	v32 =	vmul.f32 v12, v25;
	[tilespmem:v63+s3+$0x0] =	vst.idx.add.f32.msk $0xffff, v29  }
0x223: {  	v36 =	vor.u32 v4, v27;
	v35 =	vbroadcast v8, $0xC;
	[tilespmem:v26+s3+$0x0] =	vst.idx.add.f32.msk $0xffff, v9;
	v9 =	vmul.f32 v14, v25  }
0x224: {  	v38 =	vor.u32 v5, v27;
	v37 =	vmul.f32 v10, v33;
	[tilespmem:v28+s3+$0x0] =	vst.idx.add.f32.msk $0xffff, v32  }
0x225: {  	v39 =	vor.u32 v0, v35;
	[tilespmem:v30+s3+$0x0] =	vst.idx.add.f32.msk $0xffff, v9;
	v9 =	vmul.f32 v11, v33  }
0x226: {  	v41 =	vbroadcast v7, $0xC;
	v42 =	vor.u32 v3, v35;
	v40 =	vmul.f32 v12, v33;
	[tilespmem:v31+s3+$0x0] =	vst.idx.add.f32.msk $0xffff, v37  }
0x227: {  	v44 =	vor.u32 v4, v35;
	v43 =	vbroadcast v8, $0xD;
	[tilespmem:v34+s3+$0x0] =	vst.idx.add.f32.msk $0xffff, v9;
	v9 =	vmul.f32 v14, v33  }
0x228: {  	v46 =	vor.u32 v5, v35;
	v45 =	vmul.f32 v10, v41;
	[tilespmem:v36+s3+$0x0] =	vst.idx.add.f32.msk $0xffff, v40  }
0x229: {  	v47 =	vor.u32 v0, v43;
	[tilespmem:v38+s3+$0x0] =	vst.idx.add.f32.msk $0xffff, v9;
	v9 =	vmul.f32 v11, v41  }
0x22a: {  	v48 =	vmul.f32 v12, v41;
	v50 =	vor.u32 v3, v43;
	v49 =	vbroadcast v7, $0xD;
	[tilespmem:v39+s3+$0x0] =	vst.idx.add.f32.msk $0xffff, v45  }
0x22b: {  	v8 =	vbroadcast v8, $0xE;
	v51 =	vor.u32 v4, v43;
	[tilespmem:v42+s3+$0x0] =	vst.idx.add.f32.msk $0xffff, v9;
	v9 =	vmul.f32 v14, v41  }
0x22c: {  	v52 =	vmul.f32 v10, v49;
	v53 =	vor.u32 v5, v43;
	[tilespmem:v44+s3+$0x0] =	vst.idx.add.f32.msk $0xffff, v48  }
0x22d: {  	v54 =	vor.u32 v0, v8;
	[tilespmem:v46+s3+$0x0] =	vst.idx.add.f32.msk $0xffff, v9;
	v9 =	vmul.f32 v11, v49  }
0x22e: {  	v55 =	vmul.f32 v12, v49;
	v57 =	vor.u32 v3, v8;
	v56 =	vbroadcast v7, $0xE;
	[tilespmem:v47+s3+$0x0] =	vst.idx.add.f32.msk $0xffff, v52  }
0x22f: {  	v58 =	vor.u32 v4, v8;
	[tilespmem:v50+s3+$0x0] =	vst.idx.add.f32.msk $0xffff, v9;
	v9 =	vmul.f32 v14, v49  }
0x230: {  	s7 =	spop (v2sf);
	v8 =	vor.u32 v5, v8;
	v59 =	vmul.f32 v10, v56;
	[tilespmem:v51+s3+$0x0] =	vst.idx.add.f32.msk $0xffff, v55  }
0x231: {  	v60 =	vor.u32 s7, v0;
	[tilespmem:v53+s3+$0x0] =	vst.idx.add.f32.msk $0xffff, v9;
	v9 =	vmul.f32 v11, v56  }
0x232: {  	v62 =	vor.u32 s7, v3;
	v61 =	vbroadcast v7, $0xF;
	v7 =	vmul.f32 v12, v56;
	[tilespmem:v54+s3+$0x0] =	vst.idx.add.f32.msk $0xffff, v59  }
0x233: {  	[tilespmem:v57+s3+$0x0] =	vst.idx.add.f32.msk $0xffff, v9;
	v9 =	vmul.f32 v14, v56  }
0x234: {  	s8 =	simm.s32 $0x2;
	[tilespmem:v58+s3+$0x0] =	vst.idx.add.f32.msk $0xffff, v7;
	v7 =	vmul.f32 v10, v61  }
0x235: {  	v63 =	vor.u32 s7, v4;
	v10 =	vmov s8;
	[tilespmem:v8+s3+$0x0] =	vst.idx.add.f32.msk $0xffff, v9;
	v8 =	vmul.f32 v11, v61  }
0x236: {  	v9 =	vshll.u32 v10, $0x7;
	[tilespmem:v60+s3+$0x0] =	vst.idx.add.f32.msk $0xffff, v7  }
0x237: {  	v7 =	vor.u32 v1, v9;
	[tilespmem:v62+s3+$0x0] =	vst.idx.add.f32.msk $0xffff, v8;
	v8 =	vor.u32 s7, v5  }
0x238: {  	v10 =	vmul.f32 v12, v61;
	v7 =	vor.u32 v2, v7;
	_ =	sdelay $0x1  }
0x239: {  	s9 =	simm.s32 $0x4;
	v9 =	vmul.f32 v14, v61;
	[tilespmem:v63+s3+$0x0] =	vst.idx.add.f32.msk $0xffff, v10  }
.LBB2_9:
0x23a: {  	s31 =	sadd.s32 $0x10, s31  }
0x23b: {  	[tilespmem:v8+s3+$0x0] =	vst.idx.add.f32.msk $0xffff, v9;
	s0 =	sadd.s32 $0x200, s0;
	s8 =	smov.u32 s9;
	s7 =	sadd.s32 $0x2, s9  }
0x23c: {  	p1 =	sne.s32 s9, $0x1E;
	v8 =	vld.idx.msk [tilespmem:v7+s24+$0x0], $0xffff;
	_ =	sdelay $0x2  }
0x23d: {  	v7 =	vld [tilespmem:s31+$0x0];
	_ =	sdelay $0x2  }
0x23e: {  	v20 =	vshll.u32 v8, $0x6  }
0x23f: {  	v9 =	vbroadcast v20, $0x0;
	v21 =	vbroadcast v20, $0x1;
	(v2sf) =	vpush v20, $0xF  }
0x240: {  	v22 =	vbroadcast v20, $0x2;
	v23 =	vbroadcast v20, $0x3;
	[tilespmem:v8+s28+$0x0] =	vst.idx.add.f32.msk $0xffff, v7  }
0x241: {  	v24 =	vbroadcast v20, $0x4;
	v25 =	vbroadcast v20, $0x5;
	v15 =	vld [tilespmem:s0+$0xFFFFFF00]  }
0x242: {  	v26 =	vbroadcast v20, $0x6;
	v19 =	vbroadcast v20, $0x7;
	v16 =	vld [tilespmem:s0+$0xFFFFFF10]  }
0x243: {  	v14 =	vbroadcast v20, $0x8;
	v13 =	vbroadcast v20, $0x9;
	v27 =	vor.u32 v0, v9;
	v17 =	vld [tilespmem:s0+$0xFFFFFF80]  }
0x244: {  	v12 =	vbroadcast v20, $0xA;
	v28 =	vbroadcast v7, $0x0;
	v29 =	vor.u32 v3, v9;
	v18 =	vld [tilespmem:s0+$0xFFFFFF90]  }
0x245: {  	v11 =	vbroadcast v20, $0xB;
	v10 =	vbroadcast v20, $0xC;
	v30 =	vor.u32 v4, v9  }
0x246: {  	v32 =	vor.u32 v5, v9;
	v9 =	vbroadcast v20, $0xD;
	v31 =	vmul.f32 v15, v28  }
0x247: {  	v34 =	vor.u32 v0, v21;
	v8 =	vbroadcast v20, $0xE;
	v33 =	vmul.f32 v16, v28  }
0x248: {  	[tilespmem:v27+s3+$0x0] =	vst.idx.add.f32.msk $0xffff, v31;
	v20 =	vmul.f32 v17, v28;
	v27 =	vbroadcast v7, $0x1;
	v31 =	vor.u32 v3, v21  }
0x249: {  	[tilespmem:v29+s3+$0x0] =	vst.idx.add.f32.msk $0xffff, v33;
	v28 =	vmul.f32 v18, v28;
	v29 =	vor.u32 v4, v21  }
0x24a: {  	v21 =	vor.u32 v5, v21;
	[tilespmem:v30+s3+$0x0] =	vst.idx.add.f32.msk $0xffff, v20;
	v20 =	vmul.f32 v15, v27  }
0x24b: {  	v30 =	vor.u32 v0, v22;
	[tilespmem:v32+s3+$0x0] =	vst.idx.add.f32.msk $0xffff, v28;
	v28 =	vmul.f32 v16, v27  }
0x24c: {  	v33 =	vor.u32 v3, v22;
	v32 =	vbroadcast v7, $0x2;
	[tilespmem:v34+s3+$0x0] =	vst.idx.add.f32.msk $0xffff, v20;
	v20 =	vmul.f32 v17, v27  }
0x24d: {  	v27 =	vmul.f32 v18, v27;
	[tilespmem:v31+s3+$0x0] =	vst.idx.add.f32.msk $0xffff, v28;
	v28 =	vor.u32 v4, v22  }
0x24e: {  	v22 =	vor.u32 v5, v22;
	[tilespmem:v29+s3+$0x0] =	vst.idx.add.f32.msk $0xffff, v20;
	v20 =	vmul.f32 v15, v32;
	s9 =	spop (v2sf)  }
0x24f: {  	[tilespmem:v21+s3+$0x0] =	vst.idx.add.f32.msk $0xffff, v27;
	v21 =	vmul.f32 v16, v32;
	v27 =	vor.u32 v0, v23  }
0x250: {  	v29 =	vbroadcast v7, $0x3;
	[tilespmem:v30+s3+$0x0] =	vst.idx.add.f32.msk $0xffff, v20;
	v20 =	vmul.f32 v17, v32;
	v30 =	vor.u32 v3, v23  }
0x251: {  	v31 =	vor.u32 v4, v23;
	[tilespmem:v33+s3+$0x0] =	vst.idx.add.f32.msk $0xffff, v21;
	v21 =	vmul.f32 v18, v32  }
0x252: {  	v23 =	vor.u32 v5, v23;
	[tilespmem:v28+s3+$0x0] =	vst.idx.add.f32.msk $0xffff, v20;
	v20 =	vmul.f32 v15, v29  }
0x253: {  	[tilespmem:v22+s3+$0x0] =	vst.idx.add.f32.msk $0xffff, v21;
	v21 =	vmul.f32 v16, v29;
	v22 =	vor.u32 v0, v24  }
0x254: {  	v28 =	vor.u32 v3, v24;
	[tilespmem:v27+s3+$0x0] =	vst.idx.add.f32.msk $0xffff, v20;
	v20 =	vmul.f32 v17, v29;
	v27 =	vbroadcast v7, $0x4  }
0x255: {  	[tilespmem:v30+s3+$0x0] =	vst.idx.add.f32.msk $0xffff, v21;
	v21 =	vmul.f32 v18, v29;
	v29 =	vor.u32 v4, v24  }
0x256: {  	v24 =	vor.u32 v5, v24;
	[tilespmem:v31+s3+$0x0] =	vst.idx.add.f32.msk $0xffff, v20;
	v20 =	vmul.f32 v15, v27  }
0x257: {  	[tilespmem:v23+s3+$0x0] =	vst.idx.add.f32.msk $0xffff, v21;
	v21 =	vmul.f32 v16, v27;
	v23 =	vor.u32 v0, v25  }
0x258: {  	v30 =	vor.u32 v3, v25;
	[tilespmem:v22+s3+$0x0] =	vst.idx.add.f32.msk $0xffff, v20;
	v20 =	vmul.f32 v17, v27;
	v22 =	vbroadcast v7, $0x5  }
0x259: {  	[tilespmem:v28+s3+$0x0] =	vst.idx.add.f32.msk $0xffff, v21;
	v21 =	vmul.f32 v18, v27;
	v27 =	vor.u32 v4, v25  }
0x25a: {  	v25 =	vor.u32 v5, v25;
	[tilespmem:v29+s3+$0x0] =	vst.idx.add.f32.msk $0xffff, v20;
	v20 =	vmul.f32 v15, v22  }
0x25b: {  	[tilespmem:v24+s3+$0x0] =	vst.idx.add.f32.msk $0xffff, v21;
	v21 =	vmul.f32 v16, v22;
	v24 =	vor.u32 v0, v26  }
0x25c: {  	v28 =	vor.u32 v3, v26;
	[tilespmem:v23+s3+$0x0] =	vst.idx.add.f32.msk $0xffff, v20;
	v20 =	vmul.f32 v17, v22;
	v23 =	vbroadcast v7, $0x6  }
0x25d: {  	[tilespmem:v30+s3+$0x0] =	vst.idx.add.f32.msk $0xffff, v21;
	v21 =	vmul.f32 v18, v22;
	v22 =	vor.u32 v4, v26  }
0x25e: {  	v26 =	vor.u32 v5, v26;
	[tilespmem:v27+s3+$0x0] =	vst.idx.add.f32.msk $0xffff, v20;
	v20 =	vmul.f32 v15, v23  }
0x25f: {  	[tilespmem:v25+s3+$0x0] =	vst.idx.add.f32.msk $0xffff, v21;
	v21 =	vmul.f32 v16, v23;
	v25 =	vor.u32 v0, v19  }
0x260: {  	v27 =	vor.u32 v3, v19;
	[tilespmem:v24+s3+$0x0] =	vst.idx.add.f32.msk $0xffff, v20;
	v20 =	vmul.f32 v17, v23;
	v24 =	vbroadcast v7, $0x7  }
0x261: {  	[tilespmem:v28+s3+$0x0] =	vst.idx.add.f32.msk $0xffff, v21;
	v21 =	vmul.f32 v18, v23;
	v23 =	vor.u32 v4, v19  }
0x262: {  	v19 =	vor.u32 v5, v19;
	[tilespmem:v22+s3+$0x0] =	vst.idx.add.f32.msk $0xffff, v20;
	v15 =	vmul.f32 v15, v24  }
0x263: {  	v16 =	vmul.f32 v16, v24;
	[tilespmem:v26+s3+$0x0] =	vst.idx.add.f32.msk $0xffff, v21  }
0x264: {  	[tilespmem:v25+s3+$0x0] =	vst.idx.add.f32.msk $0xffff, v15;
	v15 =	vmul.f32 v17, v24  }
0x265: {  	[tilespmem:v27+s3+$0x0] =	vst.idx.add.f32.msk $0xffff, v16;
	v16 =	vmul.f32 v18, v24  }
0x266: {  	[tilespmem:v23+s3+$0x0] =	vst.idx.add.f32.msk $0xffff, v15  }
0x267: {  	[tilespmem:v19+s3+$0x0] =	vst.idx.add.f32.msk $0xffff, v16  }
0x268: {  	v18 =	vld [tilespmem:s0+$0x0]  }
0x269: {  	v17 =	vld [tilespmem:s0+$0x10]  }
0x26a: {  	v19 =	vor.u32 v0, v14;
	v15 =	vld [tilespmem:s0+$0x80]  }
0x26b: {  	v20 =	vbroadcast v7, $0x8;
	v21 =	vor.u32 v3, v14;
	v16 =	vld [tilespmem:s0+$0x90]  }
0x26c: {  	v22 =	vor.u32 v4, v14  }
0x26d: {  	v14 =	vor.u32 v5, v14;
	v23 =	vmul.f32 v18, v20  }
0x26e: {  	v25 =	vor.u32 v0, v13;
	v24 =	vmul.f32 v17, v20  }
0x26f: {  	v26 =	vor.u32 v3, v13;
	[tilespmem:v19+s3+$0x0] =	vst.idx.add.f32.msk $0xffff, v23;
	v19 =	vmul.f32 v15, v20;
	v23 =	vbroadcast v7, $0x9  }
0x270: {  	[tilespmem:v21+s3+$0x0] =	vst.idx.add.f32.msk $0xffff, v24;
	v20 =	vmul.f32 v16, v20;
	v21 =	vor.u32 v4, v13  }
0x271: {  	v13 =	vor.u32 v5, v13;
	[tilespmem:v22+s3+$0x0] =	vst.idx.add.f32.msk $0xffff, v19;
	v19 =	vmul.f32 v18, v23  }
0x272: {  	[tilespmem:v14+s3+$0x0] =	vst.idx.add.f32.msk $0xffff, v20;
	v14 =	vmul.f32 v17, v23;
	v20 =	vor.u32 v0, v12  }
0x273: {  	v24 =	vor.u32 v3, v12;
	v22 =	vbroadcast v7, $0xA;
	[tilespmem:v25+s3+$0x0] =	vst.idx.add.f32.msk $0xffff, v19;
	v19 =	vmul.f32 v15, v23  }
0x274: {  	[tilespmem:v26+s3+$0x0] =	vst.idx.add.f32.msk $0xffff, v14;
	v14 =	vmul.f32 v16, v23;
	v23 =	vor.u32 v4, v12  }
0x275: {  	v12 =	vor.u32 v5, v12;
	[tilespmem:v21+s3+$0x0] =	vst.idx.add.f32.msk $0xffff, v19;
	v19 =	vmul.f32 v18, v22  }
0x276: {  	[tilespmem:v13+s3+$0x0] =	vst.idx.add.f32.msk $0xffff, v14;
	v13 =	vmul.f32 v17, v22;
	v14 =	vor.u32 v0, v11  }
0x277: {  	v21 =	vor.u32 v3, v11;
	[tilespmem:v20+s3+$0x0] =	vst.idx.add.f32.msk $0xffff, v19;
	v19 =	vmul.f32 v15, v22;
	v20 =	vbroadcast v7, $0xB  }
0x278: {  	[tilespmem:v24+s3+$0x0] =	vst.idx.add.f32.msk $0xffff, v13;
	v13 =	vmul.f32 v16, v22;
	v22 =	vor.u32 v4, v11  }
0x279: {  	v11 =	vor.u32 v5, v11;
	[tilespmem:v23+s3+$0x0] =	vst.idx.add.f32.msk $0xffff, v19;
	v19 =	vmul.f32 v18, v20  }
0x27a: {  	[tilespmem:v12+s3+$0x0] =	vst.idx.add.f32.msk $0xffff, v13;
	v12 =	vmul.f32 v17, v20;
	v13 =	vor.u32 v0, v10  }
0x27b: {  	v23 =	vor.u32 v3, v10;
	[tilespmem:v14+s3+$0x0] =	vst.idx.add.f32.msk $0xffff, v19;
	v14 =	vmul.f32 v15, v20;
	v19 =	vbroadcast v7, $0xC  }
0x27c: {  	[tilespmem:v21+s3+$0x0] =	vst.idx.add.f32.msk $0xffff, v12;
	v12 =	vmul.f32 v16, v20;
	v20 =	vor.u32 v4, v10  }
0x27d: {  	v10 =	vor.u32 v5, v10;
	[tilespmem:v22+s3+$0x0] =	vst.idx.add.f32.msk $0xffff, v14;
	v14 =	vmul.f32 v18, v19  }
0x27e: {  	[tilespmem:v11+s3+$0x0] =	vst.idx.add.f32.msk $0xffff, v12;
	v11 =	vmul.f32 v17, v19;
	v12 =	vor.u32 v0, v9  }
0x27f: {  	v21 =	vor.u32 v3, v9;
	[tilespmem:v13+s3+$0x0] =	vst.idx.add.f32.msk $0xffff, v14;
	v13 =	vmul.f32 v15, v19;
	v14 =	vbroadcast v7, $0xD  }
0x280: {  	[tilespmem:v23+s3+$0x0] =	vst.idx.add.f32.msk $0xffff, v11;
	v11 =	vmul.f32 v16, v19;
	v19 =	vor.u32 v4, v9  }
0x281: {  	v9 =	vor.u32 v5, v9;
	[tilespmem:v20+s3+$0x0] =	vst.idx.add.f32.msk $0xffff, v13;
	v13 =	vmul.f32 v18, v14  }
0x282: {  	[tilespmem:v10+s3+$0x0] =	vst.idx.add.f32.msk $0xffff, v11;
	v10 =	vmul.f32 v17, v14;
	v11 =	vor.u32 v0, v8  }
0x283: {  	v20 =	vor.u32 v3, v8;
	[tilespmem:v12+s3+$0x0] =	vst.idx.add.f32.msk $0xffff, v13;
	v12 =	vmul.f32 v15, v14;
	v13 =	vbroadcast v7, $0xE  }
0x284: {  	[tilespmem:v21+s3+$0x0] =	vst.idx.add.f32.msk $0xffff, v10;
	v10 =	vmul.f32 v16, v14;
	v14 =	vor.u32 v4, v8  }
0x285: {  	[tilespmem:v19+s3+$0x0] =	vst.idx.add.f32.msk $0xffff, v12;
	v12 =	vmul.f32 v18, v13;
	v19 =	vor.u32 v5, v8  }
0x286: {  	v8 =	vmul.f32 v17, v13;
	[tilespmem:v9+s3+$0x0] =	vst.idx.add.f32.msk $0xffff, v10;
	v9 =	vor.u32 s9, v0;
	v10 =	vbroadcast v7, $0xF  }
0x287: {  	v7 =	vmov s8;
	[tilespmem:v11+s3+$0x0] =	vst.idx.add.f32.msk $0xffff, v12;
	v11 =	vmul.f32 v15, v13;
	v12 =	vor.u32 s9, v3  }
0x288: {  	v7 =	vshll.u32 v7, $0x7;
	v13 =	vmul.f32 v16, v13;
	[tilespmem:v20+s3+$0x0] =	vst.idx.add.f32.msk $0xffff, v8;
	v20 =	vor.u32 s9, v4  }
.Ltmp5:
0x289: {  	v7 =	vor.u32 v1, v7;
	v8 =	vor.u32 s9, v5;
	[tilespmem:v14+s3+$0x0] =	vst.idx.add.f32.msk $0xffff, v11;
	v11 =	vmul.f32 v18, v10;
	(pc) =	sbr.rel @p1 .LBB2_9-.Ltmp5, $4  }
0x28a: {  	v7 =	vor.u32 v2, v7;
	[tilespmem:v19+s3+$0x0] =	vst.idx.add.f32.msk $0xffff, v13;
	v13 =	vmul.f32 v17, v10  }
0x28b: {  	[tilespmem:v9+s3+$0x0] =	vst.idx.add.f32.msk $0xffff, v11;
	v11 =	vmul.f32 v15, v10  }
0x28c: {  	v9 =	vmul.f32 v16, v10;
	[tilespmem:v12+s3+$0x0] =	vst.idx.add.f32.msk $0xffff, v13  }
0x28d: {  	s9 =	smov.u32 s7;
	[tilespmem:v20+s3+$0x0] =	vst.idx.add.f32.msk $0xffff, v11  }
0x28e: {  	_ =	sdelay $0x3  }
0x28f: {  	[tilespmem:v8+s3+$0x0] =	vst.idx.add.f32.msk $0xffff, v9  }
0x290: {  	v9 =	vld.idx.msk [tilespmem:v7+s24+$0x0], $0xffff;
	_ =	sdelay $0x1  }
0x291: {  	s7 =	sadd.s32 $0x10, s31  }
0x292: {  	v7 =	vld [tilespmem:s7+$0x0];
	_ =	sdelay $0x4  }
0x293: {  	s0 =	sadd.s32 $0x200, s0;
	v8 =	vshll.u32 v9, $0x6;
	[tilespmem:v9+s28+$0x0] =	vst.idx.add.f32.msk $0xffff, v7  }
0x294: {  	v48 =	vbroadcast v8, $0x0;
	v10 =	vld [tilespmem:s0+$0xFFFFFF00]  }
0x295: {  	v11 =	vld [tilespmem:s0+$0xFFFFFF10]  }
0x296: {  	v13 =	vor.u32 v0, v48;
	v12 =	vld [tilespmem:s0+$0xFFFFFF80]  }
0x297: {  	v15 =	vbroadcast v7, $0x0;
	v16 =	vor.u32 v3, v48;
	v14 =	vld [tilespmem:s0+$0xFFFFFF90]  }
0x298: {  	v17 =	vbroadcast v8, $0x1;
	v18 =	vor.u32 v4, v48  }
0x299: {  	v9 =	vor.u32 v5, v48;
	v19 =	vmul.f32 v10, v15  }
0x29a: {  	v21 =	vor.u32 v0, v17;
	v20 =	vmul.f32 v11, v15  }
0x29b: {  	v50 =	vbroadcast v7, $0x1;
	v22 =	vor.u32 v3, v17;
	v49 =	vmul.f32 v12, v15;
	[tilespmem:v13+s3+$0x0] =	vst.idx.add.f32.msk $0xffff, v19  }
0x29c: {  	v23 =	vbroadcast v8, $0x2;
	v51 =	vor.u32 v4, v17;
	v15 =	vmul.f32 v14, v15;
	[tilespmem:v16+s3+$0x0] =	vst.idx.add.f32.msk $0xffff, v20  }
0x29d: {  	v17 =	vor.u32 v5, v17;
	v52 =	vmul.f32 v10, v50;
	[tilespmem:v18+s3+$0x0] =	vst.idx.add.f32.msk $0xffff, v49  }
0x29e: {  	v54 =	vor.u32 v0, v23;
	v53 =	vmul.f32 v11, v50;
	[tilespmem:v9+s3+$0x0] =	vst.idx.add.f32.msk $0xffff, v15  }
0x29f: {  	v56 =	vbroadcast v7, $0x2;
	v57 =	vor.u32 v3, v23;
	v55 =	vmul.f32 v12, v50;
	[tilespmem:v21+s3+$0x0] =	vst.idx.add.f32.msk $0xffff, v52  }
0x2a0: {  	v58 =	vbroadcast v8, $0x3;
	v60 =	vor.u32 v4, v23;
	v59 =	vmul.f32 v14, v50;
	[tilespmem:v22+s3+$0x0] =	vst.idx.add.f32.msk $0xffff, v53  }
0x2a1: {  	v62 =	vor.u32 v5, v23;
	v61 =	vmul.f32 v10, v56;
	[tilespmem:v51+s3+$0x0] =	vst.idx.add.f32.msk $0xffff, v55  }
0x2a2: {  	v24 =	vor.u32 v0, v58;
	v63 =	vmul.f32 v11, v56;
	[tilespmem:v17+s3+$0x0] =	vst.idx.add.f32.msk $0xffff, v59  }
0x2a3: {  	v26 =	vbroadcast v7, $0x3;
	v27 =	vor.u32 v3, v58;
	v25 =	vmul.f32 v12, v56;
	[tilespmem:v54+s3+$0x0] =	vst.idx.add.f32.msk $0xffff, v61  }
0x2a4: {  	v28 =	vbroadcast v8, $0x4;
	v30 =	vor.u32 v4, v58;
	v29 =	vmul.f32 v14, v56;
	[tilespmem:v57+s3+$0x0] =	vst.idx.add.f32.msk $0xffff, v63  }
0x2a5: {  	v32 =	vor.u32 v5, v58;
	v31 =	vmul.f32 v10, v26;
	[tilespmem:v60+s3+$0x0] =	vst.idx.add.f32.msk $0xffff, v25  }
0x2a6: {  	v34 =	vor.u32 v0, v28;
	v33 =	vmul.f32 v11, v26;
	[tilespmem:v62+s3+$0x0] =	vst.idx.add.f32.msk $0xffff, v29  }
0x2a7: {  	v36 =	vbroadcast v7, $0x4;
	v37 =	vor.u32 v3, v28;
	v35 =	vmul.f32 v12, v26;
	[tilespmem:v24+s3+$0x0] =	vst.idx.add.f32.msk $0xffff, v31  }
0x2a8: {  	v38 =	vbroadcast v8, $0x5;
	v40 =	vor.u32 v4, v28;
	v39 =	vmul.f32 v14, v26;
	[tilespmem:v27+s3+$0x0] =	vst.idx.add.f32.msk $0xffff, v33  }
0x2a9: {  	v42 =	vor.u32 v5, v28;
	v41 =	vmul.f32 v10, v36;
	[tilespmem:v30+s3+$0x0] =	vst.idx.add.f32.msk $0xffff, v35  }
0x2aa: {  	v44 =	vor.u32 v0, v38;
	v43 =	vmul.f32 v11, v36;
	[tilespmem:v32+s3+$0x0] =	vst.idx.add.f32.msk $0xffff, v39  }
0x2ab: {  	v46 =	vbroadcast v7, $0x5;
	v47 =	vor.u32 v3, v38;
	v45 =	vmul.f32 v12, v36;
	[tilespmem:v34+s3+$0x0] =	vst.idx.add.f32.msk $0xffff, v41  }
0x2ac: {  	v48 =	vbroadcast v8, $0x6;
	v50 =	vor.u32 v4, v38;
	v49 =	vmul.f32 v14, v36;
	[tilespmem:v37+s3+$0x0] =	vst.idx.add.f32.msk $0xffff, v43  }
0x2ad: {  	v52 =	vor.u32 v5, v38;
	v51 =	vmul.f32 v10, v46;
	[tilespmem:v40+s3+$0x0] =	vst.idx.add.f32.msk $0xffff, v45  }
0x2ae: {  	v53 =	vmul.f32 v11, v46;
	v54 =	vor.u32 v0, v48;
	[tilespmem:v42+s3+$0x0] =	vst.idx.add.f32.msk $0xffff, v49  }
0x2af: {  	v56 =	vbroadcast v7, $0x6;
	v55 =	vmul.f32 v12, v46;
	v57 =	vor.u32 v3, v48;
	[tilespmem:v44+s3+$0x0] =	vst.idx.add.f32.msk $0xffff, v51  }
0x2b0: {  	v58 =	vbroadcast v8, $0x7;
	v59 =	vmul.f32 v14, v46;
	v60 =	vor.u32 v4, v48;
	[tilespmem:v47+s3+$0x0] =	vst.idx.add.f32.msk $0xffff, v53  }
0x2b1: {  	v61 =	vmul.f32 v10, v56;
	v62 =	vor.u32 v5, v48;
	[tilespmem:v50+s3+$0x0] =	vst.idx.add.f32.msk $0xffff, v55  }
0x2b2: {  	v63 =	vmul.f32 v11, v56;
	v24 =	vor.u32 v0, v58;
	[tilespmem:v52+s3+$0x0] =	vst.idx.add.f32.msk $0xffff, v59  }
0x2b3: {  	v26 =	vbroadcast v7, $0x7;
	v25 =	vmul.f32 v12, v56;
	v27 =	vor.u32 v3, v58;
	[tilespmem:v54+s3+$0x0] =	vst.idx.add.f32.msk $0xffff, v61  }
0x2b4: {  	v28 =	vmul.f32 v14, v56;
	v29 =	vor.u32 v4, v58;
	[tilespmem:v57+s3+$0x0] =	vst.idx.add.f32.msk $0xffff, v63  }
0x2b5: {  	v10 =	vmul.f32 v10, v26;
	v30 =	vor.u32 v5, v58;
	[tilespmem:v60+s3+$0x0] =	vst.idx.add.f32.msk $0xffff, v25  }
0x2b6: {  	v31 =	vmul.f32 v11, v26;
	[tilespmem:v62+s3+$0x0] =	vst.idx.add.f32.msk $0xffff, v28  }
0x2b7: {  	v32 =	vmul.f32 v12, v26;
	[tilespmem:v24+s3+$0x0] =	vst.idx.add.f32.msk $0xffff, v10  }
0x2b8: {  	v33 =	vmul.f32 v14, v26;
	[tilespmem:v27+s3+$0x0] =	vst.idx.add.f32.msk $0xffff, v31  }
0x2b9: {  	[tilespmem:v29+s3+$0x0] =	vst.idx.add.f32.msk $0xffff, v32  }
0x2ba: {  	[tilespmem:v30+s3+$0x0] =	vst.idx.add.f32.msk $0xffff, v33  }
0x2bb: {  	v34 =	vbroadcast v8, $0x8;
	v10 =	vld [tilespmem:s0+$0x0]  }
0x2bc: {  	v11 =	vld [tilespmem:s0+$0x10]  }
0x2bd: {  	v35 =	vor.u32 v0, v34;
	v12 =	vld [tilespmem:s0+$0x80]  }
0x2be: {  	v36 =	vbroadcast v7, $0x8;
	v37 =	vor.u32 v3, v34;
	v14 =	vld [tilespmem:s0+$0x90]  }
0x2bf: {  	v38 =	vbroadcast v8, $0x9;
	v39 =	vor.u32 v4, v34  }
0x2c0: {  	v9 =	vor.u32 v5, v34;
	v40 =	vmul.f32 v10, v36  }
0x2c1: {  	v42 =	vor.u32 v0, v38;
	v41 =	vmul.f32 v11, v36  }
0x2c2: {  	v45 =	vor.u32 v3, v38;
	v44 =	vbroadcast v7, $0x9;
	v43 =	vmul.f32 v12, v36;
	[tilespmem:v35+s3+$0x0] =	vst.idx.add.f32.msk $0xffff, v40  }
0x2c3: {  	v46 =	vbroadcast v8, $0xA;
	v47 =	vor.u32 v4, v38;
	v15 =	vmul.f32 v14, v36;
	[tilespmem:v37+s3+$0x0] =	vst.idx.add.f32.msk $0xffff, v41  }
0x2c4: {  	v17 =	vor.u32 v5, v38;
	v48 =	vmul.f32 v10, v44;
	[tilespmem:v39+s3+$0x0] =	vst.idx.add.f32.msk $0xffff, v43  }
0x2c5: {  	v50 =	vor.u32 v0, v46;
	v49 =	vmul.f32 v11, v44;
	[tilespmem:v9+s3+$0x0] =	vst.idx.add.f32.msk $0xffff, v15  }
0x2c6: {  	v53 =	vor.u32 v3, v46;
	v52 =	vbroadcast v7, $0xA;
	v51 =	vmul.f32 v12, v44;
	[tilespmem:v42+s3+$0x0] =	vst.idx.add.f32.msk $0xffff, v48  }
0x2c7: {  	v56 =	vor.u32 v4, v46;
	v54 =	vbroadcast v8, $0xB;
	v55 =	vmul.f32 v14, v44;
	[tilespmem:v45+s3+$0x0] =	vst.idx.add.f32.msk $0xffff, v49  }
0x2c8: {  	v58 =	vor.u32 v5, v46;
	v57 =	vmul.f32 v10, v52;
	[tilespmem:v47+s3+$0x0] =	vst.idx.add.f32.msk $0xffff, v51  }
0x2c9: {  	(v2sf) =	vpush v8, $0xF;
	v60 =	vor.u32 v0, v54;
	v59 =	vmul.f32 v11, v52;
	[tilespmem:v17+s3+$0x0] =	vst.idx.add.f32.msk $0xffff, v55  }
0x2ca: {  	v63 =	vor.u32 v3, v54;
	v62 =	vbroadcast v7, $0xB;
	v61 =	vmul.f32 v12, v52;
	[tilespmem:v50+s3+$0x0] =	vst.idx.add.f32.msk $0xffff, v57  }
0x2cb: {  	v26 =	vor.u32 v4, v54;
	v24 =	vbroadcast v8, $0xC;
	v25 =	vmul.f32 v14, v52;
	[tilespmem:v53+s3+$0x0] =	vst.idx.add.f32.msk $0xffff, v59  }
0x2cc: {  	v28 =	vor.u32 v5, v54;
	v27 =	vmul.f32 v10, v62;
	[tilespmem:v56+s3+$0x0] =	vst.idx.add.f32.msk $0xffff, v61  }
0x2cd: {  	v30 =	vor.u32 v0, v24;
	v29 =	vmul.f32 v11, v62;
	[tilespmem:v58+s3+$0x0] =	vst.idx.add.f32.msk $0xffff, v25  }
0x2ce: {  	v32 =	vbroadcast v7, $0xC;
	v33 =	vor.u32 v3, v24;
	v31 =	vmul.f32 v12, v62;
	[tilespmem:v60+s3+$0x0] =	vst.idx.add.f32.msk $0xffff, v27  }
0x2cf: {  	v34 =	vbroadcast v8, $0xD;
	v36 =	vor.u32 v4, v24;
	v35 =	vmul.f32 v14, v62;
	[tilespmem:v63+s3+$0x0] =	vst.idx.add.f32.msk $0xffff, v29  }
0x2d0: {  	v38 =	vor.u32 v5, v24;
	v37 =	vmul.f32 v10, v32;
	[tilespmem:v26+s3+$0x0] =	vst.idx.add.f32.msk $0xffff, v31  }
0x2d1: {  	v40 =	vor.u32 v0, v34;
	v39 =	vmul.f32 v11, v32;
	[tilespmem:v28+s3+$0x0] =	vst.idx.add.f32.msk $0xffff, v35  }
0x2d2: {  	v41 =	vmul.f32 v12, v32;
	v43 =	vor.u32 v3, v34;
	v42 =	vbroadcast v7, $0xD;
	[tilespmem:v30+s3+$0x0] =	vst.idx.add.f32.msk $0xffff, v37  }
0x2d3: {  	v8 =	vbroadcast v8, $0xE;
	v44 =	vmul.f32 v14, v32;
	v45 =	vor.u32 v4, v34;
	[tilespmem:v33+s3+$0x0] =	vst.idx.add.f32.msk $0xffff, v39  }
0x2d4: {  	v46 =	vmul.f32 v10, v42;
	v47 =	vor.u32 v5, v34;
	[tilespmem:v36+s3+$0x0] =	vst.idx.add.f32.msk $0xffff, v41  }
0x2d5: {  	v49 =	vor.u32 v0, v8;
	v48 =	vmul.f32 v11, v42;
	[tilespmem:v38+s3+$0x0] =	vst.idx.add.f32.msk $0xffff, v44  }
0x2d6: {  	v52 =	vor.u32 v3, v8;
	v51 =	vbroadcast v7, $0xE;
	v50 =	vmul.f32 v12, v42;
	[tilespmem:v40+s3+$0x0] =	vst.idx.add.f32.msk $0xffff, v46  }
0x2d7: {  	v54 =	vor.u32 v4, v8;
	v53 =	vmul.f32 v14, v42;
	[tilespmem:v43+s3+$0x0] =	vst.idx.add.f32.msk $0xffff, v48  }
0x2d8: {  	s31 =	spop (v2sf);
	v8 =	vor.u32 v5, v8;
	v55 =	vmul.f32 v10, v51;
	[tilespmem:v45+s3+$0x0] =	vst.idx.add.f32.msk $0xffff, v50  }
0x2d9: {  	v57 =	vor.u32 s31, v0;
	v56 =	vmul.f32 v11, v51;
	[tilespmem:v47+s3+$0x0] =	vst.idx.add.f32.msk $0xffff, v53  }
0x2da: {  	v7 =	vbroadcast v7, $0xF;
	v59 =	vor.u32 s31, v3;
	v58 =	vmul.f32 v12, v51;
	[tilespmem:v49+s3+$0x0] =	vst.idx.add.f32.msk $0xffff, v55  }
0x2db: {  	v61 =	vor.u32 s31, v4;
	v60 =	vmul.f32 v14, v51;
	[tilespmem:v52+s3+$0x0] =	vst.idx.add.f32.msk $0xffff, v56  }
0x2dc: {  	v62 =	vor.u32 s31, v5;
	v10 =	vmul.f32 v10, v7;
	[tilespmem:v54+s3+$0x0] =	vst.idx.add.f32.msk $0xffff, v58  }
.Ltmp6:
0x2dd: {  	[tilespmem:v8+s3+$0x0] =	vst.idx.add.f32.msk $0xffff, v60;
	v8 =	vmul.f32 v11, v7;
	(pc) =	sbr.rel @p0 .LBB2_12-.Ltmp6, $4  }
0x2de: {  	v63 =	vmul.f32 v12, v7;
	[tilespmem:v57+s3+$0x0] =	vst.idx.add.f32.msk $0xffff, v10  }
0x2df: {  	v7 =	vmul.f32 v14, v7;
	[tilespmem:v59+s3+$0x0] =	vst.idx.add.f32.msk $0xffff, v8  }
0x2e0: {  	[tilespmem:v61+s3+$0x0] =	vst.idx.add.f32.msk $0xffff, v63  }
0x2e1: {  	[tilespmem:v62+s3+$0x0] =	vst.idx.add.f32.msk $0xffff, v7  }
0x2e2: {  	s0 =	sadd.s32 s30, s14  }
0x2e3: {  	s7 =	sshll.u32 s0, $0x5  }
0x2e4: {  	s7 =	sand.u32 $0x1FFFFC00, s7  }
0x2e5: {  	s7 =	sadd.s32 s4, s7  }
0x2e6: {  	[tilespmem:s22], [sflag:$0x2] =	stream.linear.gather [hbm4b:s7+s3], $0x2000, $0x38;
	[tilespmem:$0x10380] =	vst v63  }
.Ltmp7:
0x2e7: {  	s0 =	sshll.u32 s0, $0x4;
	(pc) =	sbr.rel .LBB2_2-.Ltmp7, $4  }
0x2e8: {  	s31 =	sadd.s32 s5, s0  }
0x2e9: {  	[tilespmem:s23], [sflag:$0x2] =	stream.linear.gather [hbm4b:s31+s3], $0x1000, $0x38;
	[tilespmem:$0x10380] =	vst v63  }
0x2ea: {  	s19 =	sadd.s32 $0x1, s19;
	s0 =	sadd.s32 s6, s0  }
0x2eb: {  	[tilespmem:s24], [sflag:$0x2] =	stream.linear.gather [hbm4b:s0+s3], $0x1000, $0x38;
	[tilespmem:$0x10380] =	vst v63  }
.LBB2_13:
0x2ec: {  	_ =	sfence.sel $0x180000  }
0x2ed: {  	[bflag:$0x0] =	sbarrier.arrive $0xFFFF  }
0x2ee: {  	_ =	strace $0x9000004A  }
0x2ef: {  	s0 =	stileid.u32;
	[bflag:$0x2] =	sbarrier.arrive $0xFFFF  }
0x2f0: {  	p0 =	sne.s32 s0, $0x0;
	s0 =	rddreg [dreg:$0x2]  }
0x2f1: {  	s0 =	sadd.s32 @!p0 $0x100000, s0  }
0x2f2: {  	[sflag:s0] =	ssyncadd.tile.s32 @!p0 $0x1;
	_ =	shalt  }
.Lfunc_end2:
_tile_overlayer_lowered:
.L_overlay_start_2:
0x2f3: {  	(tag) =	ssettag $0x2  }
0x2f4: {  	s0 =	rddreg [dreg:$0x0];
	s2 =	stileid.u32  }
0x2f5: {  	s1 =	rddreg [dreg:$0x1];
	p0 =	sne.s32 s2, $0x0  }
0x2f6: {  	s3 =	rddreg [dreg:$0x2];
	[bflag:$0x3] =	sbarrier.arrive $0xFFFF;
	s2 =	simm.s32 @!p0 $0x1C05  }
0x2f7: {  	[timem:s3], [sflag:s2] =	dma.local @!p0 [hbm:s0], s1  }
0x2f8: {  	s0 =	simm.s32 @!p0 $0x5  }
0x2f9: {  	_ =	swait.ge @!p0 [sflag:s0], s1  }
0x2fa: {  	s1 =	ssub.s32 @!p0 $0x0, s1;
	[sflag:s0] =	ssyncset.done @!p0 $0x0  }
0x2fb: {  	[sflag:s0] =	ssyncadd.s32 @!p0 s1  }
0x2fc: {  	[bflag:$0x3] =	sbarrier.arrive $0xFFFF  }
0x2fd: {  	_ =	shalt  }

</sc_bundles>
